<compile_context>
chip_gen: v7x
topology: tpu7x:2x2x1
jax: 0.10.2.dev20260603
libtpu: 0.0.44.dev20260713+nightly
codegen_flags: <defaults>
</compile_context>

<pallas_src>
import jax
import jax.numpy as jnp
from jax import lax
from jax.experimental import pallas as pl
from jax.experimental.pallas import tpu as pltpu
from jax.experimental.pallas import tpu_sc as plsc

N = 10000
E = 320000
D = 128

NC = 2
NS = 16
NW = NC * NS
CHUNK = 125
E_ROWS = E // CHUNK
N_CHUNKS = E_ROWS // NW
NBUF = 2
N_OUTER = N_CHUNKS // NBUF
SRC_HALF = N_CHUNKS // 2
N_PAD = 10240
ROWS_PER_TILE = N_PAD // NS

ROW_BLK = 1000

_MESH = plsc.VectorSubcoreMesh(core_axis_name="c", subcore_axis_name="s")


def _seg_body(g_hbm, src_hbm, dst_hbm, zrows_hbm, a_out,
              srcv, dstv, r0buf, r1buf, acc, gsem, ssem):
    c = lax.axis_index("c")
    s = lax.axis_index("s")
    wid = c * NS + s
    e0 = wid * N_CHUNKS
    r0 = s * ROWS_PER_TILE
    rows = [r0buf, r1buf]
    pltpu.sync_copy(src_hbm.at[pl.ds(e0, SRC_HALF)], srcv)
    pltpu.sync_copy(dst_hbm.at[pl.ds(e0, SRC_HALF)], dstv)
    pltpu.sync_copy(zrows_hbm, acc.at[pl.ds(r0, ROWS_PER_TILE)])
    plsc.subcore_barrier()

    for b in range(NBUF):
        pltpu.async_copy(g_hbm.at[srcv.at[b]], rows[b], gsem.at[b])

    reload_g = SRC_HALF // NBUF - 1

    def outer(g, carry):
        j0 = g * NBUF
        for b in range(NBUF):
            j = j0 + b
            pltpu.make_async_copy(g_hbm.at[srcv.at[lax.rem(j, SRC_HALF)]],
                                  rows[b], gsem.at[b]).wait()
            pltpu.async_copy(rows[b], acc.at[dstv.at[lax.rem(j, SRC_HALF)]],
                             ssem.at[b], add=True)

        @pl.when(g < N_OUTER - 1)
        def _():
            for b in range(NBUF):
                pltpu.make_async_copy(
                    rows[b], acc.at[dstv.at[lax.rem(j0 + b, SRC_HALF)]],
                    ssem.at[b]).wait()

            @pl.when(g == reload_g)
            def _():
                pltpu.sync_copy(src_hbm.at[pl.ds(e0 + SRC_HALF, SRC_HALF)],
                                srcv)
                pltpu.sync_copy(dst_hbm.at[pl.ds(e0 + SRC_HALF, SRC_HALF)],
                                dstv)

            for b in range(NBUF):
                jj = j0 + b + NBUF
                pltpu.async_copy(g_hbm.at[srcv.at[lax.rem(jj, SRC_HALF)]],
                                 rows[b], gsem.at[b])

        return carry

    lax.fori_loop(0, N_OUTER, outer, 0)
    for b in range(NBUF):
        pltpu.make_async_copy(rows[b], acc.at[dstv.at[0]], ssem.at[b]).wait()
    plsc.subcore_barrier()
    pltpu.sync_copy(acc.at[pl.ds(r0, ROWS_PER_TILE)],
                    a_out.at[c, pl.ds(r0, ROWS_PER_TILE)])


_seg = pl.kernel(
    _seg_body,
    mesh=_MESH,
    out_type=jax.ShapeDtypeStruct((NC, N_PAD, D), jnp.float32),
    scratch_types=[
        pltpu.VMEM((SRC_HALF, CHUNK), jnp.int32),
        pltpu.VMEM((SRC_HALF, CHUNK), jnp.int32),
        pltpu.VMEM((CHUNK, D), jnp.float32),
        pltpu.VMEM((CHUNK, D), jnp.float32),
        pltpu.VMEM_SHARED((N_PAD, D), jnp.float32),
        pltpu.SemaphoreType.DMA((NBUF,)),
        pltpu.SemaphoreType.DMA((NBUF,)),
    ],
)


def _dega_body(dst_hbm, zrows_hbm, ones_hbm, a_out,
               dstv, onesbuf, acc, ssem):
    c = lax.axis_index("c")
    s = lax.axis_index("s")
    wid = c * NS + s
    e0 = wid * N_CHUNKS
    r0 = s * ROWS_PER_TILE
    pltpu.sync_copy(dst_hbm.at[pl.ds(e0, N_CHUNKS)], dstv)
    pltpu.sync_copy(ones_hbm, onesbuf)
    pltpu.sync_copy(zrows_hbm, acc.at[pl.ds(r0, ROWS_PER_TILE)])
    plsc.subcore_barrier()

    DQ = 8
    for b in range(DQ):
        pltpu.async_copy(onesbuf, acc.at[dstv.at[b]], ssem.at[b], add=True)

    def outer(g, carry):
        j0 = g * DQ
        for b in range(DQ):
            j = j0 + b
            pltpu.make_async_copy(onesbuf, acc.at[dstv.at[j]],
                                  ssem.at[b]).wait()

            @pl.when(g < N_CHUNKS // DQ - 1)
            def _():
                pltpu.async_copy(onesbuf, acc.at[dstv.at[j + DQ]],
                                 ssem.at[b], add=True)

        return carry

    lax.fori_loop(0, N_CHUNKS // DQ, outer, 0)
    plsc.subcore_barrier()
    pltpu.sync_copy(acc.at[pl.ds(r0, ROWS_PER_TILE)],
                    a_out.at[c, pl.ds(r0, ROWS_PER_TILE)])


_dega = pl.kernel(
    _dega_body,
    mesh=_MESH,
    out_type=jax.ShapeDtypeStruct((NC, N_PAD, D), jnp.float32),
    scratch_types=[
        pltpu.VMEM((N_CHUNKS, CHUNK), jnp.int32),
        pltpu.VMEM((CHUNK, D), jnp.float32),
        pltpu.VMEM_SHARED((N_PAD, D), jnp.float32),
        pltpu.SemaphoreType.DMA((8,)),
    ],
)


def _project_body(x_ref, w_ref, b_ref, s_ref, g_ref):
    u = jnp.dot(x_ref[...], w_ref[...], preferred_element_type=jnp.float32)
    s_ref[...] = u[:, :D] + b_ref[...]
    g_ref[...] = u[:, D:]


def _combine_project_body(s_ref, a_ref, dega_ref, w_ref, b_ref,
                          s2_ref, g2_ref):
    deg = dega_ref[0, :, 0] + dega_ref[1, :, 0]
    scale = 1.0 / jnp.maximum(deg, 1.0)
    agg = a_ref[0] + a_ref[1]
    h = jnp.maximum(s_ref[...] + agg * scale[:, None], 0.0)
    u = jnp.dot(h, w_ref[...], preferred_element_type=jnp.float32)
    s2_ref[...] = u[:, :D] + b_ref[...]
    g2_ref[...] = u[:, D:]


def _final_body(s_ref, a_ref, dega_ref, o_ref):
    deg = dega_ref[0, :, 0] + dega_ref[1, :, 0]
    scale = 1.0 / jnp.maximum(deg, 1.0)
    o_ref[...] = s_ref[...] + (a_ref[0] + a_ref[1]) * scale[:, None]


_GRID = (N // ROW_BLK,)
_SPEC_ROWS = pl.BlockSpec((ROW_BLK, D), lambda i: (i, 0))
_SPEC_W = pl.BlockSpec((D, 2 * D), lambda i: (0, 0))
_SPEC_B = pl.BlockSpec((1, D), lambda i: (0, 0))
_SPEC_A = pl.BlockSpec((NC, ROW_BLK, D), lambda i: (0, i, 0))
_SPEC_DEG = pl.BlockSpec((NC, ROW_BLK, 8), lambda i: (0, i, 0))

_OUT_SG = [jax.ShapeDtypeStruct((N, D), jnp.float32)] * 2


def _project(h, wa, b):
    return pl.pallas_call(
        _project_body,
        grid=_GRID,
        in_specs=[_SPEC_ROWS, _SPEC_W, _SPEC_B],
        out_specs=[_SPEC_ROWS, _SPEC_ROWS],
        out_shape=_OUT_SG,
    )(h, wa, b)


def _combine_project(s, a, dega, wa, b):
    return pl.pallas_call(
        _combine_project_body,
        grid=_GRID,
        in_specs=[_SPEC_ROWS, _SPEC_A, _SPEC_DEG, _SPEC_W, _SPEC_B],
        out_specs=[_SPEC_ROWS, _SPEC_ROWS],
        out_shape=_OUT_SG,
    )(s, a, dega, wa, b)


def _final(s, a, dega):
    return pl.pallas_call(
        _final_body,
        grid=_GRID,
        in_specs=[_SPEC_ROWS, _SPEC_A, _SPEC_DEG],
        out_specs=_SPEC_ROWS,
        out_shape=jax.ShapeDtypeStruct((N, D), jnp.float32),
    )(s, a, dega)


def kernel(x, edge_index, W1, b1, W2, b2, W3, b3):
    src = edge_index[0].astype(jnp.int32).reshape(E_ROWS, CHUNK)
    dst = edge_index[1].astype(jnp.int32).reshape(E_ROWS, CHUNK)

    def wcat(w):
        return jnp.concatenate([w[:, :D].T, w[:, D:].T], axis=1)

    zrows = jnp.zeros((ROWS_PER_TILE, D), jnp.float32)
    ones = jnp.ones((CHUNK, D), jnp.float32)

    dega = _dega(dst, zrows, ones)[:, :, :8]
    s1, g1 = _project(x, wcat(W1), b1.reshape(1, D))
    a1 = _seg(g1, src, dst, zrows)
    s2, g2 = _combine_project(s1, a1, dega, wcat(W2), b2.reshape(1, D))
    a2 = _seg(g2, src, dst, zrows)
    s3, g3 = _combine_project(s2, a2, dega, wcat(W3), b3.reshape(1, D))
    a3 = _seg(g3, src, dst, zrows)
    return _final(s3, a3, dega)

# --- scband reference (transcript-rebuilt; emitter-appended) ---
"""Pipeline reference for scband-conv-model-6536940224561 (READ-ONLY COPY).

The authoritative reference and input builder live on the scoring server;
editing this copy changes nothing except your own understanding.
"""

import jax, jax.numpy as jnp
import numpy as np

N_NODES = 10000
N_EDGES = 320000
D_IN = 128
D_HID = 128
D_OUT = 128


def setup_inputs(seed: int = 0) -> dict:
    key = jax.random.key(seed)
    k = jax.random.split(key, 9)
    x = jax.random.normal(k[0], (N_NODES, D_IN), dtype=jnp.float32)
    edge_index = jax.random.randint(k[1], (2, N_EDGES), 0, N_NODES, dtype=jnp.int64)
    s1 = 1.0 / np.sqrt(2 * D_IN)
    s2 = 1.0 / np.sqrt(2 * D_HID)
    W1 = jax.random.normal(k[2], (D_HID, 2 * D_IN), dtype=jnp.float32) * s1
    b1 = jnp.zeros((D_HID,), dtype=jnp.float32)
    W2 = jax.random.normal(k[3], (D_HID, 2 * D_HID), dtype=jnp.float32) * s2
    b2 = jnp.zeros((D_HID,), dtype=jnp.float32)
    W3 = jax.random.normal(k[4], (D_OUT, 2 * D_HID), dtype=jnp.float32) * s2
    b3 = jnp.zeros((D_OUT,), dtype=jnp.float32)
    return {"x": x, "edge_index": edge_index, "W1": W1, "b1": b1, "W2": W2, "b2": b2, "W3": W3, "b3": b3}


def _sage_layer(h, src, dst, W, b):
    # mean aggregation of source features over incoming edges (fn.copy_u + fn.mean)
    ones = jnp.ones((src.shape[0],), dtype=h.dtype)
    deg = jax.ops.segment_sum(ones, dst, num_segments=N_NODES)
    agg = jax.ops.segment_sum(h[src], dst, num_segments=N_NODES)
    mean = agg / jnp.maximum(deg, 1.0)[:, None]
    # concat dst features with aggregated neighbor mean, then linear
    cat = jnp.concatenate([h, mean], axis=1)
    return cat @ W.T + b


def reference(x, edge_index, W1, b1, W2, b2, W3, b3):
    src = edge_index[0]
    dst = edge_index[1]
    h = _sage_layer(x, src, dst, W1, b1)
    h = jax.nn.relu(h)  # dropout is identity in eval mode
    h = _sage_layer(h, src, dst, W2, b2)
    h = jax.nn.relu(h)
    h = _sage_layer(h, src, dst, W3, b3)
    return h

if __name__ == "__main__":
    import jax
    _d = setup_inputs()
    print(jax.jit(kernel)(*tuple(_d.values())))

</pallas_src>

<mosaic_0001>
#map = affine_map<(d0, d1) -> (0, 0)>
#map1 = affine_map<(d0, d1) -> (0, 0, 0)>
module attributes {stable_mosaic.version = 14 : i64} {
  func.func @_seg_body(%arg0: i32, %arg1: i32, %arg2: memref<10000x128xf32, #tpu.memory_space<hbm>>, %arg3: memref<2560x125xi32, #tpu.memory_space<hbm>>, %arg4: memref<2560x125xi32, #tpu.memory_space<hbm>>, %arg5: memref<640x128xf32, #tpu.memory_space<hbm>>, %arg6: memref<2x10240x128xf32, #tpu.memory_space<hbm>>, %arg7: memref<40x125xi32, #tpu.memory_space<vmem>>, %arg8: memref<40x125xi32, #tpu.memory_space<vmem>>, %arg9: memref<125x128xf32, #tpu.memory_space<vmem>>, %arg10: memref<125x128xf32, #tpu.memory_space<vmem>>, %arg11: memref<10240x128xf32, #tpu.memory_space<vmem_shared>>, %arg12: memref<2x!tpu.dma_semaphore, #tpu.memory_space<semaphore_mem>>, %arg13: memref<2x!tpu.dma_semaphore, #tpu.memory_space<semaphore_mem>>) attributes {dimension_semantics = [#tpu.dimension_semantics<core_parallel>, #tpu.dimension_semantics<subcore_parallel>], iteration_bounds = array<i64: 2, 16>, scalar_prefetch = 0 : i64, scratch_operands = 7 : i64, tpu.core_type = #tpu.core_type<sc_vector_subcore>, window_params = [{transform_indices = #map}, {transform_indices = #map}, {transform_indices = #map}, {transform_indices = #map}, {transform_indices = #map1}]} {
    %mul3A = arith.constant 16 : i32
    %mul3A_0 = arith.muli %arg0, %mul3A : i32
    %add3A = arith.addi %mul3A_0, %arg1 : i32
    %mul3A_1 = arith.constant 80 : i32
    %mul3A_2 = arith.muli %add3A, %mul3A_1 : i32
    %mul3A_3 = arith.constant 640 : i32
    %mul3A_4 = arith.muli %arg1, %mul3A_3 : i32
    "tpu.region"() ({
      %run_scoped3A = tpu.sem_alloc : memref<!tpu.dma_semaphore, #tpu.memory_space<semaphore_mem>>
      %dma_start3A_49 = arith.constant 0 : i32
      %dma_start3A_50 = tpu.memref_slice %arg3[%mul3A_2, %dma_start3A_49] : memref<2560x125xi32, #tpu.memory_space<hbm>> -> memref<40x125xi32, #tpu.memory_space<hbm>>
      %dma_start3A_51 = arith.constant 0 : i32
      %dma_start3A_52 = tpu.memref_slice %arg3[%mul3A_2, %dma_start3A_51] : memref<2560x125xi32, #tpu.memory_space<hbm>> -> memref<40x125xi32, #tpu.memory_space<hbm>>
      tpu.enqueue_dma source(%dma_start3A_52 : memref<40x125xi32, #tpu.memory_space<hbm>>) target(%arg7 : memref<40x125xi32, #tpu.memory_space<vmem>>) target_semaphore(%run_scoped3A : memref<!tpu.dma_semaphore, #tpu.memory_space<semaphore_mem>>)
      %dma_wait3A_53 = arith.constant 0 : i32
      %dma_wait3A_54 = tpu.memref_slice %arg3[%mul3A_2, %dma_wait3A_53] : memref<2560x125xi32, #tpu.memory_space<hbm>> -> memref<40x125xi32, #tpu.memory_space<hbm>>
      %dma_wait3A_55 = arith.constant 0 : i32
      %dma_wait3A_56 = tpu.memref_slice %arg3[%mul3A_2, %dma_wait3A_55] : memref<2560x125xi32, #tpu.memory_space<hbm>> -> memref<40x125xi32, #tpu.memory_space<hbm>>
      tpu.wait_dma2 semaphore(%run_scoped3A : memref<!tpu.dma_semaphore, #tpu.memory_space<semaphore_mem>>) src(%dma_wait3A_56 : memref<40x125xi32, #tpu.memory_space<hbm>>) dst(%arg7 : memref<40x125xi32, #tpu.memory_space<vmem>>)
      tpu.yield
    }) : () -> ()
    "tpu.region"() ({
      %run_scoped3A = tpu.sem_alloc : memref<!tpu.dma_semaphore, #tpu.memory_space<semaphore_mem>>
      %dma_start3A_49 = arith.constant 0 : i32
      %dma_start3A_50 = tpu.memref_slice %arg4[%mul3A_2, %dma_start3A_49] : memref<2560x125xi32, #tpu.memory_space<hbm>> -> memref<40x125xi32, #tpu.memory_space<hbm>>
      %dma_start3A_51 = arith.constant 0 : i32
      %dma_start3A_52 = tpu.memref_slice %arg4[%mul3A_2, %dma_start3A_51] : memref<2560x125xi32, #tpu.memory_space<hbm>> -> memref<40x125xi32, #tpu.memory_space<hbm>>
      tpu.enqueue_dma source(%dma_start3A_52 : memref<40x125xi32, #tpu.memory_space<hbm>>) target(%arg8 : memref<40x125xi32, #tpu.memory_space<vmem>>) target_semaphore(%run_scoped3A : memref<!tpu.dma_semaphore, #tpu.memory_space<semaphore_mem>>)
      %dma_wait3A_53 = arith.constant 0 : i32
      %dma_wait3A_54 = tpu.memref_slice %arg4[%mul3A_2, %dma_wait3A_53] : memref<2560x125xi32, #tpu.memory_space<hbm>> -> memref<40x125xi32, #tpu.memory_space<hbm>>
      %dma_wait3A_55 = arith.constant 0 : i32
      %dma_wait3A_56 = tpu.memref_slice %arg4[%mul3A_2, %dma_wait3A_55] : memref<2560x125xi32, #tpu.memory_space<hbm>> -> memref<40x125xi32, #tpu.memory_space<hbm>>
      tpu.wait_dma2 semaphore(%run_scoped3A : memref<!tpu.dma_semaphore, #tpu.memory_space<semaphore_mem>>) src(%dma_wait3A_56 : memref<40x125xi32, #tpu.memory_space<hbm>>) dst(%arg8 : memref<40x125xi32, #tpu.memory_space<vmem>>)
      tpu.yield
    }) : () -> ()
    "tpu.region"() ({
      %run_scoped3A = tpu.sem_alloc : memref<!tpu.dma_semaphore, #tpu.memory_space<semaphore_mem>>
      %dma_start3A_49 = arith.constant 0 : i32
      %dma_start3A_50 = tpu.memref_slice %arg11[%mul3A_4, %dma_start3A_49] : memref<10240x128xf32, #tpu.memory_space<vmem_shared>> -> memref<640x128xf32, #tpu.memory_space<vmem_shared>>
      tpu.enqueue_dma source(%arg5 : memref<640x128xf32, #tpu.memory_space<hbm>>) target(%dma_start3A_50 : memref<640x128xf32, #tpu.memory_space<vmem_shared>>) target_semaphore(%run_scoped3A : memref<!tpu.dma_semaphore, #tpu.memory_space<semaphore_mem>>)
      %dma_wait3A_51 = arith.constant 0 : i32
      %dma_wait3A_52 = tpu.memref_slice %arg11[%mul3A_4, %dma_wait3A_51] : memref<10240x128xf32, #tpu.memory_space<vmem_shared>> -> memref<640x128xf32, #tpu.memory_space<vmem_shared>>
      tpu.wait_dma2 semaphore(%run_scoped3A : memref<!tpu.dma_semaphore, #tpu.memory_space<semaphore_mem>>) src(%arg5 : memref<640x128xf32, #tpu.memory_space<hbm>>) dst(%dma_wait3A_52 : memref<640x128xf32, #tpu.memory_space<vmem_shared>>)
      tpu.yield
    }) : () -> ()
    %barrier3A = arith.constant 0 : index
    tpu.barrier barrier_id(%barrier3A)
    %dma_start3A = arith.constant 0 : i32
    %dma_start3A_5 = arith.constant 0 : i32
    %dma_start3A_6 = arith.constant 0 : i32
    %dma_start3A_7 = tpu.memref_slice %arg7[%dma_start3A, %dma_start3A_6] : memref<40x125xi32, #tpu.memory_space<vmem>> -> memref<1x125xi32, #tpu.memory_space<vmem>>
    %dma_start3A_8 = tpu.memref_squeeze %dma_start3A_7 : memref<1x125xi32, #tpu.memory_space<vmem>> -> memref<125xi32, #tpu.memory_space<vmem>>
    %dma_start3A_9 = arith.constant 0 : i32
    %dma_start3A_10 = arith.constant 0 : i32
    %dma_start3A_11 = tpu.memref_slice %arg2[%dma_start3A_9, %dma_start3A_10] : memref<10000x128xf32, #tpu.memory_space<hbm>> -> memref<10000x128xf32, #tpu.memory_space<hbm>>
    %dma_start3A_12 = tpu.memref_slice %arg12[%dma_start3A_5] : memref<2x!tpu.dma_semaphore, #tpu.memory_space<semaphore_mem>> -> memref<1x!tpu.dma_semaphore, #tpu.memory_space<semaphore_mem>>
    %dma_start3A_13 = tpu.memref_squeeze %dma_start3A_12 : memref<1x!tpu.dma_semaphore, #tpu.memory_space<semaphore_mem>> -> memref<!tpu.dma_semaphore, #tpu.memory_space<semaphore_mem>>
    tpu.enqueue_indirect_dma source(%dma_start3A_11 : memref<10000x128xf32, #tpu.memory_space<hbm>>) target(%arg9 : memref<125x128xf32, #tpu.memory_space<vmem>>) offsets(%dma_start3A_8 : memref<125xi32, #tpu.memory_space<vmem>>) semaphore(%dma_start3A_13 : memref<!tpu.dma_semaphore, #tpu.memory_space<semaphore_mem>>)
    %dma_start3A_14 = arith.constant 1 : i32
    %dma_start3A_15 = arith.constant 1 : i32
    %dma_start3A_16 = arith.constant 0 : i32
    %dma_start3A_17 = tpu.memref_slice %arg7[%dma_start3A_14, %dma_start3A_16] : memref<40x125xi32, #tpu.memory_space<vmem>> -> memref<1x125xi32, #tpu.memory_space<vmem>>
    %dma_start3A_18 = tpu.memref_squeeze %dma_start3A_17 : memref<1x125xi32, #tpu.memory_space<vmem>> -> memref<125xi32, #tpu.memory_space<vmem>>
    %dma_start3A_19 = arith.constant 0 : i32
    %dma_start3A_20 = arith.constant 0 : i32
    %dma_start3A_21 = tpu.memref_slice %arg2[%dma_start3A_19, %dma_start3A_20] : memref<10000x128xf32, #tpu.memory_space<hbm>> -> memref<10000x128xf32, #tpu.memory_space<hbm>>
    %dma_start3A_22 = tpu.memref_slice %arg12[%dma_start3A_15] : memref<2x!tpu.dma_semaphore, #tpu.memory_space<semaphore_mem>> -> memref<1x!tpu.dma_semaphore, #tpu.memory_space<semaphore_mem>>
    %dma_start3A_23 = tpu.memref_squeeze %dma_start3A_22 : memref<1x!tpu.dma_semaphore, #tpu.memory_space<semaphore_mem>> -> memref<!tpu.dma_semaphore, #tpu.memory_space<semaphore_mem>>
    tpu.enqueue_indirect_dma source(%dma_start3A_21 : memref<10000x128xf32, #tpu.memory_space<hbm>>) target(%arg10 : memref<125x128xf32, #tpu.memory_space<vmem>>) offsets(%dma_start3A_18 : memref<125xi32, #tpu.memory_space<vmem>>) semaphore(%dma_start3A_23 : memref<!tpu.dma_semaphore, #tpu.memory_space<semaphore_mem>>)
    %scan3A = arith.constant 0 : i32
    %scan3A_24 = arith.constant 0 : i32
    %scan3A_25 = arith.constant 40 : i32
    %scan3A_26 = arith.addi %scan3A_24, %scan3A_25 : i32
    %scan3A_27 = arith.constant 1 : i32
    scf.for %scan3A_49 = %scan3A_24 to %scan3A_26 step %scan3A_27  : i32 {
      %mul3A_50 = arith.constant 2 : i32
      %mul3A_51 = arith.muli %scan3A_49, %mul3A_50 : i32
      %add3A_52 = arith.constant 0 : i32
      %add3A_53 = arith.addi %mul3A_51, %add3A_52 : i32
      %rem3A = arith.constant 40 : i32
      %rem3A_54 = arith.remsi %add3A_53, %rem3A : i32
      %dma_wait3A_55 = arith.constant 0 : i32
      %dma_wait3A_56 = arith.constant 0 : i32
      %dma_wait3A_57 = tpu.memref_slice %arg7[%rem3A_54, %dma_wait3A_56] : memref<40x125xi32, #tpu.memory_space<vmem>> -> memref<1x125xi32, #tpu.memory_space<vmem>>
      %dma_wait3A_58 = tpu.memref_squeeze %dma_wait3A_57 : memref<1x125xi32, #tpu.memory_space<vmem>> -> memref<125xi32, #tpu.memory_space<vmem>>
      %dma_wait3A_59 = arith.constant 0 : i32
      %dma_wait3A_60 = arith.constant 0 : i32
      %dma_wait3A_61 = tpu.memref_slice %arg2[%dma_wait3A_59, %dma_wait3A_60] : memref<10000x128xf32, #tpu.memory_space<hbm>> -> memref<10000x128xf32, #tpu.memory_space<hbm>>
      %dma_wait3A_62 = tpu.memref_slice %arg12[%dma_wait3A_55] : memref<2x!tpu.dma_semaphore, #tpu.memory_space<semaphore_mem>> -> memref<1x!tpu.dma_semaphore, #tpu.memory_space<semaphore_mem>>
      %dma_wait3A_63 = tpu.memref_squeeze %dma_wait3A_62 : memref<1x!tpu.dma_semaphore, #tpu.memory_space<semaphore_mem>> -> memref<!tpu.dma_semaphore, #tpu.memory_space<semaphore_mem>>
      tpu.wait_indirect_dma semaphore(%dma_wait3A_63 : memref<!tpu.dma_semaphore, #tpu.memory_space<semaphore_mem>>) src(%dma_wait3A_61 : memref<10000x128xf32, #tpu.memory_space<hbm>>) dst(%arg9 : memref<125x128xf32, #tpu.memory_space<vmem>>)
      %rem3A_64 = arith.constant 40 : i32
      %rem3A_65 = arith.remsi %add3A_53, %rem3A_64 : i32
      %dma_start3A_66 = arith.constant 0 : i32
      %dma_start3A_67 = arith.constant 0 : i32
      %dma_start3A_68 = tpu.memref_slice %arg8[%rem3A_65, %dma_start3A_67] : memref<40x125xi32, #tpu.memory_space<vmem>> -> memref<1x125xi32, #tpu.memory_space<vmem>>
      %dma_start3A_69 = tpu.memref_squeeze %dma_start3A_68 : memref<1x125xi32, #tpu.memory_space<vmem>> -> memref<125xi32, #tpu.memory_space<vmem>>
      %dma_start3A_70 = arith.constant 0 : i32
      %dma_start3A_71 = arith.constant 0 : i32
      %dma_start3A_72 = tpu.memref_slice %arg11[%dma_start3A_70, %dma_start3A_71] : memref<10240x128xf32, #tpu.memory_space<vmem_shared>> -> memref<10240x128xf32, #tpu.memory_space<vmem_shared>>
      %dma_start3A_73 = tpu.memref_slice %arg13[%dma_start3A_66] : memref<2x!tpu.dma_semaphore, #tpu.memory_space<semaphore_mem>> -> memref<1x!tpu.dma_semaphore, #tpu.memory_space<semaphore_mem>>
      %dma_start3A_74 = tpu.memref_squeeze %dma_start3A_73 : memref<1x!tpu.dma_semaphore, #tpu.memory_space<semaphore_mem>> -> memref<!tpu.dma_semaphore, #tpu.memory_space<semaphore_mem>>
      tpu.enqueue_indirect_dma source(%arg9 : memref<125x128xf32, #tpu.memory_space<vmem>>) target(%dma_start3A_72 : memref<10240x128xf32, #tpu.memory_space<vmem_shared>>) offsets(%dma_start3A_69 : memref<125xi32, #tpu.memory_space<vmem>>) semaphore(%dma_start3A_74 : memref<!tpu.dma_semaphore, #tpu.memory_space<semaphore_mem>>) {add = true}
      %add3A_75 = arith.constant 1 : i32
      %add3A_76 = arith.addi %mul3A_51, %add3A_75 : i32
      %rem3A_77 = arith.constant 40 : i32
      %rem3A_78 = arith.remsi %add3A_76, %rem3A_77 : i32
      %dma_wait3A_79 = arith.constant 1 : i32
      %dma_wait3A_80 = arith.constant 0 : i32
      %dma_wait3A_81 = tpu.memref_slice %arg7[%rem3A_78, %dma_wait3A_80] : memref<40x125xi32, #tpu.memory_space<vmem>> -> memref<1x125xi32, #tpu.memory_space<vmem>>
      %dma_wait3A_82 = tpu.memref_squeeze %dma_wait3A_81 : memref<1x125xi32, #tpu.memory_space<vmem>> -> memref<125xi32, #tpu.memory_space<vmem>>
      %dma_wait3A_83 = arith.constant 0 : i32
      %dma_wait3A_84 = arith.constant 0 : i32
      %dma_wait3A_85 = tpu.memref_slice %arg2[%dma_wait3A_83, %dma_wait3A_84] : memref<10000x128xf32, #tpu.memory_space<hbm>> -> memref<10000x128xf32, #tpu.memory_space<hbm>>
      %dma_wait3A_86 = tpu.memref_slice %arg12[%dma_wait3A_79] : memref<2x!tpu.dma_semaphore, #tpu.memory_space<semaphore_mem>> -> memref<1x!tpu.dma_semaphore, #tpu.memory_space<semaphore_mem>>
      %dma_wait3A_87 = tpu.memref_squeeze %dma_wait3A_86 : memref<1x!tpu.dma_semaphore, #tpu.memory_space<semaphore_mem>> -> memref<!tpu.dma_semaphore, #tpu.memory_space<semaphore_mem>>
      tpu.wait_indirect_dma semaphore(%dma_wait3A_87 : memref<!tpu.dma_semaphore, #tpu.memory_space<semaphore_mem>>) src(%dma_wait3A_85 : memref<10000x128xf32, #tpu.memory_space<hbm>>) dst(%arg10 : memref<125x128xf32, #tpu.memory_space<vmem>>)
      %rem3A_88 = arith.constant 40 : i32
      %rem3A_89 = arith.remsi %add3A_76, %rem3A_88 : i32
      %dma_start3A_90 = arith.constant 1 : i32
      %dma_start3A_91 = arith.constant 0 : i32
      %dma_start3A_92 = tpu.memref_slice %arg8[%rem3A_89, %dma_start3A_91] : memref<40x125xi32, #tpu.memory_space<vmem>> -> memref<1x125xi32, #tpu.memory_space<vmem>>
      %dma_start3A_93 = tpu.memref_squeeze %dma_start3A_92 : memref<1x125xi32, #tpu.memory_space<vmem>> -> memref<125xi32, #tpu.memory_space<vmem>>
      %dma_start3A_94 = arith.constant 0 : i32
      %dma_start3A_95 = arith.constant 0 : i32
      %dma_start3A_96 = tpu.memref_slice %arg11[%dma_start3A_94, %dma_start3A_95] : memref<10240x128xf32, #tpu.memory_space<vmem_shared>> -> memref<10240x128xf32, #tpu.memory_space<vmem_shared>>
      %dma_start3A_97 = tpu.memref_slice %arg13[%dma_start3A_90] : memref<2x!tpu.dma_semaphore, #tpu.memory_space<semaphore_mem>> -> memref<1x!tpu.dma_semaphore, #tpu.memory_space<semaphore_mem>>
      %dma_start3A_98 = tpu.memref_squeeze %dma_start3A_97 : memref<1x!tpu.dma_semaphore, #tpu.memory_space<semaphore_mem>> -> memref<!tpu.dma_semaphore, #tpu.memory_space<semaphore_mem>>
      tpu.enqueue_indirect_dma source(%arg10 : memref<125x128xf32, #tpu.memory_space<vmem>>) target(%dma_start3A_96 : memref<10240x128xf32, #tpu.memory_space<vmem_shared>>) offsets(%dma_start3A_93 : memref<125xi32, #tpu.memory_space<vmem>>) semaphore(%dma_start3A_98 : memref<!tpu.dma_semaphore, #tpu.memory_space<semaphore_mem>>) {add = true}
      %lt3A = arith.constant 39 : i32
      %lt3A_99 = arith.cmpi slt, %scan3A_49, %lt3A : i32
      %convert_element_type3A = arith.extui %lt3A_99 : i1 to i32
      %cond3A = arith.constant 0 : i32
      %cond3A_100 = arith.cmpi ne, %convert_element_type3A, %cond3A : i32
      scf.if %cond3A_100 {
        %add3A_101 = arith.constant 0 : i32
        %add3A_102 = arith.addi %mul3A_51, %add3A_101 : i32
        %rem3A_103 = arith.constant 40 : i32
        %rem3A_104 = arith.remsi %add3A_102, %rem3A_103 : i32
        %dma_wait3A_105 = arith.constant 0 : i32
        %dma_wait3A_106 = arith.constant 0 : i32
        %dma_wait3A_107 = tpu.memref_slice %arg8[%rem3A_104, %dma_wait3A_106] : memref<40x125xi32, #tpu.memory_space<vmem>> -> memref<1x125xi32, #tpu.memory_space<vmem>>
        %dma_wait3A_108 = tpu.memref_squeeze %dma_wait3A_107 : memref<1x125xi32, #tpu.memory_space<vmem>> -> memref<125xi32, #tpu.memory_space<vmem>>
        %dma_wait3A_109 = arith.constant 0 : i32
        %dma_wait3A_110 = arith.constant 0 : i32
        %dma_wait3A_111 = tpu.memref_slice %arg11[%dma_wait3A_109, %dma_wait3A_110] : memref<10240x128xf32, #tpu.memory_space<vmem_shared>> -> memref<10240x128xf32, #tpu.memory_space<vmem_shared>>
        %dma_wait3A_112 = tpu.memref_slice %arg13[%dma_wait3A_105] : memref<2x!tpu.dma_semaphore, #tpu.memory_space<semaphore_mem>> -> memref<1x!tpu.dma_semaphore, #tpu.memory_space<semaphore_mem>>
        %dma_wait3A_113 = tpu.memref_squeeze %dma_wait3A_112 : memref<1x!tpu.dma_semaphore, #tpu.memory_space<semaphore_mem>> -> memref<!tpu.dma_semaphore, #tpu.memory_space<semaphore_mem>>
        tpu.wait_indirect_dma semaphore(%dma_wait3A_113 : memref<!tpu.dma_semaphore, #tpu.memory_space<semaphore_mem>>) src(%arg9 : memref<125x128xf32, #tpu.memory_space<vmem>>) dst(%dma_wait3A_111 : memref<10240x128xf32, #tpu.memory_space<vmem_shared>>)
        %add3A_114 = arith.constant 1 : i32
        %add3A_115 = arith.addi %mul3A_51, %add3A_114 : i32
        %rem3A_116 = arith.constant 40 : i32
        %rem3A_117 = arith.remsi %add3A_115, %rem3A_116 : i32
        %dma_wait3A_118 = arith.constant 1 : i32
        %dma_wait3A_119 = arith.constant 0 : i32
        %dma_wait3A_120 = tpu.memref_slice %arg8[%rem3A_117, %dma_wait3A_119] : memref<40x125xi32, #tpu.memory_space<vmem>> -> memref<1x125xi32, #tpu.memory_space<vmem>>
        %dma_wait3A_121 = tpu.memref_squeeze %dma_wait3A_120 : memref<1x125xi32, #tpu.memory_space<vmem>> -> memref<125xi32, #tpu.memory_space<vmem>>
        %dma_wait3A_122 = arith.constant 0 : i32
        %dma_wait3A_123 = arith.constant 0 : i32
        %dma_wait3A_124 = tpu.memref_slice %arg11[%dma_wait3A_122, %dma_wait3A_123] : memref<10240x128xf32, #tpu.memory_space<vmem_shared>> -> memref<10240x128xf32, #tpu.memory_space<vmem_shared>>
        %dma_wait3A_125 = tpu.memref_slice %arg13[%dma_wait3A_118] : memref<2x!tpu.dma_semaphore, #tpu.memory_space<semaphore_mem>> -> memref<1x!tpu.dma_semaphore, #tpu.memory_space<semaphore_mem>>
        %dma_wait3A_126 = tpu.memref_squeeze %dma_wait3A_125 : memref<1x!tpu.dma_semaphore, #tpu.memory_space<semaphore_mem>> -> memref<!tpu.dma_semaphore, #tpu.memory_space<semaphore_mem>>
        tpu.wait_indirect_dma semaphore(%dma_wait3A_126 : memref<!tpu.dma_semaphore, #tpu.memory_space<semaphore_mem>>) src(%arg10 : memref<125x128xf32, #tpu.memory_space<vmem>>) dst(%dma_wait3A_124 : memref<10240x128xf32, #tpu.memory_space<vmem_shared>>)
        %eq3A = arith.constant 19 : i32
        %eq3A_127 = arith.cmpi eq, %scan3A_49, %eq3A : i32
        %convert_element_type3A_128 = arith.extui %eq3A_127 : i1 to i32
        %cond3A_129 = arith.constant 0 : i32
        %cond3A_130 = arith.cmpi ne, %convert_element_type3A_128, %cond3A_129 : i32
        scf.if %cond3A_130 {
          %add3A_161 = arith.constant 40 : i32
          %add3A_162 = arith.addi %mul3A_2, %add3A_161 : i32
          "tpu.region"() ({
            %run_scoped3A = tpu.sem_alloc : memref<!tpu.dma_semaphore, #tpu.memory_space<semaphore_mem>>
            %dma_start3A_165 = arith.constant 0 : i32
            %dma_start3A_166 = tpu.memref_slice %arg3[%add3A_162, %dma_start3A_165] : memref<2560x125xi32, #tpu.memory_space<hbm>> -> memref<40x125xi32, #tpu.memory_space<hbm>>
            %dma_start3A_167 = arith.constant 0 : i32
            %dma_start3A_168 = tpu.memref_slice %arg3[%add3A_162, %dma_start3A_167] : memref<2560x125xi32, #tpu.memory_space<hbm>> -> memref<40x125xi32, #tpu.memory_space<hbm>>
            tpu.enqueue_dma source(%dma_start3A_168 : memref<40x125xi32, #tpu.memory_space<hbm>>) target(%arg7 : memref<40x125xi32, #tpu.memory_space<vmem>>) target_semaphore(%run_scoped3A : memref<!tpu.dma_semaphore, #tpu.memory_space<semaphore_mem>>)
            %dma_wait3A_169 = arith.constant 0 : i32
            %dma_wait3A_170 = tpu.memref_slice %arg3[%add3A_162, %dma_wait3A_169] : memref<2560x125xi32, #tpu.memory_space<hbm>> -> memref<40x125xi32, #tpu.memory_space<hbm>>
            %dma_wait3A_171 = arith.constant 0 : i32
            %dma_wait3A_172 = tpu.memref_slice %arg3[%add3A_162, %dma_wait3A_171] : memref<2560x125xi32, #tpu.memory_space<hbm>> -> memref<40x125xi32, #tpu.memory_space<hbm>>
            tpu.wait_dma2 semaphore(%run_scoped3A : memref<!tpu.dma_semaphore, #tpu.memory_space<semaphore_mem>>) src(%dma_wait3A_172 : memref<40x125xi32, #tpu.memory_space<hbm>>) dst(%arg7 : memref<40x125xi32, #tpu.memory_space<vmem>>)
            tpu.yield
          }) : () -> ()
          %add3A_163 = arith.constant 40 : i32
          %add3A_164 = arith.addi %mul3A_2, %add3A_163 : i32
          "tpu.region"() ({
            %run_scoped3A = tpu.sem_alloc : memref<!tpu.dma_semaphore, #tpu.memory_space<semaphore_mem>>
            %dma_start3A_165 = arith.constant 0 : i32
            %dma_start3A_166 = tpu.memref_slice %arg4[%add3A_164, %dma_start3A_165] : memref<2560x125xi32, #tpu.memory_space<hbm>> -> memref<40x125xi32, #tpu.memory_space<hbm>>
            %dma_start3A_167 = arith.constant 0 : i32
            %dma_start3A_168 = tpu.memref_slice %arg4[%add3A_164, %dma_start3A_167] : memref<2560x125xi32, #tpu.memory_space<hbm>> -> memref<40x125xi32, #tpu.memory_space<hbm>>
            tpu.enqueue_dma source(%dma_start3A_168 : memref<40x125xi32, #tpu.memory_space<hbm>>) target(%arg8 : memref<40x125xi32, #tpu.memory_space<vmem>>) target_semaphore(%run_scoped3A : memref<!tpu.dma_semaphore, #tpu.memory_space<semaphore_mem>>)
            %dma_wait3A_169 = arith.constant 0 : i32
            %dma_wait3A_170 = tpu.memref_slice %arg4[%add3A_164, %dma_wait3A_169] : memref<2560x125xi32, #tpu.memory_space<hbm>> -> memref<40x125xi32, #tpu.memory_space<hbm>>
            %dma_wait3A_171 = arith.constant 0 : i32
            %dma_wait3A_172 = tpu.memref_slice %arg4[%add3A_164, %dma_wait3A_171] : memref<2560x125xi32, #tpu.memory_space<hbm>> -> memref<40x125xi32, #tpu.memory_space<hbm>>
            tpu.wait_dma2 semaphore(%run_scoped3A : memref<!tpu.dma_semaphore, #tpu.memory_space<semaphore_mem>>) src(%dma_wait3A_172 : memref<40x125xi32, #tpu.memory_space<hbm>>) dst(%arg8 : memref<40x125xi32, #tpu.memory_space<vmem>>)
            tpu.yield
          }) : () -> ()
        } else {
        }
        %add3A_131 = arith.constant 0 : i32
        %add3A_132 = arith.addi %mul3A_51, %add3A_131 : i32
        %add3A_133 = arith.constant 2 : i32
        %add3A_134 = arith.addi %add3A_132, %add3A_133 : i32
        %rem3A_135 = arith.constant 40 : i32
        %rem3A_136 = arith.remsi %add3A_134, %rem3A_135 : i32
        %dma_start3A_137 = arith.constant 0 : i32
        %dma_start3A_138 = arith.constant 0 : i32
        %dma_start3A_139 = tpu.memref_slice %arg7[%rem3A_136, %dma_start3A_138] : memref<40x125xi32, #tpu.memory_space<vmem>> -> memref<1x125xi32, #tpu.memory_space<vmem>>
        %dma_start3A_140 = tpu.memref_squeeze %dma_start3A_139 : memref<1x125xi32, #tpu.memory_space<vmem>> -> memref<125xi32, #tpu.memory_space<vmem>>
        %dma_start3A_141 = arith.constant 0 : i32
        %dma_start3A_142 = arith.constant 0 : i32
        %dma_start3A_143 = tpu.memref_slice %arg2[%dma_start3A_141, %dma_start3A_142] : memref<10000x128xf32, #tpu.memory_space<hbm>> -> memref<10000x128xf32, #tpu.memory_space<hbm>>
        %dma_start3A_144 = tpu.memref_slice %arg12[%dma_start3A_137] : memref<2x!tpu.dma_semaphore, #tpu.memory_space<semaphore_mem>> -> memref<1x!tpu.dma_semaphore, #tpu.memory_space<semaphore_mem>>
        %dma_start3A_145 = tpu.memref_squeeze %dma_start3A_144 : memref<1x!tpu.dma_semaphore, #tpu.memory_space<semaphore_mem>> -> memref<!tpu.dma_semaphore, #tpu.memory_space<semaphore_mem>>
        tpu.enqueue_indirect_dma source(%dma_start3A_143 : memref<10000x128xf32, #tpu.memory_space<hbm>>) target(%arg9 : memref<125x128xf32, #tpu.memory_space<vmem>>) offsets(%dma_start3A_140 : memref<125xi32, #tpu.memory_space<vmem>>) semaphore(%dma_start3A_145 : memref<!tpu.dma_semaphore, #tpu.memory_space<semaphore_mem>>)
        %add3A_146 = arith.constant 1 : i32
        %add3A_147 = arith.addi %mul3A_51, %add3A_146 : i32
        %add3A_148 = arith.constant 2 : i32
        %add3A_149 = arith.addi %add3A_147, %add3A_148 : i32
        %rem3A_150 = arith.constant 40 : i32
        %rem3A_151 = arith.remsi %add3A_149, %rem3A_150 : i32
        %dma_start3A_152 = arith.constant 1 : i32
        %dma_start3A_153 = arith.constant 0 : i32
        %dma_start3A_154 = tpu.memref_slice %arg7[%rem3A_151, %dma_start3A_153] : memref<40x125xi32, #tpu.memory_space<vmem>> -> memref<1x125xi32, #tpu.memory_space<vmem>>
        %dma_start3A_155 = tpu.memref_squeeze %dma_start3A_154 : memref<1x125xi32, #tpu.memory_space<vmem>> -> memref<125xi32, #tpu.memory_space<vmem>>
        %dma_start3A_156 = arith.constant 0 : i32
        %dma_start3A_157 = arith.constant 0 : i32
        %dma_start3A_158 = tpu.memref_slice %arg2[%dma_start3A_156, %dma_start3A_157] : memref<10000x128xf32, #tpu.memory_space<hbm>> -> memref<10000x128xf32, #tpu.memory_space<hbm>>
        %dma_start3A_159 = tpu.memref_slice %arg12[%dma_start3A_152] : memref<2x!tpu.dma_semaphore, #tpu.memory_space<semaphore_mem>> -> memref<1x!tpu.dma_semaphore, #tpu.memory_space<semaphore_mem>>
        %dma_start3A_160 = tpu.memref_squeeze %dma_start3A_159 : memref<1x!tpu.dma_semaphore, #tpu.memory_space<semaphore_mem>> -> memref<!tpu.dma_semaphore, #tpu.memory_space<semaphore_mem>>
        tpu.enqueue_indirect_dma source(%dma_start3A_158 : memref<10000x128xf32, #tpu.memory_space<hbm>>) target(%arg10 : memref<125x128xf32, #tpu.memory_space<vmem>>) offsets(%dma_start3A_155 : memref<125xi32, #tpu.memory_space<vmem>>) semaphore(%dma_start3A_160 : memref<!tpu.dma_semaphore, #tpu.memory_space<semaphore_mem>>)
      } else {
      }
    }
    %scan3A_28 = arith.constant 40 : i32
    %dma_wait3A = arith.constant 0 : i32
    %dma_wait3A_29 = arith.constant 0 : i32
    %dma_wait3A_30 = arith.constant 0 : i32
    %dma_wait3A_31 = tpu.memref_slice %arg8[%dma_wait3A, %dma_wait3A_30] : memref<40x125xi32, #tpu.memory_space<vmem>> -> memref<1x125xi32, #tpu.memory_space<vmem>>
    %dma_wait3A_32 = tpu.memref_squeeze %dma_wait3A_31 : memref<1x125xi32, #tpu.memory_space<vmem>> -> memref<125xi32, #tpu.memory_space<vmem>>
    %dma_wait3A_33 = arith.constant 0 : i32
    %dma_wait3A_34 = arith.constant 0 : i32
    %dma_wait3A_35 = tpu.memref_slice %arg11[%dma_wait3A_33, %dma_wait3A_34] : memref<10240x128xf32, #tpu.memory_space<vmem_shared>> -> memref<10240x128xf32, #tpu.memory_space<vmem_shared>>
    %dma_wait3A_36 = tpu.memref_slice %arg13[%dma_wait3A_29] : memref<2x!tpu.dma_semaphore, #tpu.memory_space<semaphore_mem>> -> memref<1x!tpu.dma_semaphore, #tpu.memory_space<semaphore_mem>>
    %dma_wait3A_37 = tpu.memref_squeeze %dma_wait3A_36 : memref<1x!tpu.dma_semaphore, #tpu.memory_space<semaphore_mem>> -> memref<!tpu.dma_semaphore, #tpu.memory_space<semaphore_mem>>
    tpu.wait_indirect_dma semaphore(%dma_wait3A_37 : memref<!tpu.dma_semaphore, #tpu.memory_space<semaphore_mem>>) src(%arg9 : memref<125x128xf32, #tpu.memory_space<vmem>>) dst(%dma_wait3A_35 : memref<10240x128xf32, #tpu.memory_space<vmem_shared>>)
    %dma_wait3A_38 = arith.constant 0 : i32
    %dma_wait3A_39 = arith.constant 1 : i32
    %dma_wait3A_40 = arith.constant 0 : i32
    %dma_wait3A_41 = tpu.memref_slice %arg8[%dma_wait3A_38, %dma_wait3A_40] : memref<40x125xi32, #tpu.memory_space<vmem>> -> memref<1x125xi32, #tpu.memory_space<vmem>>
    %dma_wait3A_42 = tpu.memref_squeeze %dma_wait3A_41 : memref<1x125xi32, #tpu.memory_space<vmem>> -> memref<125xi32, #tpu.memory_space<vmem>>
    %dma_wait3A_43 = arith.constant 0 : i32
    %dma_wait3A_44 = arith.constant 0 : i32
    %dma_wait3A_45 = tpu.memref_slice %arg11[%dma_wait3A_43, %dma_wait3A_44] : memref<10240x128xf32, #tpu.memory_space<vmem_shared>> -> memref<10240x128xf32, #tpu.memory_space<vmem_shared>>
    %dma_wait3A_46 = tpu.memref_slice %arg13[%dma_wait3A_39] : memref<2x!tpu.dma_semaphore, #tpu.memory_space<semaphore_mem>> -> memref<1x!tpu.dma_semaphore, #tpu.memory_space<semaphore_mem>>
    %dma_wait3A_47 = tpu.memref_squeeze %dma_wait3A_46 : memref<1x!tpu.dma_semaphore, #tpu.memory_space<semaphore_mem>> -> memref<!tpu.dma_semaphore, #tpu.memory_space<semaphore_mem>>
    tpu.wait_indirect_dma semaphore(%dma_wait3A_47 : memref<!tpu.dma_semaphore, #tpu.memory_space<semaphore_mem>>) src(%arg10 : memref<125x128xf32, #tpu.memory_space<vmem>>) dst(%dma_wait3A_45 : memref<10240x128xf32, #tpu.memory_space<vmem_shared>>)
    %barrier3A_48 = arith.constant 0 : index
    tpu.barrier barrier_id(%barrier3A_48)
    "tpu.region"() ({
      %run_scoped3A = tpu.sem_alloc : memref<!tpu.dma_semaphore, #tpu.memory_space<semaphore_mem>>
      %dma_start3A_49 = arith.constant 0 : i32
      %dma_start3A_50 = tpu.memref_slice %arg6[%arg0, %mul3A_4, %dma_start3A_49] : memref<2x10240x128xf32, #tpu.memory_space<hbm>> -> memref<1x640x128xf32, #tpu.memory_space<hbm>>
      %dma_start3A_51 = tpu.memref_squeeze %dma_start3A_50 : memref<1x640x128xf32, #tpu.memory_space<hbm>> -> memref<640x128xf32, #tpu.memory_space<hbm>>
      %dma_start3A_52 = arith.constant 0 : i32
      %dma_start3A_53 = tpu.memref_slice %arg11[%mul3A_4, %dma_start3A_52] : memref<10240x128xf32, #tpu.memory_space<vmem_shared>> -> memref<640x128xf32, #tpu.memory_space<vmem_shared>>
      tpu.enqueue_dma source(%dma_start3A_53 : memref<640x128xf32, #tpu.memory_space<vmem_shared>>) target(%dma_start3A_51 : memref<640x128xf32, #tpu.memory_space<hbm>>) target_semaphore(%run_scoped3A : memref<!tpu.dma_semaphore, #tpu.memory_space<semaphore_mem>>)
      %dma_wait3A_54 = arith.constant 0 : i32
      %dma_wait3A_55 = tpu.memref_slice %arg6[%arg0, %mul3A_4, %dma_wait3A_54] : memref<2x10240x128xf32, #tpu.memory_space<hbm>> -> memref<1x640x128xf32, #tpu.memory_space<hbm>>
      %dma_wait3A_56 = tpu.memref_squeeze %dma_wait3A_55 : memref<1x640x128xf32, #tpu.memory_space<hbm>> -> memref<640x128xf32, #tpu.memory_space<hbm>>
      %dma_wait3A_57 = arith.constant 0 : i32
      %dma_wait3A_58 = tpu.memref_slice %arg11[%mul3A_4, %dma_wait3A_57] : memref<10240x128xf32, #tpu.memory_space<vmem_shared>> -> memref<640x128xf32, #tpu.memory_space<vmem_shared>>
      tpu.wait_dma2 semaphore(%run_scoped3A : memref<!tpu.dma_semaphore, #tpu.memory_space<semaphore_mem>>) src(%dma_wait3A_58 : memref<640x128xf32, #tpu.memory_space<vmem_shared>>) dst(%dma_wait3A_56 : memref<640x128xf32, #tpu.memory_space<hbm>>)
      tpu.yield
    }) : () -> ()
    return
  }
}

#map = affine_map<(d0, d1) -> (0, 0)>
#map1 = affine_map<(d0, d1) -> (0, 0, 0)>
module attributes {stable_mosaic.version = 14 : i64} {
  func.func @_seg_body(%arg0: i32, %arg1: i32, %arg2: memref<10000x128xf32, #tpu.memory_space<hbm>>, %arg3: memref<2560x125xi32, #tpu.memory_space<hbm>>, %arg4: memref<2560x125xi32, #tpu.memory_space<hbm>>, %arg5: memref<640x128xf32, #tpu.memory_space<hbm>>, %arg6: memref<2x10240x128xf32, #tpu.memory_space<hbm>>, %arg7: memref<40x125xi32, #tpu.memory_space<vmem>>, %arg8: memref<40x125xi32, #tpu.memory_space<vmem>>, %arg9: memref<125x128xf32, #tpu.memory_space<vmem>>, %arg10: memref<125x128xf32, #tpu.memory_space<vmem>>, %arg11: memref<10240x128xf32, #tpu.memory_space<vmem_shared>>, %arg12: memref<2x!tpu.dma_semaphore, #tpu.memory_space<semaphore_mem>>, %arg13: memref<2x!tpu.dma_semaphore, #tpu.memory_space<semaphore_mem>>) attributes {dimension_semantics = [#tpu.dimension_semantics<core_parallel>, #tpu.dimension_semantics<subcore_parallel>], iteration_bounds = array<i64: 2, 16>, scalar_prefetch = 0 : i64, scratch_operands = 7 : i64, tpu.core_type = #tpu.core_type<sc_vector_subcore>, window_params = [{transform_indices = #map}, {transform_indices = #map}, {transform_indices = #map}, {transform_indices = #map}, {transform_indices = #map1}]} {
    %mul3A = arith.constant 16 : i32
    %mul3A_0 = arith.muli %arg0, %mul3A : i32
    %add3A = arith.addi %mul3A_0, %arg1 : i32
    %mul3A_1 = arith.constant 80 : i32
    %mul3A_2 = arith.muli %add3A, %mul3A_1 : i32
    %mul3A_3 = arith.constant 640 : i32
    %mul3A_4 = arith.muli %arg1, %mul3A_3 : i32
    "tpu.region"() ({
      %run_scoped3A = tpu.sem_alloc : memref<!tpu.dma_semaphore, #tpu.memory_space<semaphore_mem>>
      %dma_start3A_49 = arith.constant 0 : i32
      %dma_start3A_50 = tpu.memref_slice %arg3[%mul3A_2, %dma_start3A_49] : memref<2560x125xi32, #tpu.memory_space<hbm>> -> memref<40x125xi32, #tpu.memory_space<hbm>>
      %dma_start3A_51 = arith.constant 0 : i32
      %dma_start3A_52 = tpu.memref_slice %arg3[%mul3A_2, %dma_start3A_51] : memref<2560x125xi32, #tpu.memory_space<hbm>> -> memref<40x125xi32, #tpu.memory_space<hbm>>
      tpu.enqueue_dma source(%dma_start3A_52 : memref<40x125xi32, #tpu.memory_space<hbm>>) target(%arg7 : memref<40x125xi32, #tpu.memory_space<vmem>>) target_semaphore(%run_scoped3A : memref<!tpu.dma_semaphore, #tpu.memory_space<semaphore_mem>>)
      %dma_wait3A_53 = arith.constant 0 : i32
      %dma_wait3A_54 = tpu.memref_slice %arg3[%mul3A_2, %dma_wait3A_53] : memref<2560x125xi32, #tpu.memory_space<hbm>> -> memref<40x125xi32, #tpu.memory_space<hbm>>
      %dma_wait3A_55 = arith.constant 0 : i32
      %dma_wait3A_56 = tpu.memref_slice %arg3[%mul3A_2, %dma_wait3A_55] : memref<2560x125xi32, #tpu.memory_space<hbm>> -> memref<40x125xi32, #tpu.memory_space<hbm>>
      tpu.wait_dma2 semaphore(%run_scoped3A : memref<!tpu.dma_semaphore, #tpu.memory_space<semaphore_mem>>) src(%dma_wait3A_56 : memref<40x125xi32, #tpu.memory_space<hbm>>) dst(%arg7 : memref<40x125xi32, #tpu.memory_space<vmem>>)
      tpu.yield
    }) : () -> ()
    "tpu.region"() ({
      %run_scoped3A = tpu.sem_alloc : memref<!tpu.dma_semaphore, #tpu.memory_space<semaphore_mem>>
      %dma_start3A_49 = arith.constant 0 : i32
      %dma_start3A_50 = tpu.memref_slice %arg4[%mul3A_2, %dma_start3A_49] : memref<2560x125xi32, #tpu.memory_space<hbm>> -> memref<40x125xi32, #tpu.memory_space<hbm>>
      %dma_start3A_51 = arith.constant 0 : i32
      %dma_start3A_52 = tpu.memref_slice %arg4[%mul3A_2, %dma_start3A_51] : memref<2560x125xi32, #tpu.memory_space<hbm>> -> memref<40x125xi32, #tpu.memory_space<hbm>>
      tpu.enqueue_dma source(%dma_start3A_52 : memref<40x125xi32, #tpu.memory_space<hbm>>) target(%arg8 : memref<40x125xi32, #tpu.memory_space<vmem>>) target_semaphore(%run_scoped3A : memref<!tpu.dma_semaphore, #tpu.memory_space<semaphore_mem>>)
      %dma_wait3A_53 = arith.constant 0 : i32
      %dma_wait3A_54 = tpu.memref_slice %arg4[%mul3A_2, %dma_wait3A_53] : memref<2560x125xi32, #tpu.memory_space<hbm>> -> memref<40x125xi32, #tpu.memory_space<hbm>>
      %dma_wait3A_55 = arith.constant 0 : i32
      %dma_wait3A_56 = tpu.memref_slice %arg4[%mul3A_2, %dma_wait3A_55] : memref<2560x125xi32, #tpu.memory_space<hbm>> -> memref<40x125xi32, #tpu.memory_space<hbm>>
      tpu.wait_dma2 semaphore(%run_scoped3A : memref<!tpu.dma_semaphore, #tpu.memory_space<semaphore_mem>>) src(%dma_wait3A_56 : memref<40x125xi32, #tpu.memory_space<hbm>>) dst(%arg8 : memref<40x125xi32, #tpu.memory_space<vmem>>)
      tpu.yield
    }) : () -> ()
    "tpu.region"() ({
      %run_scoped3A = tpu.sem_alloc : memref<!tpu.dma_semaphore, #tpu.memory_space<semaphore_mem>>
      %dma_start3A_49 = arith.constant 0 : i32
      %dma_start3A_50 = tpu.memref_slice %arg11[%mul3A_4, %dma_start3A_49] : memref<10240x128xf32, #tpu.memory_space<vmem_shared>> -> memref<640x128xf32, #tpu.memory_space<vmem_shared>>
      tpu.enqueue_dma source(%arg5 : memref<640x128xf32, #tpu.memory_space<hbm>>) target(%dma_start3A_50 : memref<640x128xf32, #tpu.memory_space<vmem_shared>>) target_semaphore(%run_scoped3A : memref<!tpu.dma_semaphore, #tpu.memory_space<semaphore_mem>>)
      %dma_wait3A_51 = arith.constant 0 : i32
      %dma_wait3A_52 = tpu.memref_slice %arg11[%mul3A_4, %dma_wait3A_51] : memref<10240x128xf32, #tpu.memory_space<vmem_shared>> -> memref<640x128xf32, #tpu.memory_space<vmem_shared>>
      tpu.wait_dma2 semaphore(%run_scoped3A : memref<!tpu.dma_semaphore, #tpu.memory_space<semaphore_mem>>) src(%arg5 : memref<640x128xf32, #tpu.memory_space<hbm>>) dst(%dma_wait3A_52 : memref<640x128xf32, #tpu.memory_space<vmem_shared>>)
      tpu.yield
    }) : () -> ()
    %barrier3A = arith.constant 0 : index
    tpu.barrier barrier_id(%barrier3A)
    %dma_start3A = arith.constant 0 : i32
    %dma_start3A_5 = arith.constant 0 : i32
    %dma_start3A_6 = arith.constant 0 : i32
    %dma_start3A_7 = tpu.memref_slice %arg7[%dma_start3A, %dma_start3A_6] : memref<40x125xi32, #tpu.memory_space<vmem>> -> memref<1x125xi32, #tpu.memory_space<vmem>>
    %dma_start3A_8 = tpu.memref_squeeze %dma_start3A_7 : memref<1x125xi32, #tpu.memory_space<vmem>> -> memref<125xi32, #tpu.memory_space<vmem>>
    %dma_start3A_9 = arith.constant 0 : i32
    %dma_start3A_10 = arith.constant 0 : i32
    %dma_start3A_11 = tpu.memref_slice %arg2[%dma_start3A_9, %dma_start3A_10] : memref<10000x128xf32, #tpu.memory_space<hbm>> -> memref<10000x128xf32, #tpu.memory_space<hbm>>
    %dma_start3A_12 = tpu.memref_slice %arg12[%dma_start3A_5] : memref<2x!tpu.dma_semaphore, #tpu.memory_space<semaphore_mem>> -> memref<1x!tpu.dma_semaphore, #tpu.memory_space<semaphore_mem>>
    %dma_start3A_13 = tpu.memref_squeeze %dma_start3A_12 : memref<1x!tpu.dma_semaphore, #tpu.memory_space<semaphore_mem>> -> memref<!tpu.dma_semaphore, #tpu.memory_space<semaphore_mem>>
    tpu.enqueue_indirect_dma source(%dma_start3A_11 : memref<10000x128xf32, #tpu.memory_space<hbm>>) target(%arg9 : memref<125x128xf32, #tpu.memory_space<vmem>>) offsets(%dma_start3A_8 : memref<125xi32, #tpu.memory_space<vmem>>) semaphore(%dma_start3A_13 : memref<!tpu.dma_semaphore, #tpu.memory_space<semaphore_mem>>)
    %dma_start3A_14 = arith.constant 1 : i32
    %dma_start3A_15 = arith.constant 1 : i32
    %dma_start3A_16 = arith.constant 0 : i32
    %dma_start3A_17 = tpu.memref_slice %arg7[%dma_start3A_14, %dma_start3A_16] : memref<40x125xi32, #tpu.memory_space<vmem>> -> memref<1x125xi32, #tpu.memory_space<vmem>>
    %dma_start3A_18 = tpu.memref_squeeze %dma_start3A_17 : memref<1x125xi32, #tpu.memory_space<vmem>> -> memref<125xi32, #tpu.memory_space<vmem>>
    %dma_start3A_19 = arith.constant 0 : i32
    %dma_start3A_20 = arith.constant 0 : i32
    %dma_start3A_21 = tpu.memref_slice %arg2[%dma_start3A_19, %dma_start3A_20] : memref<10000x128xf32, #tpu.memory_space<hbm>> -> memref<10000x128xf32, #tpu.memory_space<hbm>>
    %dma_start3A_22 = tpu.memref_slice %arg12[%dma_start3A_15] : memref<2x!tpu.dma_semaphore, #tpu.memory_space<semaphore_mem>> -> memref<1x!tpu.dma_semaphore, #tpu.memory_space<semaphore_mem>>
    %dma_start3A_23 = tpu.memref_squeeze %dma_start3A_22 : memref<1x!tpu.dma_semaphore, #tpu.memory_space<semaphore_mem>> -> memref<!tpu.dma_semaphore, #tpu.memory_space<semaphore_mem>>
    tpu.enqueue_indirect_dma source(%dma_start3A_21 : memref<10000x128xf32, #tpu.memory_space<hbm>>) target(%arg10 : memref<125x128xf32, #tpu.memory_space<vmem>>) offsets(%dma_start3A_18 : memref<125xi32, #tpu.memory_space<vmem>>) semaphore(%dma_start3A_23 : memref<!tpu.dma_semaphore, #tpu.memory_space<semaphore_mem>>)
    %scan3A = arith.constant 0 : i32
    %scan3A_24 = arith.constant 0 : i32
    %scan3A_25 = arith.constant 40 : i32
    %scan3A_26 = arith.addi %scan3A_24, %scan3A_25 : i32
    %scan3A_27 = arith.constant 1 : i32
    scf.for %scan3A_49 = %scan3A_24 to %scan3A_26 step %scan3A_27  : i32 {
      %mul3A_50 = arith.constant 2 : i32
      %mul3A_51 = arith.muli %scan3A_49, %mul3A_50 : i32
      %add3A_52 = arith.constant 0 : i32
      %add3A_53 = arith.addi %mul3A_51, %add3A_52 : i32
      %rem3A = arith.constant 40 : i32
      %rem3A_54 = arith.remsi %add3A_53, %rem3A : i32
      %dma_wait3A_55 = arith.constant 0 : i32
      %dma_wait3A_56 = arith.constant 0 : i32
      %dma_wait3A_57 = tpu.memref_slice %arg7[%rem3A_54, %dma_wait3A_56] : memref<40x125xi32, #tpu.memory_space<vmem>> -> memref<1x125xi32, #tpu.memory_space<vmem>>
      %dma_wait3A_58 = tpu.memref_squeeze %dma_wait3A_57 : memref<1x125xi32, #tpu.memory_space<vmem>> -> memref<125xi32, #tpu.memory_space<vmem>>
      %dma_wait3A_59 = arith.constant 0 : i32
      %dma_wait3A_60 = arith.constant 0 : i32
      %dma_wait3A_61 = tpu.memref_slice %arg2[%dma_wait3A_59, %dma_wait3A_60] : memref<10000x128xf32, #tpu.memory_space<hbm>> -> memref<10000x128xf32, #tpu.memory_space<hbm>>
      %dma_wait3A_62 = tpu.memref_slice %arg12[%dma_wait3A_55] : memref<2x!tpu.dma_semaphore, #tpu.memory_space<semaphore_mem>> -> memref<1x!tpu.dma_semaphore, #tpu.memory_space<semaphore_mem>>
      %dma_wait3A_63 = tpu.memref_squeeze %dma_wait3A_62 : memref<1x!tpu.dma_semaphore, #tpu.memory_space<semaphore_mem>> -> memref<!tpu.dma_semaphore, #tpu.memory_space<semaphore_mem>>
      tpu.wait_indirect_dma semaphore(%dma_wait3A_63 : memref<!tpu.dma_semaphore, #tpu.memory_space<semaphore_mem>>) src(%dma_wait3A_61 : memref<10000x128xf32, #tpu.memory_space<hbm>>) dst(%arg9 : memref<125x128xf32, #tpu.memory_space<vmem>>)
      %rem3A_64 = arith.constant 40 : i32
      %rem3A_65 = arith.remsi %add3A_53, %rem3A_64 : i32
      %dma_start3A_66 = arith.constant 0 : i32
      %dma_start3A_67 = arith.constant 0 : i32
      %dma_start3A_68 = tpu.memref_slice %arg8[%rem3A_65, %dma_start3A_67] : memref<40x125xi32, #tpu.memory_space<vmem>> -> memref<1x125xi32, #tpu.memory_space<vmem>>
      %dma_start3A_69 = tpu.memref_squeeze %dma_start3A_68 : memref<1x125xi32, #tpu.memory_space<vmem>> -> memref<125xi32, #tpu.memory_space<vmem>>
      %dma_start3A_70 = arith.constant 0 : i32
      %dma_start3A_71 = arith.constant 0 : i32
      %dma_start3A_72 = tpu.memref_slice %arg11[%dma_start3A_70, %dma_start3A_71] : memref<10240x128xf32, #tpu.memory_space<vmem_shared>> -> memref<10240x128xf32, #tpu.memory_space<vmem_shared>>
      %dma_start3A_73 = tpu.memref_slice %arg13[%dma_start3A_66] : memref<2x!tpu.dma_semaphore, #tpu.memory_space<semaphore_mem>> -> memref<1x!tpu.dma_semaphore, #tpu.memory_space<semaphore_mem>>
      %dma_start3A_74 = tpu.memref_squeeze %dma_start3A_73 : memref<1x!tpu.dma_semaphore, #tpu.memory_space<semaphore_mem>> -> memref<!tpu.dma_semaphore, #tpu.memory_space<semaphore_mem>>
      tpu.enqueue_indirect_dma source(%arg9 : memref<125x128xf32, #tpu.memory_space<vmem>>) target(%dma_start3A_72 : memref<10240x128xf32, #tpu.memory_space<vmem_shared>>) offsets(%dma_start3A_69 : memref<125xi32, #tpu.memory_space<vmem>>) semaphore(%dma_start3A_74 : memref<!tpu.dma_semaphore, #tpu.memory_space<semaphore_mem>>) {add = true}
      %add3A_75 = arith.constant 1 : i32
      %add3A_76 = arith.addi %mul3A_51, %add3A_75 : i32
      %rem3A_77 = arith.constant 40 : i32
      %rem3A_78 = arith.remsi %add3A_76, %rem3A_77 : i32
      %dma_wait3A_79 = arith.constant 1 : i32
      %dma_wait3A_80 = arith.constant 0 : i32
      %dma_wait3A_81 = tpu.memref_slice %arg7[%rem3A_78, %dma_wait3A_80] : memref<40x125xi32, #tpu.memory_space<vmem>> -> memref<1x125xi32, #tpu.memory_space<vmem>>
      %dma_wait3A_82 = tpu.memref_squeeze %dma_wait3A_81 : memref<1x125xi32, #tpu.memory_space<vmem>> -> memref<125xi32, #tpu.memory_space<vmem>>
      %dma_wait3A_83 = arith.constant 0 : i32
      %dma_wait3A_84 = arith.constant 0 : i32
      %dma_wait3A_85 = tpu.memref_slice %arg2[%dma_wait3A_83, %dma_wait3A_84] : memref<10000x128xf32, #tpu.memory_space<hbm>> -> memref<10000x128xf32, #tpu.memory_space<hbm>>
      %dma_wait3A_86 = tpu.memref_slice %arg12[%dma_wait3A_79] : memref<2x!tpu.dma_semaphore, #tpu.memory_space<semaphore_mem>> -> memref<1x!tpu.dma_semaphore, #tpu.memory_space<semaphore_mem>>
      %dma_wait3A_87 = tpu.memref_squeeze %dma_wait3A_86 : memref<1x!tpu.dma_semaphore, #tpu.memory_space<semaphore_mem>> -> memref<!tpu.dma_semaphore, #tpu.memory_space<semaphore_mem>>
      tpu.wait_indirect_dma semaphore(%dma_wait3A_87 : memref<!tpu.dma_semaphore, #tpu.memory_space<semaphore_mem>>) src(%dma_wait3A_85 : memref<10000x128xf32, #tpu.memory_space<hbm>>) dst(%arg10 : memref<125x128xf32, #tpu.memory_space<vmem>>)
      %rem3A_88 = arith.constant 40 : i32
      %rem3A_89 = arith.remsi %add3A_76, %rem3A_88 : i32
      %dma_start3A_90 = arith.constant 1 : i32
      %dma_start3A_91 = arith.constant 0 : i32
      %dma_start3A_92 = tpu.memref_slice %arg8[%rem3A_89, %dma_start3A_91] : memref<40x125xi32, #tpu.memory_space<vmem>> -> memref<1x125xi32, #tpu.memory_space<vmem>>
      %dma_start3A_93 = tpu.memref_squeeze %dma_start3A_92 : memref<1x125xi32, #tpu.memory_space<vmem>> -> memref<125xi32, #tpu.memory_space<vmem>>
      %dma_start3A_94 = arith.constant 0 : i32
      %dma_start3A_95 = arith.constant 0 : i32
      %dma_start3A_96 = tpu.memref_slice %arg11[%dma_start3A_94, %dma_start3A_95] : memref<10240x128xf32, #tpu.memory_space<vmem_shared>> -> memref<10240x128xf32, #tpu.memory_space<vmem_shared>>
      %dma_start3A_97 = tpu.memref_slice %arg13[%dma_start3A_90] : memref<2x!tpu.dma_semaphore, #tpu.memory_space<semaphore_mem>> -> memref<1x!tpu.dma_semaphore, #tpu.memory_space<semaphore_mem>>
      %dma_start3A_98 = tpu.memref_squeeze %dma_start3A_97 : memref<1x!tpu.dma_semaphore, #tpu.memory_space<semaphore_mem>> -> memref<!tpu.dma_semaphore, #tpu.memory_space<semaphore_mem>>
      tpu.enqueue_indirect_dma source(%arg10 : memref<125x128xf32, #tpu.memory_space<vmem>>) target(%dma_start3A_96 : memref<10240x128xf32, #tpu.memory_space<vmem_shared>>) offsets(%dma_start3A_93 : memref<125xi32, #tpu.memory_space<vmem>>) semaphore(%dma_start3A_98 : memref<!tpu.dma_semaphore, #tpu.memory_space<semaphore_mem>>) {add = true}
      %lt3A = arith.constant 39 : i32
      %lt3A_99 = arith.cmpi slt, %scan3A_49, %lt3A : i32
      %convert_element_type3A = arith.extui %lt3A_99 : i1 to i32
      %cond3A = arith.constant 0 : i32
      %cond3A_100 = arith.cmpi ne, %convert_element_type3A, %cond3A : i32
      scf.if %cond3A_100 {
        %add3A_101 = arith.constant 0 : i32
        %add3A_102 = arith.addi %mul3A_51, %add3A_101 : i32
        %rem3A_103 = arith.constant 40 : i32
        %rem3A_104 = arith.remsi %add3A_102, %rem3A_103 : i32
        %dma_wait3A_105 = arith.constant 0 : i32
        %dma_wait3A_106 = arith.constant 0 : i32
        %dma_wait3A_107 = tpu.memref_slice %arg8[%rem3A_104, %dma_wait3A_106] : memref<40x125xi32, #tpu.memory_space<vmem>> -> memref<1x125xi32, #tpu.memory_space<vmem>>
        %dma_wait3A_108 = tpu.memref_squeeze %dma_wait3A_107 : memref<1x125xi32, #tpu.memory_space<vmem>> -> memref<125xi32, #tpu.memory_space<vmem>>
        %dma_wait3A_109 = arith.constant 0 : i32
        %dma_wait3A_110 = arith.constant 0 : i32
        %dma_wait3A_111 = tpu.memref_slice %arg11[%dma_wait3A_109, %dma_wait3A_110] : memref<10240x128xf32, #tpu.memory_space<vmem_shared>> -> memref<10240x128xf32, #tpu.memory_space<vmem_shared>>
        %dma_wait3A_112 = tpu.memref_slice %arg13[%dma_wait3A_105] : memref<2x!tpu.dma_semaphore, #tpu.memory_space<semaphore_mem>> -> memref<1x!tpu.dma_semaphore, #tpu.memory_space<semaphore_mem>>
        %dma_wait3A_113 = tpu.memref_squeeze %dma_wait3A_112 : memref<1x!tpu.dma_semaphore, #tpu.memory_space<semaphore_mem>> -> memref<!tpu.dma_semaphore, #tpu.memory_space<semaphore_mem>>
        tpu.wait_indirect_dma semaphore(%dma_wait3A_113 : memref<!tpu.dma_semaphore, #tpu.memory_space<semaphore_mem>>) src(%arg9 : memref<125x128xf32, #tpu.memory_space<vmem>>) dst(%dma_wait3A_111 : memref<10240x128xf32, #tpu.memory_space<vmem_shared>>)
        %add3A_114 = arith.constant 1 : i32
        %add3A_115 = arith.addi %mul3A_51, %add3A_114 : i32
        %rem3A_116 = arith.constant 40 : i32
        %rem3A_117 = arith.remsi %add3A_115, %rem3A_116 : i32
        %dma_wait3A_118 = arith.constant 1 : i32
        %dma_wait3A_119 = arith.constant 0 : i32
        %dma_wait3A_120 = tpu.memref_slice %arg8[%rem3A_117, %dma_wait3A_119] : memref<40x125xi32, #tpu.memory_space<vmem>> -> memref<1x125xi32, #tpu.memory_space<vmem>>
        %dma_wait3A_121 = tpu.memref_squeeze %dma_wait3A_120 : memref<1x125xi32, #tpu.memory_space<vmem>> -> memref<125xi32, #tpu.memory_space<vmem>>
        %dma_wait3A_122 = arith.constant 0 : i32
        %dma_wait3A_123 = arith.constant 0 : i32
        %dma_wait3A_124 = tpu.memref_slice %arg11[%dma_wait3A_122, %dma_wait3A_123] : memref<10240x128xf32, #tpu.memory_space<vmem_shared>> -> memref<10240x128xf32, #tpu.memory_space<vmem_shared>>
        %dma_wait3A_125 = tpu.memref_slice %arg13[%dma_wait3A_118] : memref<2x!tpu.dma_semaphore, #tpu.memory_space<semaphore_mem>> -> memref<1x!tpu.dma_semaphore, #tpu.memory_space<semaphore_mem>>
        %dma_wait3A_126 = tpu.memref_squeeze %dma_wait3A_125 : memref<1x!tpu.dma_semaphore, #tpu.memory_space<semaphore_mem>> -> memref<!tpu.dma_semaphore, #tpu.memory_space<semaphore_mem>>
        tpu.wait_indirect_dma semaphore(%dma_wait3A_126 : memref<!tpu.dma_semaphore, #tpu.memory_space<semaphore_mem>>) src(%arg10 : memref<125x128xf32, #tpu.memory_space<vmem>>) dst(%dma_wait3A_124 : memref<10240x128xf32, #tpu.memory_space<vmem_shared>>)
        %eq3A = arith.constant 19 : i32
        %eq3A_127 = arith.cmpi eq, %scan3A_49, %eq3A : i32
        %convert_element_type3A_128 = arith.extui %eq3A_127 : i1 to i32
        %cond3A_129 = arith.constant 0 : i32
        %cond3A_130 = arith.cmpi ne, %convert_element_type3A_128, %cond3A_129 : i32
        scf.if %cond3A_130 {
          %add3A_161 = arith.constant 40 : i32
          %add3A_162 = arith.addi %mul3A_2, %add3A_161 : i32
          "tpu.region"() ({
            %run_scoped3A = tpu.sem_alloc : memref<!tpu.dma_semaphore, #tpu.memory_space<semaphore_mem>>
            %dma_start3A_165 = arith.constant 0 : i32
            %dma_start3A_166 = tpu.memref_slice %arg3[%add3A_162, %dma_start3A_165] : memref<2560x125xi32, #tpu.memory_space<hbm>> -> memref<40x125xi32, #tpu.memory_space<hbm>>
            %dma_start3A_167 = arith.constant 0 : i32
            %dma_start3A_168 = tpu.memref_slice %arg3[%add3A_162, %dma_start3A_167] : memref<2560x125xi32, #tpu.memory_space<hbm>> -> memref<40x125xi32, #tpu.memory_space<hbm>>
            tpu.enqueue_dma source(%dma_start3A_168 : memref<40x125xi32, #tpu.memory_space<hbm>>) target(%arg7 : memref<40x125xi32, #tpu.memory_space<vmem>>) target_semaphore(%run_scoped3A : memref<!tpu.dma_semaphore, #tpu.memory_space<semaphore_mem>>)
            %dma_wait3A_169 = arith.constant 0 : i32
            %dma_wait3A_170 = tpu.memref_slice %arg3[%add3A_162, %dma_wait3A_169] : memref<2560x125xi32, #tpu.memory_space<hbm>> -> memref<40x125xi32, #tpu.memory_space<hbm>>
            %dma_wait3A_171 = arith.constant 0 : i32
            %dma_wait3A_172 = tpu.memref_slice %arg3[%add3A_162, %dma_wait3A_171] : memref<2560x125xi32, #tpu.memory_space<hbm>> -> memref<40x125xi32, #tpu.memory_space<hbm>>
            tpu.wait_dma2 semaphore(%run_scoped3A : memref<!tpu.dma_semaphore, #tpu.memory_space<semaphore_mem>>) src(%dma_wait3A_172 : memref<40x125xi32, #tpu.memory_space<hbm>>) dst(%arg7 : memref<40x125xi32, #tpu.memory_space<vmem>>)
            tpu.yield
          }) : () -> ()
          %add3A_163 = arith.constant 40 : i32
          %add3A_164 = arith.addi %mul3A_2, %add3A_163 : i32
          "tpu.region"() ({
            %run_scoped3A = tpu.sem_alloc : memref<!tpu.dma_semaphore, #tpu.memory_space<semaphore_mem>>
            %dma_start3A_165 = arith.constant 0 : i32
            %dma_start3A_166 = tpu.memref_slice %arg4[%add3A_164, %dma_start3A_165] : memref<2560x125xi32, #tpu.memory_space<hbm>> -> memref<40x125xi32, #tpu.memory_space<hbm>>
            %dma_start3A_167 = arith.constant 0 : i32
            %dma_start3A_168 = tpu.memref_slice %arg4[%add3A_164, %dma_start3A_167] : memref<2560x125xi32, #tpu.memory_space<hbm>> -> memref<40x125xi32, #tpu.memory_space<hbm>>
            tpu.enqueue_dma source(%dma_start3A_168 : memref<40x125xi32, #tpu.memory_space<hbm>>) target(%arg8 : memref<40x125xi32, #tpu.memory_space<vmem>>) target_semaphore(%run_scoped3A : memref<!tpu.dma_semaphore, #tpu.memory_space<semaphore_mem>>)
            %dma_wait3A_169 = arith.constant 0 : i32
            %dma_wait3A_170 = tpu.memref_slice %arg4[%add3A_164, %dma_wait3A_169] : memref<2560x125xi32, #tpu.memory_space<hbm>> -> memref<40x125xi32, #tpu.memory_space<hbm>>
            %dma_wait3A_171 = arith.constant 0 : i32
            %dma_wait3A_172 = tpu.memref_slice %arg4[%add3A_164, %dma_wait3A_171] : memref<2560x125xi32, #tpu.memory_space<hbm>> -> memref<40x125xi32, #tpu.memory_space<hbm>>
            tpu.wait_dma2 semaphore(%run_scoped3A : memref<!tpu.dma_semaphore, #tpu.memory_space<semaphore_mem>>) src(%dma_wait3A_172 : memref<40x125xi32, #tpu.memory_space<hbm>>) dst(%arg8 : memref<40x125xi32, #tpu.memory_space<vmem>>)
            tpu.yield
          }) : () -> ()
        } else {
        }
        %add3A_131 = arith.constant 0 : i32
        %add3A_132 = arith.addi %mul3A_51, %add3A_131 : i32
        %add3A_133 = arith.constant 2 : i32
        %add3A_134 = arith.addi %add3A_132, %add3A_133 : i32
        %rem3A_135 = arith.constant 40 : i32
        %rem3A_136 = arith.remsi %add3A_134, %rem3A_135 : i32
        %dma_start3A_137 = arith.constant 0 : i32
        %dma_start3A_138 = arith.constant 0 : i32
        %dma_start3A_139 = tpu.memref_slice %arg7[%rem3A_136, %dma_start3A_138] : memref<40x125xi32, #tpu.memory_space<vmem>> -> memref<1x125xi32, #tpu.memory_space<vmem>>
        %dma_start3A_140 = tpu.memref_squeeze %dma_start3A_139 : memref<1x125xi32, #tpu.memory_space<vmem>> -> memref<125xi32, #tpu.memory_space<vmem>>
        %dma_start3A_141 = arith.constant 0 : i32
        %dma_start3A_142 = arith.constant 0 : i32
        %dma_start3A_143 = tpu.memref_slice %arg2[%dma_start3A_141, %dma_start3A_142] : memref<10000x128xf32, #tpu.memory_space<hbm>> -> memref<10000x128xf32, #tpu.memory_space<hbm>>
        %dma_start3A_144 = tpu.memref_slice %arg12[%dma_start3A_137] : memref<2x!tpu.dma_semaphore, #tpu.memory_space<semaphore_mem>> -> memref<1x!tpu.dma_semaphore, #tpu.memory_space<semaphore_mem>>
        %dma_start3A_145 = tpu.memref_squeeze %dma_start3A_144 : memref<1x!tpu.dma_semaphore, #tpu.memory_space<semaphore_mem>> -> memref<!tpu.dma_semaphore, #tpu.memory_space<semaphore_mem>>
        tpu.enqueue_indirect_dma source(%dma_start3A_143 : memref<10000x128xf32, #tpu.memory_space<hbm>>) target(%arg9 : memref<125x128xf32, #tpu.memory_space<vmem>>) offsets(%dma_start3A_140 : memref<125xi32, #tpu.memory_space<vmem>>) semaphore(%dma_start3A_145 : memref<!tpu.dma_semaphore, #tpu.memory_space<semaphore_mem>>)
        %add3A_146 = arith.constant 1 : i32
        %add3A_147 = arith.addi %mul3A_51, %add3A_146 : i32
        %add3A_148 = arith.constant 2 : i32
        %add3A_149 = arith.addi %add3A_147, %add3A_148 : i32
        %rem3A_150 = arith.constant 40 : i32
        %rem3A_151 = arith.remsi %add3A_149, %rem3A_150 : i32
        %dma_start3A_152 = arith.constant 1 : i32
        %dma_start3A_153 = arith.constant 0 : i32
        %dma_start3A_154 = tpu.memref_slice %arg7[%rem3A_151, %dma_start3A_153] : memref<40x125xi32, #tpu.memory_space<vmem>> -> memref<1x125xi32, #tpu.memory_space<vmem>>
        %dma_start3A_155 = tpu.memref_squeeze %dma_start3A_154 : memref<1x125xi32, #tpu.memory_space<vmem>> -> memref<125xi32, #tpu.memory_space<vmem>>
        %dma_start3A_156 = arith.constant 0 : i32
        %dma_start3A_157 = arith.constant 0 : i32
        %dma_start3A_158 = tpu.memref_slice %arg2[%dma_start3A_156, %dma_start3A_157] : memref<10000x128xf32, #tpu.memory_space<hbm>> -> memref<10000x128xf32, #tpu.memory_space<hbm>>
        %dma_start3A_159 = tpu.memref_slice %arg12[%dma_start3A_152] : memref<2x!tpu.dma_semaphore, #tpu.memory_space<semaphore_mem>> -> memref<1x!tpu.dma_semaphore, #tpu.memory_space<semaphore_mem>>
        %dma_start3A_160 = tpu.memref_squeeze %dma_start3A_159 : memref<1x!tpu.dma_semaphore, #tpu.memory_space<semaphore_mem>> -> memref<!tpu.dma_semaphore, #tpu.memory_space<semaphore_mem>>
        tpu.enqueue_indirect_dma source(%dma_start3A_158 : memref<10000x128xf32, #tpu.memory_space<hbm>>) target(%arg10 : memref<125x128xf32, #tpu.memory_space<vmem>>) offsets(%dma_start3A_155 : memref<125xi32, #tpu.memory_space<vmem>>) semaphore(%dma_start3A_160 : memref<!tpu.dma_semaphore, #tpu.memory_space<semaphore_mem>>)
      } else {
      }
    }
    %scan3A_28 = arith.constant 40 : i32
    %dma_wait3A = arith.constant 0 : i32
    %dma_wait3A_29 = arith.constant 0 : i32
    %dma_wait3A_30 = arith.constant 0 : i32
    %dma_wait3A_31 = tpu.memref_slice %arg8[%dma_wait3A, %dma_wait3A_30] : memref<40x125xi32, #tpu.memory_space<vmem>> -> memref<1x125xi32, #tpu.memory_space<vmem>>
    %dma_wait3A_32 = tpu.memref_squeeze %dma_wait3A_31 : memref<1x125xi32, #tpu.memory_space<vmem>> -> memref<125xi32, #tpu.memory_space<vmem>>
    %dma_wait3A_33 = arith.constant 0 : i32
    %dma_wait3A_34 = arith.constant 0 : i32
    %dma_wait3A_35 = tpu.memref_slice %arg11[%dma_wait3A_33, %dma_wait3A_34] : memref<10240x128xf32, #tpu.memory_space<vmem_shared>> -> memref<10240x128xf32, #tpu.memory_space<vmem_shared>>
    %dma_wait3A_36 = tpu.memref_slice %arg13[%dma_wait3A_29] : memref<2x!tpu.dma_semaphore, #tpu.memory_space<semaphore_mem>> -> memref<1x!tpu.dma_semaphore, #tpu.memory_space<semaphore_mem>>
    %dma_wait3A_37 = tpu.memref_squeeze %dma_wait3A_36 : memref<1x!tpu.dma_semaphore, #tpu.memory_space<semaphore_mem>> -> memref<!tpu.dma_semaphore, #tpu.memory_space<semaphore_mem>>
    tpu.wait_indirect_dma semaphore(%dma_wait3A_37 : memref<!tpu.dma_semaphore, #tpu.memory_space<semaphore_mem>>) src(%arg9 : memref<125x128xf32, #tpu.memory_space<vmem>>) dst(%dma_wait3A_35 : memref<10240x128xf32, #tpu.memory_space<vmem_shared>>)
    %dma_wait3A_38 = arith.constant 0 : i32
    %dma_wait3A_39 = arith.constant 1 : i32
    %dma_wait3A_40 = arith.constant 0 : i32
    %dma_wait3A_41 = tpu.memref_slice %arg8[%dma_wait3A_38, %dma_wait3A_40] : memref<40x125xi32, #tpu.memory_space<vmem>> -> memref<1x125xi32, #tpu.memory_space<vmem>>
    %dma_wait3A_42 = tpu.memref_squeeze %dma_wait3A_41 : memref<1x125xi32, #tpu.memory_space<vmem>> -> memref<125xi32, #tpu.memory_space<vmem>>
    %dma_wait3A_43 = arith.constant 0 : i32
    %dma_wait3A_44 = arith.constant 0 : i32
    %dma_wait3A_45 = tpu.memref_slice %arg11[%dma_wait3A_43, %dma_wait3A_44] : memref<10240x128xf32, #tpu.memory_space<vmem_shared>> -> memref<10240x128xf32, #tpu.memory_space<vmem_shared>>
    %dma_wait3A_46 = tpu.memref_slice %arg13[%dma_wait3A_39] : memref<2x!tpu.dma_semaphore, #tpu.memory_space<semaphore_mem>> -> memref<1x!tpu.dma_semaphore, #tpu.memory_space<semaphore_mem>>
    %dma_wait3A_47 = tpu.memref_squeeze %dma_wait3A_46 : memref<1x!tpu.dma_semaphore, #tpu.memory_space<semaphore_mem>> -> memref<!tpu.dma_semaphore, #tpu.memory_space<semaphore_mem>>
    tpu.wait_indirect_dma semaphore(%dma_wait3A_47 : memref<!tpu.dma_semaphore, #tpu.memory_space<semaphore_mem>>) src(%arg10 : memref<125x128xf32, #tpu.memory_space<vmem>>) dst(%dma_wait3A_45 : memref<10240x128xf32, #tpu.memory_space<vmem_shared>>)
    %barrier3A_48 = arith.constant 0 : index
    tpu.barrier barrier_id(%barrier3A_48)
    "tpu.region"() ({
      %run_scoped3A = tpu.sem_alloc : memref<!tpu.dma_semaphore, #tpu.memory_space<semaphore_mem>>
      %dma_start3A_49 = arith.constant 0 : i32
      %dma_start3A_50 = tpu.memref_slice %arg6[%arg0, %mul3A_4, %dma_start3A_49] : memref<2x10240x128xf32, #tpu.memory_space<hbm>> -> memref<1x640x128xf32, #tpu.memory_space<hbm>>
      %dma_start3A_51 = tpu.memref_squeeze %dma_start3A_50 : memref<1x640x128xf32, #tpu.memory_space<hbm>> -> memref<640x128xf32, #tpu.memory_space<hbm>>
      %dma_start3A_52 = arith.constant 0 : i32
      %dma_start3A_53 = tpu.memref_slice %arg11[%mul3A_4, %dma_start3A_52] : memref<10240x128xf32, #tpu.memory_space<vmem_shared>> -> memref<640x128xf32, #tpu.memory_space<vmem_shared>>
      tpu.enqueue_dma source(%dma_start3A_53 : memref<640x128xf32, #tpu.memory_space<vmem_shared>>) target(%dma_start3A_51 : memref<640x128xf32, #tpu.memory_space<hbm>>) target_semaphore(%run_scoped3A : memref<!tpu.dma_semaphore, #tpu.memory_space<semaphore_mem>>)
      %dma_wait3A_54 = arith.constant 0 : i32
      %dma_wait3A_55 = tpu.memref_slice %arg6[%arg0, %mul3A_4, %dma_wait3A_54] : memref<2x10240x128xf32, #tpu.memory_space<hbm>> -> memref<1x640x128xf32, #tpu.memory_space<hbm>>
      %dma_wait3A_56 = tpu.memref_squeeze %dma_wait3A_55 : memref<1x640x128xf32, #tpu.memory_space<hbm>> -> memref<640x128xf32, #tpu.memory_space<hbm>>
      %dma_wait3A_57 = arith.constant 0 : i32
      %dma_wait3A_58 = tpu.memref_slice %arg11[%mul3A_4, %dma_wait3A_57] : memref<10240x128xf32, #tpu.memory_space<vmem_shared>> -> memref<640x128xf32, #tpu.memory_space<vmem_shared>>
      tpu.wait_dma2 semaphore(%run_scoped3A : memref<!tpu.dma_semaphore, #tpu.memory_space<semaphore_mem>>) src(%dma_wait3A_58 : memref<640x128xf32, #tpu.memory_space<vmem_shared>>) dst(%dma_wait3A_56 : memref<640x128xf32, #tpu.memory_space<hbm>>)
      tpu.yield
    }) : () -> ()
    return
  }
}

#map = affine_map<(d0, d1) -> (0, 0)>
#map1 = affine_map<(d0, d1) -> (0, 0, 0)>
module attributes {stable_mosaic.version = 14 : i64} {
  func.func @_seg_body(%arg0: i32, %arg1: i32, %arg2: memref<10000x128xf32, #tpu.memory_space<hbm>>, %arg3: memref<2560x125xi32, #tpu.memory_space<hbm>>, %arg4: memref<2560x125xi32, #tpu.memory_space<hbm>>, %arg5: memref<640x128xf32, #tpu.memory_space<hbm>>, %arg6: memref<2x10240x128xf32, #tpu.memory_space<hbm>>, %arg7: memref<40x125xi32, #tpu.memory_space<vmem>>, %arg8: memref<40x125xi32, #tpu.memory_space<vmem>>, %arg9: memref<125x128xf32, #tpu.memory_space<vmem>>, %arg10: memref<125x128xf32, #tpu.memory_space<vmem>>, %arg11: memref<10240x128xf32, #tpu.memory_space<vmem_shared>>, %arg12: memref<2x!tpu.dma_semaphore, #tpu.memory_space<semaphore_mem>>, %arg13: memref<2x!tpu.dma_semaphore, #tpu.memory_space<semaphore_mem>>) attributes {dimension_semantics = [#tpu.dimension_semantics<core_parallel>, #tpu.dimension_semantics<subcore_parallel>], iteration_bounds = array<i64: 2, 16>, scalar_prefetch = 0 : i64, scratch_operands = 7 : i64, tpu.core_type = #tpu.core_type<sc_vector_subcore>, window_params = [{transform_indices = #map}, {transform_indices = #map}, {transform_indices = #map}, {transform_indices = #map}, {transform_indices = #map1}]} {
    %mul3A = arith.constant 16 : i32
    %mul3A_0 = arith.muli %arg0, %mul3A : i32
    %add3A = arith.addi %mul3A_0, %arg1 : i32
    %mul3A_1 = arith.constant 80 : i32
    %mul3A_2 = arith.muli %add3A, %mul3A_1 : i32
    %mul3A_3 = arith.constant 640 : i32
    %mul3A_4 = arith.muli %arg1, %mul3A_3 : i32
    "tpu.region"() ({
      %run_scoped3A = tpu.sem_alloc : memref<!tpu.dma_semaphore, #tpu.memory_space<semaphore_mem>>
      %dma_start3A_49 = arith.constant 0 : i32
      %dma_start3A_50 = tpu.memref_slice %arg3[%mul3A_2, %dma_start3A_49] : memref<2560x125xi32, #tpu.memory_space<hbm>> -> memref<40x125xi32, #tpu.memory_space<hbm>>
      %dma_start3A_51 = arith.constant 0 : i32
      %dma_start3A_52 = tpu.memref_slice %arg3[%mul3A_2, %dma_start3A_51] : memref<2560x125xi32, #tpu.memory_space<hbm>> -> memref<40x125xi32, #tpu.memory_space<hbm>>
      tpu.enqueue_dma source(%dma_start3A_52 : memref<40x125xi32, #tpu.memory_space<hbm>>) target(%arg7 : memref<40x125xi32, #tpu.memory_space<vmem>>) target_semaphore(%run_scoped3A : memref<!tpu.dma_semaphore, #tpu.memory_space<semaphore_mem>>)
      %dma_wait3A_53 = arith.constant 0 : i32
      %dma_wait3A_54 = tpu.memref_slice %arg3[%mul3A_2, %dma_wait3A_53] : memref<2560x125xi32, #tpu.memory_space<hbm>> -> memref<40x125xi32, #tpu.memory_space<hbm>>
      %dma_wait3A_55 = arith.constant 0 : i32
      %dma_wait3A_56 = tpu.memref_slice %arg3[%mul3A_2, %dma_wait3A_55] : memref<2560x125xi32, #tpu.memory_space<hbm>> -> memref<40x125xi32, #tpu.memory_space<hbm>>
      tpu.wait_dma2 semaphore(%run_scoped3A : memref<!tpu.dma_semaphore, #tpu.memory_space<semaphore_mem>>) src(%dma_wait3A_56 : memref<40x125xi32, #tpu.memory_space<hbm>>) dst(%arg7 : memref<40x125xi32, #tpu.memory_space<vmem>>)
      tpu.yield
    }) : () -> ()
    "tpu.region"() ({
      %run_scoped3A = tpu.sem_alloc : memref<!tpu.dma_semaphore, #tpu.memory_space<semaphore_mem>>
      %dma_start3A_49 = arith.constant 0 : i32
      %dma_start3A_50 = tpu.memref_slice %arg4[%mul3A_2, %dma_start3A_49] : memref<2560x125xi32, #tpu.memory_space<hbm>> -> memref<40x125xi32, #tpu.memory_space<hbm>>
      %dma_start3A_51 = arith.constant 0 : i32
      %dma_start3A_52 = tpu.memref_slice %arg4[%mul3A_2, %dma_start3A_51] : memref<2560x125xi32, #tpu.memory_space<hbm>> -> memref<40x125xi32, #tpu.memory_space<hbm>>
      tpu.enqueue_dma source(%dma_start3A_52 : memref<40x125xi32, #tpu.memory_space<hbm>>) target(%arg8 : memref<40x125xi32, #tpu.memory_space<vmem>>) target_semaphore(%run_scoped3A : memref<!tpu.dma_semaphore, #tpu.memory_space<semaphore_mem>>)
      %dma_wait3A_53 = arith.constant 0 : i32
      %dma_wait3A_54 = tpu.memref_slice %arg4[%mul3A_2, %dma_wait3A_53] : memref<2560x125xi32, #tpu.memory_space<hbm>> -> memref<40x125xi32, #tpu.memory_space<hbm>>
      %dma_wait3A_55 = arith.constant 0 : i32
      %dma_wait3A_56 = tpu.memref_slice %arg4[%mul3A_2, %dma_wait3A_55] : memref<2560x125xi32, #tpu.memory_space<hbm>> -> memref<40x125xi32, #tpu.memory_space<hbm>>
      tpu.wait_dma2 semaphore(%run_scoped3A : memref<!tpu.dma_semaphore, #tpu.memory_space<semaphore_mem>>) src(%dma_wait3A_56 : memref<40x125xi32, #tpu.memory_space<hbm>>) dst(%arg8 : memref<40x125xi32, #tpu.memory_space<vmem>>)
      tpu.yield
    }) : () -> ()
    "tpu.region"() ({
      %run_scoped3A = tpu.sem_alloc : memref<!tpu.dma_semaphore, #tpu.memory_space<semaphore_mem>>
      %dma_start3A_49 = arith.constant 0 : i32
      %dma_start3A_50 = tpu.memref_slice %arg11[%mul3A_4, %dma_start3A_49] : memref<10240x128xf32, #tpu.memory_space<vmem_shared>> -> memref<640x128xf32, #tpu.memory_space<vmem_shared>>
      tpu.enqueue_dma source(%arg5 : memref<640x128xf32, #tpu.memory_space<hbm>>) target(%dma_start3A_50 : memref<640x128xf32, #tpu.memory_space<vmem_shared>>) target_semaphore(%run_scoped3A : memref<!tpu.dma_semaphore, #tpu.memory_space<semaphore_mem>>)
      %dma_wait3A_51 = arith.constant 0 : i32
      %dma_wait3A_52 = tpu.memref_slice %arg11[%mul3A_4, %dma_wait3A_51] : memref<10240x128xf32, #tpu.memory_space<vmem_shared>> -> memref<640x128xf32, #tpu.memory_space<vmem_shared>>
      tpu.wait_dma2 semaphore(%run_scoped3A : memref<!tpu.dma_semaphore, #tpu.memory_space<semaphore_mem>>) src(%arg5 : memref<640x128xf32, #tpu.memory_space<hbm>>) dst(%dma_wait3A_52 : memref<640x128xf32, #tpu.memory_space<vmem_shared>>)
      tpu.yield
    }) : () -> ()
    %barrier3A = arith.constant 0 : index
    tpu.barrier barrier_id(%barrier3A)
    %dma_start3A = arith.constant 0 : i32
    %dma_start3A_5 = arith.constant 0 : i32
    %dma_start3A_6 = arith.constant 0 : i32
    %dma_start3A_7 = tpu.memref_slice %arg7[%dma_start3A, %dma_start3A_6] : memref<40x125xi32, #tpu.memory_space<vmem>> -> memref<1x125xi32, #tpu.memory_space<vmem>>
    %dma_start3A_8 = tpu.memref_squeeze %dma_start3A_7 : memref<1x125xi32, #tpu.memory_space<vmem>> -> memref<125xi32, #tpu.memory_space<vmem>>
    %dma_start3A_9 = arith.constant 0 : i32
    %dma_start3A_10 = arith.constant 0 : i32
    %dma_start3A_11 = tpu.memref_slice %arg2[%dma_start3A_9, %dma_start3A_10] : memref<10000x128xf32, #tpu.memory_space<hbm>> -> memref<10000x128xf32, #tpu.memory_space<hbm>>
    %dma_start3A_12 = tpu.memref_slice %arg12[%dma_start3A_5] : memref<2x!tpu.dma_semaphore, #tpu.memory_space<semaphore_mem>> -> memref<1x!tpu.dma_semaphore, #tpu.memory_space<semaphore_mem>>
    %dma_start3A_13 = tpu.memref_squeeze %dma_start3A_12 : memref<1x!tpu.dma_semaphore, #tpu.memory_space<semaphore_mem>> -> memref<!tpu.dma_semaphore, #tpu.memory_space<semaphore_mem>>
    tpu.enqueue_indirect_dma source(%dma_start3A_11 : memref<10000x128xf32, #tpu.memory_space<hbm>>) target(%arg9 : memref<125x128xf32, #tpu.memory_space<vmem>>) offsets(%dma_start3A_8 : memref<125xi32, #tpu.memory_space<vmem>>) semaphore(%dma_start3A_13 : memref<!tpu.dma_semaphore, #tpu.memory_space<semaphore_mem>>)
    %dma_start3A_14 = arith.constant 1 : i32
    %dma_start3A_15 = arith.constant 1 : i32
    %dma_start3A_16 = arith.constant 0 : i32
    %dma_start3A_17 = tpu.memref_slice %arg7[%dma_start3A_14, %dma_start3A_16] : memref<40x125xi32, #tpu.memory_space<vmem>> -> memref<1x125xi32, #tpu.memory_space<vmem>>
    %dma_start3A_18 = tpu.memref_squeeze %dma_start3A_17 : memref<1x125xi32, #tpu.memory_space<vmem>> -> memref<125xi32, #tpu.memory_space<vmem>>
    %dma_start3A_19 = arith.constant 0 : i32
    %dma_start3A_20 = arith.constant 0 : i32
    %dma_start3A_21 = tpu.memref_slice %arg2[%dma_start3A_19, %dma_start3A_20] : memref<10000x128xf32, #tpu.memory_space<hbm>> -> memref<10000x128xf32, #tpu.memory_space<hbm>>
    %dma_start3A_22 = tpu.memref_slice %arg12[%dma_start3A_15] : memref<2x!tpu.dma_semaphore, #tpu.memory_space<semaphore_mem>> -> memref<1x!tpu.dma_semaphore, #tpu.memory_space<semaphore_mem>>
    %dma_start3A_23 = tpu.memref_squeeze %dma_start3A_22 : memref<1x!tpu.dma_semaphore, #tpu.memory_space<semaphore_mem>> -> memref<!tpu.dma_semaphore, #tpu.memory_space<semaphore_mem>>
    tpu.enqueue_indirect_dma source(%dma_start3A_21 : memref<10000x128xf32, #tpu.memory_space<hbm>>) target(%arg10 : memref<125x128xf32, #tpu.memory_space<vmem>>) offsets(%dma_start3A_18 : memref<125xi32, #tpu.memory_space<vmem>>) semaphore(%dma_start3A_23 : memref<!tpu.dma_semaphore, #tpu.memory_space<semaphore_mem>>)
    %scan3A = arith.constant 0 : i32
    %scan3A_24 = arith.constant 0 : i32
    %scan3A_25 = arith.constant 40 : i32
    %scan3A_26 = arith.addi %scan3A_24, %scan3A_25 : i32
    %scan3A_27 = arith.constant 1 : i32
    scf.for %scan3A_49 = %scan3A_24 to %scan3A_26 step %scan3A_27  : i32 {
      %mul3A_50 = arith.constant 2 : i32
      %mul3A_51 = arith.muli %scan3A_49, %mul3A_50 : i32
      %add3A_52 = arith.constant 0 : i32
      %add3A_53 = arith.addi %mul3A_51, %add3A_52 : i32
      %rem3A = arith.constant 40 : i32
      %rem3A_54 = arith.remsi %add3A_53, %rem3A : i32
      %dma_wait3A_55 = arith.constant 0 : i32
      %dma_wait3A_56 = arith.constant 0 : i32
      %dma_wait3A_57 = tpu.memref_slice %arg7[%rem3A_54, %dma_wait3A_56] : memref<40x125xi32, #tpu.memory_space<vmem>> -> memref<1x125xi32, #tpu.memory_space<vmem>>
      %dma_wait3A_58 = tpu.memref_squeeze %dma_wait3A_57 : memref<1x125xi32, #tpu.memory_space<vmem>> -> memref<125xi32, #tpu.memory_space<vmem>>
      %dma_wait3A_59 = arith.constant 0 : i32
      %dma_wait3A_60 = arith.constant 0 : i32
      %dma_wait3A_61 = tpu.memref_slice %arg2[%dma_wait3A_59, %dma_wait3A_60] : memref<10000x128xf32, #tpu.memory_space<hbm>> -> memref<10000x128xf32, #tpu.memory_space<hbm>>
      %dma_wait3A_62 = tpu.memref_slice %arg12[%dma_wait3A_55] : memref<2x!tpu.dma_semaphore, #tpu.memory_space<semaphore_mem>> -> memref<1x!tpu.dma_semaphore, #tpu.memory_space<semaphore_mem>>
      %dma_wait3A_63 = tpu.memref_squeeze %dma_wait3A_62 : memref<1x!tpu.dma_semaphore, #tpu.memory_space<semaphore_mem>> -> memref<!tpu.dma_semaphore, #tpu.memory_space<semaphore_mem>>
      tpu.wait_indirect_dma semaphore(%dma_wait3A_63 : memref<!tpu.dma_semaphore, #tpu.memory_space<semaphore_mem>>) src(%dma_wait3A_61 : memref<10000x128xf32, #tpu.memory_space<hbm>>) dst(%arg9 : memref<125x128xf32, #tpu.memory_space<vmem>>)
      %rem3A_64 = arith.constant 40 : i32
      %rem3A_65 = arith.remsi %add3A_53, %rem3A_64 : i32
      %dma_start3A_66 = arith.constant 0 : i32
      %dma_start3A_67 = arith.constant 0 : i32
      %dma_start3A_68 = tpu.memref_slice %arg8[%rem3A_65, %dma_start3A_67] : memref<40x125xi32, #tpu.memory_space<vmem>> -> memref<1x125xi32, #tpu.memory_space<vmem>>
      %dma_start3A_69 = tpu.memref_squeeze %dma_start3A_68 : memref<1x125xi32, #tpu.memory_space<vmem>> -> memref<125xi32, #tpu.memory_space<vmem>>
      %dma_start3A_70 = arith.constant 0 : i32
      %dma_start3A_71 = arith.constant 0 : i32
      %dma_start3A_72 = tpu.memref_slice %arg11[%dma_start3A_70, %dma_start3A_71] : memref<10240x128xf32, #tpu.memory_space<vmem_shared>> -> memref<10240x128xf32, #tpu.memory_space<vmem_shared>>
      %dma_start3A_73 = tpu.memref_slice %arg13[%dma_start3A_66] : memref<2x!tpu.dma_semaphore, #tpu.memory_space<semaphore_mem>> -> memref<1x!tpu.dma_semaphore, #tpu.memory_space<semaphore_mem>>
      %dma_start3A_74 = tpu.memref_squeeze %dma_start3A_73 : memref<1x!tpu.dma_semaphore, #tpu.memory_space<semaphore_mem>> -> memref<!tpu.dma_semaphore, #tpu.memory_space<semaphore_mem>>
      tpu.enqueue_indirect_dma source(%arg9 : memref<125x128xf32, #tpu.memory_space<vmem>>) target(%dma_start3A_72 : memref<10240x128xf32, #tpu.memory_space<vmem_shared>>) offsets(%dma_start3A_69 : memref<125xi32, #tpu.memory_space<vmem>>) semaphore(%dma_start3A_74 : memref<!tpu.dma_semaphore, #tpu.memory_space<semaphore_mem>>) {add = true}
      %add3A_75 = arith.constant 1 : i32
      %add3A_76 = arith.addi %mul3A_51, %add3A_75 : i32
      %rem3A_77 = arith.constant 40 : i32
      %rem3A_78 = arith.remsi %add3A_76, %rem3A_77 : i32
      %dma_wait3A_79 = arith.constant 1 : i32
      %dma_wait3A_80 = arith.constant 0 : i32
      %dma_wait3A_81 = tpu.memref_slice %arg7[%rem3A_78, %dma_wait3A_80] : memref<40x125xi32, #tpu.memory_space<vmem>> -> memref<1x125xi32, #tpu.memory_space<vmem>>
      %dma_wait3A_82 = tpu.memref_squeeze %dma_wait3A_81 : memref<1x125xi32, #tpu.memory_space<vmem>> -> memref<125xi32, #tpu.memory_space<vmem>>
      %dma_wait3A_83 = arith.constant 0 : i32
      %dma_wait3A_84 = arith.constant 0 : i32
      %dma_wait3A_85 = tpu.memref_slice %arg2[%dma_wait3A_83, %dma_wait3A_84] : memref<10000x128xf32, #tpu.memory_space<hbm>> -> memref<10000x128xf32, #tpu.memory_space<hbm>>
      %dma_wait3A_86 = tpu.memref_slice %arg12[%dma_wait3A_79] : memref<2x!tpu.dma_semaphore, #tpu.memory_space<semaphore_mem>> -> memref<1x!tpu.dma_semaphore, #tpu.memory_space<semaphore_mem>>
      %dma_wait3A_87 = tpu.memref_squeeze %dma_wait3A_86 : memref<1x!tpu.dma_semaphore, #tpu.memory_space<semaphore_mem>> -> memref<!tpu.dma_semaphore, #tpu.memory_space<semaphore_mem>>
      tpu.wait_indirect_dma semaphore(%dma_wait3A_87 : memref<!tpu.dma_semaphore, #tpu.memory_space<semaphore_mem>>) src(%dma_wait3A_85 : memref<10000x128xf32, #tpu.memory_space<hbm>>) dst(%arg10 : memref<125x128xf32, #tpu.memory_space<vmem>>)
      %rem3A_88 = arith.constant 40 : i32
      %rem3A_89 = arith.remsi %add3A_76, %rem3A_88 : i32
      %dma_start3A_90 = arith.constant 1 : i32
      %dma_start3A_91 = arith.constant 0 : i32
      %dma_start3A_92 = tpu.memref_slice %arg8[%rem3A_89, %dma_start3A_91] : memref<40x125xi32, #tpu.memory_space<vmem>> -> memref<1x125xi32, #tpu.memory_space<vmem>>
      %dma_start3A_93 = tpu.memref_squeeze %dma_start3A_92 : memref<1x125xi32, #tpu.memory_space<vmem>> -> memref<125xi32, #tpu.memory_space<vmem>>
      %dma_start3A_94 = arith.constant 0 : i32
      %dma_start3A_95 = arith.constant 0 : i32
      %dma_start3A_96 = tpu.memref_slice %arg11[%dma_start3A_94, %dma_start3A_95] : memref<10240x128xf32, #tpu.memory_space<vmem_shared>> -> memref<10240x128xf32, #tpu.memory_space<vmem_shared>>
      %dma_start3A_97 = tpu.memref_slice %arg13[%dma_start3A_90] : memref<2x!tpu.dma_semaphore, #tpu.memory_space<semaphore_mem>> -> memref<1x!tpu.dma_semaphore, #tpu.memory_space<semaphore_mem>>
      %dma_start3A_98 = tpu.memref_squeeze %dma_start3A_97 : memref<1x!tpu.dma_semaphore, #tpu.memory_space<semaphore_mem>> -> memref<!tpu.dma_semaphore, #tpu.memory_space<semaphore_mem>>
      tpu.enqueue_indirect_dma source(%arg10 : memref<125x128xf32, #tpu.memory_space<vmem>>) target(%dma_start3A_96 : memref<10240x128xf32, #tpu.memory_space<vmem_shared>>) offsets(%dma_start3A_93 : memref<125xi32, #tpu.memory_space<vmem>>) semaphore(%dma_start3A_98 : memref<!tpu.dma_semaphore, #tpu.memory_space<semaphore_mem>>) {add = true}
      %lt3A = arith.constant 39 : i32
      %lt3A_99 = arith.cmpi slt, %scan3A_49, %lt3A : i32
      %convert_element_type3A = arith.extui %lt3A_99 : i1 to i32
      %cond3A = arith.constant 0 : i32
      %cond3A_100 = arith.cmpi ne, %convert_element_type3A, %cond3A : i32
      scf.if %cond3A_100 {
        %add3A_101 = arith.constant 0 : i32
        %add3A_102 = arith.addi %mul3A_51, %add3A_101 : i32
        %rem3A_103 = arith.constant 40 : i32
        %rem3A_104 = arith.remsi %add3A_102, %rem3A_103 : i32
        %dma_wait3A_105 = arith.constant 0 : i32
        %dma_wait3A_106 = arith.constant 0 : i32
        %dma_wait3A_107 = tpu.memref_slice %arg8[%rem3A_104, %dma_wait3A_106] : memref<40x125xi32, #tpu.memory_space<vmem>> -> memref<1x125xi32, #tpu.memory_space<vmem>>
        %dma_wait3A_108 = tpu.memref_squeeze %dma_wait3A_107 : memref<1x125xi32, #tpu.memory_space<vmem>> -> memref<125xi32, #tpu.memory_space<vmem>>
        %dma_wait3A_109 = arith.constant 0 : i32
        %dma_wait3A_110 = arith.constant 0 : i32
        %dma_wait3A_111 = tpu.memref_slice %arg11[%dma_wait3A_109, %dma_wait3A_110] : memref<10240x128xf32, #tpu.memory_space<vmem_shared>> -> memref<10240x128xf32, #tpu.memory_space<vmem_shared>>
        %dma_wait3A_112 = tpu.memref_slice %arg13[%dma_wait3A_105] : memref<2x!tpu.dma_semaphore, #tpu.memory_space<semaphore_mem>> -> memref<1x!tpu.dma_semaphore, #tpu.memory_space<semaphore_mem>>
        %dma_wait3A_113 = tpu.memref_squeeze %dma_wait3A_112 : memref<1x!tpu.dma_semaphore, #tpu.memory_space<semaphore_mem>> -> memref<!tpu.dma_semaphore, #tpu.memory_space<semaphore_mem>>
        tpu.wait_indirect_dma semaphore(%dma_wait3A_113 : memref<!tpu.dma_semaphore, #tpu.memory_space<semaphore_mem>>) src(%arg9 : memref<125x128xf32, #tpu.memory_space<vmem>>) dst(%dma_wait3A_111 : memref<10240x128xf32, #tpu.memory_space<vmem_shared>>)
        %add3A_114 = arith.constant 1 : i32
        %add3A_115 = arith.addi %mul3A_51, %add3A_114 : i32
        %rem3A_116 = arith.constant 40 : i32
        %rem3A_117 = arith.remsi %add3A_115, %rem3A_116 : i32
        %dma_wait3A_118 = arith.constant 1 : i32
        %dma_wait3A_119 = arith.constant 0 : i32
        %dma_wait3A_120 = tpu.memref_slice %arg8[%rem3A_117, %dma_wait3A_119] : memref<40x125xi32, #tpu.memory_space<vmem>> -> memref<1x125xi32, #tpu.memory_space<vmem>>
        %dma_wait3A_121 = tpu.memref_squeeze %dma_wait3A_120 : memref<1x125xi32, #tpu.memory_space<vmem>> -> memref<125xi32, #tpu.memory_space<vmem>>
        %dma_wait3A_122 = arith.constant 0 : i32
        %dma_wait3A_123 = arith.constant 0 : i32
        %dma_wait3A_124 = tpu.memref_slice %arg11[%dma_wait3A_122, %dma_wait3A_123] : memref<10240x128xf32, #tpu.memory_space<vmem_shared>> -> memref<10240x128xf32, #tpu.memory_space<vmem_shared>>
        %dma_wait3A_125 = tpu.memref_slice %arg13[%dma_wait3A_118] : memref<2x!tpu.dma_semaphore, #tpu.memory_space<semaphore_mem>> -> memref<1x!tpu.dma_semaphore, #tpu.memory_space<semaphore_mem>>
        %dma_wait3A_126 = tpu.memref_squeeze %dma_wait3A_125 : memref<1x!tpu.dma_semaphore, #tpu.memory_space<semaphore_mem>> -> memref<!tpu.dma_semaphore, #tpu.memory_space<semaphore_mem>>
        tpu.wait_indirect_dma semaphore(%dma_wait3A_126 : memref<!tpu.dma_semaphore, #tpu.memory_space<semaphore_mem>>) src(%arg10 : memref<125x128xf32, #tpu.memory_space<vmem>>) dst(%dma_wait3A_124 : memref<10240x128xf32, #tpu.memory_space<vmem_shared>>)
        %eq3A = arith.constant 19 : i32
        %eq3A_127 = arith.cmpi eq, %scan3A_49, %eq3A : i32
        %convert_element_type3A_128 = arith.extui %eq3A_127 : i1 to i32
        %cond3A_129 = arith.constant 0 : i32
        %cond3A_130 = arith.cmpi ne, %convert_element_type3A_128, %cond3A_129 : i32
        scf.if %cond3A_130 {
          %add3A_161 = arith.constant 40 : i32
          %add3A_162 = arith.addi %mul3A_2, %add3A_161 : i32
          "tpu.region"() ({
            %run_scoped3A = tpu.sem_alloc : memref<!tpu.dma_semaphore, #tpu.memory_space<semaphore_mem>>
            %dma_start3A_165 = arith.constant 0 : i32
            %dma_start3A_166 = tpu.memref_slice %arg3[%add3A_162, %dma_start3A_165] : memref<2560x125xi32, #tpu.memory_space<hbm>> -> memref<40x125xi32, #tpu.memory_space<hbm>>
            %dma_start3A_167 = arith.constant 0 : i32
            %dma_start3A_168 = tpu.memref_slice %arg3[%add3A_162, %dma_start3A_167] : memref<2560x125xi32, #tpu.memory_space<hbm>> -> memref<40x125xi32, #tpu.memory_space<hbm>>
            tpu.enqueue_dma source(%dma_start3A_168 : memref<40x125xi32, #tpu.memory_space<hbm>>) target(%arg7 : memref<40x125xi32, #tpu.memory_space<vmem>>) target_semaphore(%run_scoped3A : memref<!tpu.dma_semaphore, #tpu.memory_space<semaphore_mem>>)
            %dma_wait3A_169 = arith.constant 0 : i32
            %dma_wait3A_170 = tpu.memref_slice %arg3[%add3A_162, %dma_wait3A_169] : memref<2560x125xi32, #tpu.memory_space<hbm>> -> memref<40x125xi32, #tpu.memory_space<hbm>>
            %dma_wait3A_171 = arith.constant 0 : i32
            %dma_wait3A_172 = tpu.memref_slice %arg3[%add3A_162, %dma_wait3A_171] : memref<2560x125xi32, #tpu.memory_space<hbm>> -> memref<40x125xi32, #tpu.memory_space<hbm>>
            tpu.wait_dma2 semaphore(%run_scoped3A : memref<!tpu.dma_semaphore, #tpu.memory_space<semaphore_mem>>) src(%dma_wait3A_172 : memref<40x125xi32, #tpu.memory_space<hbm>>) dst(%arg7 : memref<40x125xi32, #tpu.memory_space<vmem>>)
            tpu.yield
          }) : () -> ()
          %add3A_163 = arith.constant 40 : i32
          %add3A_164 = arith.addi %mul3A_2, %add3A_163 : i32
          "tpu.region"() ({
            %run_scoped3A = tpu.sem_alloc : memref<!tpu.dma_semaphore, #tpu.memory_space<semaphore_mem>>
            %dma_start3A_165 = arith.constant 0 : i32
            %dma_start3A_166 = tpu.memref_slice %arg4[%add3A_164, %dma_start3A_165] : memref<2560x125xi32, #tpu.memory_space<hbm>> -> memref<40x125xi32, #tpu.memory_space<hbm>>
            %dma_start3A_167 = arith.constant 0 : i32
            %dma_start3A_168 = tpu.memref_slice %arg4[%add3A_164, %dma_start3A_167] : memref<2560x125xi32, #tpu.memory_space<hbm>> -> memref<40x125xi32, #tpu.memory_space<hbm>>
            tpu.enqueue_dma source(%dma_start3A_168 : memref<40x125xi32, #tpu.memory_space<hbm>>) target(%arg8 : memref<40x125xi32, #tpu.memory_space<vmem>>) target_semaphore(%run_scoped3A : memref<!tpu.dma_semaphore, #tpu.memory_space<semaphore_mem>>)
            %dma_wait3A_169 = arith.constant 0 : i32
            %dma_wait3A_170 = tpu.memref_slice %arg4[%add3A_164, %dma_wait3A_169] : memref<2560x125xi32, #tpu.memory_space<hbm>> -> memref<40x125xi32, #tpu.memory_space<hbm>>
            %dma_wait3A_171 = arith.constant 0 : i32
            %dma_wait3A_172 = tpu.memref_slice %arg4[%add3A_164, %dma_wait3A_171] : memref<2560x125xi32, #tpu.memory_space<hbm>> -> memref<40x125xi32, #tpu.memory_space<hbm>>
            tpu.wait_dma2 semaphore(%run_scoped3A : memref<!tpu.dma_semaphore, #tpu.memory_space<semaphore_mem>>) src(%dma_wait3A_172 : memref<40x125xi32, #tpu.memory_space<hbm>>) dst(%arg8 : memref<40x125xi32, #tpu.memory_space<vmem>>)
            tpu.yield
          }) : () -> ()
        } else {
        }
        %add3A_131 = arith.constant 0 : i32
        %add3A_132 = arith.addi %mul3A_51, %add3A_131 : i32
        %add3A_133 = arith.constant 2 : i32
        %add3A_134 = arith.addi %add3A_132, %add3A_133 : i32
        %rem3A_135 = arith.constant 40 : i32
        %rem3A_136 = arith.remsi %add3A_134, %rem3A_135 : i32
        %dma_start3A_137 = arith.constant 0 : i32
        %dma_start3A_138 = arith.constant 0 : i32
        %dma_start3A_139 = tpu.memref_slice %arg7[%rem3A_136, %dma_start3A_138] : memref<40x125xi32, #tpu.memory_space<vmem>> -> memref<1x125xi32, #tpu.memory_space<vmem>>
        %dma_start3A_140 = tpu.memref_squeeze %dma_start3A_139 : memref<1x125xi32, #tpu.memory_space<vmem>> -> memref<125xi32, #tpu.memory_space<vmem>>
        %dma_start3A_141 = arith.constant 0 : i32
        %dma_start3A_142 = arith.constant 0 : i32
        %dma_start3A_143 = tpu.memref_slice %arg2[%dma_start3A_141, %dma_start3A_142] : memref<10000x128xf32, #tpu.memory_space<hbm>> -> memref<10000x128xf32, #tpu.memory_space<hbm>>
        %dma_start3A_144 = tpu.memref_slice %arg12[%dma_start3A_137] : memref<2x!tpu.dma_semaphore, #tpu.memory_space<semaphore_mem>> -> memref<1x!tpu.dma_semaphore, #tpu.memory_space<semaphore_mem>>
        %dma_start3A_145 = tpu.memref_squeeze %dma_start3A_144 : memref<1x!tpu.dma_semaphore, #tpu.memory_space<semaphore_mem>> -> memref<!tpu.dma_semaphore, #tpu.memory_space<semaphore_mem>>
        tpu.enqueue_indirect_dma source(%dma_start3A_143 : memref<10000x128xf32, #tpu.memory_space<hbm>>) target(%arg9 : memref<125x128xf32, #tpu.memory_space<vmem>>) offsets(%dma_start3A_140 : memref<125xi32, #tpu.memory_space<vmem>>) semaphore(%dma_start3A_145 : memref<!tpu.dma_semaphore, #tpu.memory_space<semaphore_mem>>)
        %add3A_146 = arith.constant 1 : i32
        %add3A_147 = arith.addi %mul3A_51, %add3A_146 : i32
        %add3A_148 = arith.constant 2 : i32
        %add3A_149 = arith.addi %add3A_147, %add3A_148 : i32
        %rem3A_150 = arith.constant 40 : i32
        %rem3A_151 = arith.remsi %add3A_149, %rem3A_150 : i32
        %dma_start3A_152 = arith.constant 1 : i32
        %dma_start3A_153 = arith.constant 0 : i32
        %dma_start3A_154 = tpu.memref_slice %arg7[%rem3A_151, %dma_start3A_153] : memref<40x125xi32, #tpu.memory_space<vmem>> -> memref<1x125xi32, #tpu.memory_space<vmem>>
        %dma_start3A_155 = tpu.memref_squeeze %dma_start3A_154 : memref<1x125xi32, #tpu.memory_space<vmem>> -> memref<125xi32, #tpu.memory_space<vmem>>
        %dma_start3A_156 = arith.constant 0 : i32
        %dma_start3A_157 = arith.constant 0 : i32
        %dma_start3A_158 = tpu.memref_slice %arg2[%dma_start3A_156, %dma_start3A_157] : memref<10000x128xf32, #tpu.memory_space<hbm>> -> memref<10000x128xf32, #tpu.memory_space<hbm>>
        %dma_start3A_159 = tpu.memref_slice %arg12[%dma_start3A_152] : memref<2x!tpu.dma_semaphore, #tpu.memory_space<semaphore_mem>> -> memref<1x!tpu.dma_semaphore, #tpu.memory_space<semaphore_mem>>
        %dma_start3A_160 = tpu.memref_squeeze %dma_start3A_159 : memref<1x!tpu.dma_semaphore, #tpu.memory_space<semaphore_mem>> -> memref<!tpu.dma_semaphore, #tpu.memory_space<semaphore_mem>>
        tpu.enqueue_indirect_dma source(%dma_start3A_158 : memref<10000x128xf32, #tpu.memory_space<hbm>>) target(%arg10 : memref<125x128xf32, #tpu.memory_space<vmem>>) offsets(%dma_start3A_155 : memref<125xi32, #tpu.memory_space<vmem>>) semaphore(%dma_start3A_160 : memref<!tpu.dma_semaphore, #tpu.memory_space<semaphore_mem>>)
      } else {
      }
    }
    %scan3A_28 = arith.constant 40 : i32
    %dma_wait3A = arith.constant 0 : i32
    %dma_wait3A_29 = arith.constant 0 : i32
    %dma_wait3A_30 = arith.constant 0 : i32
    %dma_wait3A_31 = tpu.memref_slice %arg8[%dma_wait3A, %dma_wait3A_30] : memref<40x125xi32, #tpu.memory_space<vmem>> -> memref<1x125xi32, #tpu.memory_space<vmem>>
    %dma_wait3A_32 = tpu.memref_squeeze %dma_wait3A_31 : memref<1x125xi32, #tpu.memory_space<vmem>> -> memref<125xi32, #tpu.memory_space<vmem>>
    %dma_wait3A_33 = arith.constant 0 : i32
    %dma_wait3A_34 = arith.constant 0 : i32
    %dma_wait3A_35 = tpu.memref_slice %arg11[%dma_wait3A_33, %dma_wait3A_34] : memref<10240x128xf32, #tpu.memory_space<vmem_shared>> -> memref<10240x128xf32, #tpu.memory_space<vmem_shared>>
    %dma_wait3A_36 = tpu.memref_slice %arg13[%dma_wait3A_29] : memref<2x!tpu.dma_semaphore, #tpu.memory_space<semaphore_mem>> -> memref<1x!tpu.dma_semaphore, #tpu.memory_space<semaphore_mem>>
    %dma_wait3A_37 = tpu.memref_squeeze %dma_wait3A_36 : memref<1x!tpu.dma_semaphore, #tpu.memory_space<semaphore_mem>> -> memref<!tpu.dma_semaphore, #tpu.memory_space<semaphore_mem>>
    tpu.wait_indirect_dma semaphore(%dma_wait3A_37 : memref<!tpu.dma_semaphore, #tpu.memory_space<semaphore_mem>>) src(%arg9 : memref<125x128xf32, #tpu.memory_space<vmem>>) dst(%dma_wait3A_35 : memref<10240x128xf32, #tpu.memory_space<vmem_shared>>)
    %dma_wait3A_38 = arith.constant 0 : i32
    %dma_wait3A_39 = arith.constant 1 : i32
    %dma_wait3A_40 = arith.constant 0 : i32
    %dma_wait3A_41 = tpu.memref_slice %arg8[%dma_wait3A_38, %dma_wait3A_40] : memref<40x125xi32, #tpu.memory_space<vmem>> -> memref<1x125xi32, #tpu.memory_space<vmem>>
    %dma_wait3A_42 = tpu.memref_squeeze %dma_wait3A_41 : memref<1x125xi32, #tpu.memory_space<vmem>> -> memref<125xi32, #tpu.memory_space<vmem>>
    %dma_wait3A_43 = arith.constant 0 : i32
    %dma_wait3A_44 = arith.constant 0 : i32
    %dma_wait3A_45 = tpu.memref_slice %arg11[%dma_wait3A_43, %dma_wait3A_44] : memref<10240x128xf32, #tpu.memory_space<vmem_shared>> -> memref<10240x128xf32, #tpu.memory_space<vmem_shared>>
    %dma_wait3A_46 = tpu.memref_slice %arg13[%dma_wait3A_39] : memref<2x!tpu.dma_semaphore, #tpu.memory_space<semaphore_mem>> -> memref<1x!tpu.dma_semaphore, #tpu.memory_space<semaphore_mem>>
    %dma_wait3A_47 = tpu.memref_squeeze %dma_wait3A_46 : memref<1x!tpu.dma_semaphore, #tpu.memory_space<semaphore_mem>> -> memref<!tpu.dma_semaphore, #tpu.memory_space<semaphore_mem>>
    tpu.wait_indirect_dma semaphore(%dma_wait3A_47 : memref<!tpu.dma_semaphore, #tpu.memory_space<semaphore_mem>>) src(%arg10 : memref<125x128xf32, #tpu.memory_space<vmem>>) dst(%dma_wait3A_45 : memref<10240x128xf32, #tpu.memory_space<vmem_shared>>)
    %barrier3A_48 = arith.constant 0 : index
    tpu.barrier barrier_id(%barrier3A_48)
    "tpu.region"() ({
      %run_scoped3A = tpu.sem_alloc : memref<!tpu.dma_semaphore, #tpu.memory_space<semaphore_mem>>
      %dma_start3A_49 = arith.constant 0 : i32
      %dma_start3A_50 = tpu.memref_slice %arg6[%arg0, %mul3A_4, %dma_start3A_49] : memref<2x10240x128xf32, #tpu.memory_space<hbm>> -> memref<1x640x128xf32, #tpu.memory_space<hbm>>
      %dma_start3A_51 = tpu.memref_squeeze %dma_start3A_50 : memref<1x640x128xf32, #tpu.memory_space<hbm>> -> memref<640x128xf32, #tpu.memory_space<hbm>>
      %dma_start3A_52 = arith.constant 0 : i32
      %dma_start3A_53 = tpu.memref_slice %arg11[%mul3A_4, %dma_start3A_52] : memref<10240x128xf32, #tpu.memory_space<vmem_shared>> -> memref<640x128xf32, #tpu.memory_space<vmem_shared>>
      tpu.enqueue_dma source(%dma_start3A_53 : memref<640x128xf32, #tpu.memory_space<vmem_shared>>) target(%dma_start3A_51 : memref<640x128xf32, #tpu.memory_space<hbm>>) target_semaphore(%run_scoped3A : memref<!tpu.dma_semaphore, #tpu.memory_space<semaphore_mem>>)
      %dma_wait3A_54 = arith.constant 0 : i32
      %dma_wait3A_55 = tpu.memref_slice %arg6[%arg0, %mul3A_4, %dma_wait3A_54] : memref<2x10240x128xf32, #tpu.memory_space<hbm>> -> memref<1x640x128xf32, #tpu.memory_space<hbm>>
      %dma_wait3A_56 = tpu.memref_squeeze %dma_wait3A_55 : memref<1x640x128xf32, #tpu.memory_space<hbm>> -> memref<640x128xf32, #tpu.memory_space<hbm>>
      %dma_wait3A_57 = arith.constant 0 : i32
      %dma_wait3A_58 = tpu.memref_slice %arg11[%mul3A_4, %dma_wait3A_57] : memref<10240x128xf32, #tpu.memory_space<vmem_shared>> -> memref<640x128xf32, #tpu.memory_space<vmem_shared>>
      tpu.wait_dma2 semaphore(%run_scoped3A : memref<!tpu.dma_semaphore, #tpu.memory_space<semaphore_mem>>) src(%dma_wait3A_58 : memref<640x128xf32, #tpu.memory_space<vmem_shared>>) dst(%dma_wait3A_56 : memref<640x128xf32, #tpu.memory_space<hbm>>)
      tpu.yield
    }) : () -> ()
    return
  }
}

#map = affine_map<(d0, d1) -> (0, 0)>
#map1 = affine_map<(d0, d1) -> (0, 0, 0)>
module attributes {stable_mosaic.version = 14 : i64} {
  func.func @_dega_body(%arg0: i32, %arg1: i32, %arg2: memref<2560x125xi32, #tpu.memory_space<hbm>>, %arg3: memref<640x128xf32, #tpu.memory_space<hbm>>, %arg4: memref<125x128xf32, #tpu.memory_space<hbm>>, %arg5: memref<2x10240x128xf32, #tpu.memory_space<hbm>>, %arg6: memref<80x125xi32, #tpu.memory_space<vmem>>, %arg7: memref<125x128xf32, #tpu.memory_space<vmem>>, %arg8: memref<10240x128xf32, #tpu.memory_space<vmem_shared>>, %arg9: memref<8x!tpu.dma_semaphore, #tpu.memory_space<semaphore_mem>>) attributes {dimension_semantics = [#tpu.dimension_semantics<core_parallel>, #tpu.dimension_semantics<subcore_parallel>], iteration_bounds = array<i64: 2, 16>, scalar_prefetch = 0 : i64, scratch_operands = 4 : i64, tpu.core_type = #tpu.core_type<sc_vector_subcore>, window_params = [{transform_indices = #map}, {transform_indices = #map}, {transform_indices = #map}, {transform_indices = #map1}]} {
    %mul3A = arith.constant 16 : i32
    %mul3A_0 = arith.muli %arg0, %mul3A : i32
    %add3A = arith.addi %mul3A_0, %arg1 : i32
    %mul3A_1 = arith.constant 80 : i32
    %mul3A_2 = arith.muli %add3A, %mul3A_1 : i32
    %mul3A_3 = arith.constant 640 : i32
    %mul3A_4 = arith.muli %arg1, %mul3A_3 : i32
    "tpu.region"() ({
      %run_scoped3A = tpu.sem_alloc : memref<!tpu.dma_semaphore, #tpu.memory_space<semaphore_mem>>
      %dma_start3A_90 = arith.constant 0 : i32
      %dma_start3A_91 = tpu.memref_slice %arg2[%mul3A_2, %dma_start3A_90] : memref<2560x125xi32, #tpu.memory_space<hbm>> -> memref<80x125xi32, #tpu.memory_space<hbm>>
      %dma_start3A_92 = arith.constant 0 : i32
      %dma_start3A_93 = tpu.memref_slice %arg2[%mul3A_2, %dma_start3A_92] : memref<2560x125xi32, #tpu.memory_space<hbm>> -> memref<80x125xi32, #tpu.memory_space<hbm>>
      tpu.enqueue_dma source(%dma_start3A_93 : memref<80x125xi32, #tpu.memory_space<hbm>>) target(%arg6 : memref<80x125xi32, #tpu.memory_space<vmem>>) target_semaphore(%run_scoped3A : memref<!tpu.dma_semaphore, #tpu.memory_space<semaphore_mem>>)
      %dma_wait3A = arith.constant 0 : i32
      %dma_wait3A_94 = tpu.memref_slice %arg2[%mul3A_2, %dma_wait3A] : memref<2560x125xi32, #tpu.memory_space<hbm>> -> memref<80x125xi32, #tpu.memory_space<hbm>>
      %dma_wait3A_95 = arith.constant 0 : i32
      %dma_wait3A_96 = tpu.memref_slice %arg2[%mul3A_2, %dma_wait3A_95] : memref<2560x125xi32, #tpu.memory_space<hbm>> -> memref<80x125xi32, #tpu.memory_space<hbm>>
      tpu.wait_dma2 semaphore(%run_scoped3A : memref<!tpu.dma_semaphore, #tpu.memory_space<semaphore_mem>>) src(%dma_wait3A_96 : memref<80x125xi32, #tpu.memory_space<hbm>>) dst(%arg6 : memref<80x125xi32, #tpu.memory_space<vmem>>)
      tpu.yield
    }) : () -> ()
    "tpu.region"() ({
      %run_scoped3A = tpu.sem_alloc : memref<!tpu.dma_semaphore, #tpu.memory_space<semaphore_mem>>
      tpu.enqueue_dma source(%arg4 : memref<125x128xf32, #tpu.memory_space<hbm>>) target(%arg7 : memref<125x128xf32, #tpu.memory_space<vmem>>) target_semaphore(%run_scoped3A : memref<!tpu.dma_semaphore, #tpu.memory_space<semaphore_mem>>)
      tpu.wait_dma2 semaphore(%run_scoped3A : memref<!tpu.dma_semaphore, #tpu.memory_space<semaphore_mem>>) src(%arg4 : memref<125x128xf32, #tpu.memory_space<hbm>>) dst(%arg7 : memref<125x128xf32, #tpu.memory_space<vmem>>)
      tpu.yield
    }) : () -> ()
    "tpu.region"() ({
      %run_scoped3A = tpu.sem_alloc : memref<!tpu.dma_semaphore, #tpu.memory_space<semaphore_mem>>
      %dma_start3A_90 = arith.constant 0 : i32
      %dma_start3A_91 = tpu.memref_slice %arg8[%mul3A_4, %dma_start3A_90] : memref<10240x128xf32, #tpu.memory_space<vmem_shared>> -> memref<640x128xf32, #tpu.memory_space<vmem_shared>>
      tpu.enqueue_dma source(%arg3 : memref<640x128xf32, #tpu.memory_space<hbm>>) target(%dma_start3A_91 : memref<640x128xf32, #tpu.memory_space<vmem_shared>>) target_semaphore(%run_scoped3A : memref<!tpu.dma_semaphore, #tpu.memory_space<semaphore_mem>>)
      %dma_wait3A = arith.constant 0 : i32
      %dma_wait3A_92 = tpu.memref_slice %arg8[%mul3A_4, %dma_wait3A] : memref<10240x128xf32, #tpu.memory_space<vmem_shared>> -> memref<640x128xf32, #tpu.memory_space<vmem_shared>>
      tpu.wait_dma2 semaphore(%run_scoped3A : memref<!tpu.dma_semaphore, #tpu.memory_space<semaphore_mem>>) src(%arg3 : memref<640x128xf32, #tpu.memory_space<hbm>>) dst(%dma_wait3A_92 : memref<640x128xf32, #tpu.memory_space<vmem_shared>>)
      tpu.yield
    }) : () -> ()
    %barrier3A = arith.constant 0 : index
    tpu.barrier barrier_id(%barrier3A)
    %dma_start3A = arith.constant 0 : i32
    %dma_start3A_5 = arith.constant 0 : i32
    %dma_start3A_6 = arith.constant 0 : i32
    %dma_start3A_7 = tpu.memref_slice %arg6[%dma_start3A, %dma_start3A_6] : memref<80x125xi32, #tpu.memory_space<vmem>> -> memref<1x125xi32, #tpu.memory_space<vmem>>
    %dma_start3A_8 = tpu.memref_squeeze %dma_start3A_7 : memref<1x125xi32, #tpu.memory_space<vmem>> -> memref<125xi32, #tpu.memory_space<vmem>>
    %dma_start3A_9 = arith.constant 0 : i32
    %dma_start3A_10 = arith.constant 0 : i32
    %dma_start3A_11 = tpu.memref_slice %arg8[%dma_start3A_9, %dma_start3A_10] : memref<10240x128xf32, #tpu.memory_space<vmem_shared>> -> memref<10240x128xf32, #tpu.memory_space<vmem_shared>>
    %dma_start3A_12 = tpu.memref_slice %arg9[%dma_start3A_5] : memref<8x!tpu.dma_semaphore, #tpu.memory_space<semaphore_mem>> -> memref<1x!tpu.dma_semaphore, #tpu.memory_space<semaphore_mem>>
    %dma_start3A_13 = tpu.memref_squeeze %dma_start3A_12 : memref<1x!tpu.dma_semaphore, #tpu.memory_space<semaphore_mem>> -> memref<!tpu.dma_semaphore, #tpu.memory_space<semaphore_mem>>
    tpu.enqueue_indirect_dma source(%arg7 : memref<125x128xf32, #tpu.memory_space<vmem>>) target(%dma_start3A_11 : memref<10240x128xf32, #tpu.memory_space<vmem_shared>>) offsets(%dma_start3A_8 : memref<125xi32, #tpu.memory_space<vmem>>) semaphore(%dma_start3A_13 : memref<!tpu.dma_semaphore, #tpu.memory_space<semaphore_mem>>) {add = true}
    %dma_start3A_14 = arith.constant 1 : i32
    %dma_start3A_15 = arith.constant 1 : i32
    %dma_start3A_16 = arith.constant 0 : i32
    %dma_start3A_17 = tpu.memref_slice %arg6[%dma_start3A_14, %dma_start3A_16] : memref<80x125xi32, #tpu.memory_space<vmem>> -> memref<1x125xi32, #tpu.memory_space<vmem>>
    %dma_start3A_18 = tpu.memref_squeeze %dma_start3A_17 : memref<1x125xi32, #tpu.memory_space<vmem>> -> memref<125xi32, #tpu.memory_space<vmem>>
    %dma_start3A_19 = arith.constant 0 : i32
    %dma_start3A_20 = arith.constant 0 : i32
    %dma_start3A_21 = tpu.memref_slice %arg8[%dma_start3A_19, %dma_start3A_20] : memref<10240x128xf32, #tpu.memory_space<vmem_shared>> -> memref<10240x128xf32, #tpu.memory_space<vmem_shared>>
    %dma_start3A_22 = tpu.memref_slice %arg9[%dma_start3A_15] : memref<8x!tpu.dma_semaphore, #tpu.memory_space<semaphore_mem>> -> memref<1x!tpu.dma_semaphore, #tpu.memory_space<semaphore_mem>>
    %dma_start3A_23 = tpu.memref_squeeze %dma_start3A_22 : memref<1x!tpu.dma_semaphore, #tpu.memory_space<semaphore_mem>> -> memref<!tpu.dma_semaphore, #tpu.memory_space<semaphore_mem>>
    tpu.enqueue_indirect_dma source(%arg7 : memref<125x128xf32, #tpu.memory_space<vmem>>) target(%dma_start3A_21 : memref<10240x128xf32, #tpu.memory_space<vmem_shared>>) offsets(%dma_start3A_18 : memref<125xi32, #tpu.memory_space<vmem>>) semaphore(%dma_start3A_23 : memref<!tpu.dma_semaphore, #tpu.memory_space<semaphore_mem>>) {add = true}
    %dma_start3A_24 = arith.constant 2 : i32
    %dma_start3A_25 = arith.constant 2 : i32
    %dma_start3A_26 = arith.constant 0 : i32
    %dma_start3A_27 = tpu.memref_slice %arg6[%dma_start3A_24, %dma_start3A_26] : memref<80x125xi32, #tpu.memory_space<vmem>> -> memref<1x125xi32, #tpu.memory_space<vmem>>
    %dma_start3A_28 = tpu.memref_squeeze %dma_start3A_27 : memref<1x125xi32, #tpu.memory_space<vmem>> -> memref<125xi32, #tpu.memory_space<vmem>>
    %dma_start3A_29 = arith.constant 0 : i32
    %dma_start3A_30 = arith.constant 0 : i32
    %dma_start3A_31 = tpu.memref_slice %arg8[%dma_start3A_29, %dma_start3A_30] : memref<10240x128xf32, #tpu.memory_space<vmem_shared>> -> memref<10240x128xf32, #tpu.memory_space<vmem_shared>>
    %dma_start3A_32 = tpu.memref_slice %arg9[%dma_start3A_25] : memref<8x!tpu.dma_semaphore, #tpu.memory_space<semaphore_mem>> -> memref<1x!tpu.dma_semaphore, #tpu.memory_space<semaphore_mem>>
    %dma_start3A_33 = tpu.memref_squeeze %dma_start3A_32 : memref<1x!tpu.dma_semaphore, #tpu.memory_space<semaphore_mem>> -> memref<!tpu.dma_semaphore, #tpu.memory_space<semaphore_mem>>
    tpu.enqueue_indirect_dma source(%arg7 : memref<125x128xf32, #tpu.memory_space<vmem>>) target(%dma_start3A_31 : memref<10240x128xf32, #tpu.memory_space<vmem_shared>>) offsets(%dma_start3A_28 : memref<125xi32, #tpu.memory_space<vmem>>) semaphore(%dma_start3A_33 : memref<!tpu.dma_semaphore, #tpu.memory_space<semaphore_mem>>) {add = true}
    %dma_start3A_34 = arith.constant 3 : i32
    %dma_start3A_35 = arith.constant 3 : i32
    %dma_start3A_36 = arith.constant 0 : i32
    %dma_start3A_37 = tpu.memref_slice %arg6[%dma_start3A_34, %dma_start3A_36] : memref<80x125xi32, #tpu.memory_space<vmem>> -> memref<1x125xi32, #tpu.memory_space<vmem>>
    %dma_start3A_38 = tpu.memref_squeeze %dma_start3A_37 : memref<1x125xi32, #tpu.memory_space<vmem>> -> memref<125xi32, #tpu.memory_space<vmem>>
    %dma_start3A_39 = arith.constant 0 : i32
    %dma_start3A_40 = arith.constant 0 : i32
    %dma_start3A_41 = tpu.memref_slice %arg8[%dma_start3A_39, %dma_start3A_40] : memref<10240x128xf32, #tpu.memory_space<vmem_shared>> -> memref<10240x128xf32, #tpu.memory_space<vmem_shared>>
    %dma_start3A_42 = tpu.memref_slice %arg9[%dma_start3A_35] : memref<8x!tpu.dma_semaphore, #tpu.memory_space<semaphore_mem>> -> memref<1x!tpu.dma_semaphore, #tpu.memory_space<semaphore_mem>>
    %dma_start3A_43 = tpu.memref_squeeze %dma_start3A_42 : memref<1x!tpu.dma_semaphore, #tpu.memory_space<semaphore_mem>> -> memref<!tpu.dma_semaphore, #tpu.memory_space<semaphore_mem>>
    tpu.enqueue_indirect_dma source(%arg7 : memref<125x128xf32, #tpu.memory_space<vmem>>) target(%dma_start3A_41 : memref<10240x128xf32, #tpu.memory_space<vmem_shared>>) offsets(%dma_start3A_38 : memref<125xi32, #tpu.memory_space<vmem>>) semaphore(%dma_start3A_43 : memref<!tpu.dma_semaphore, #tpu.memory_space<semaphore_mem>>) {add = true}
    %dma_start3A_44 = arith.constant 4 : i32
    %dma_start3A_45 = arith.constant 4 : i32
    %dma_start3A_46 = arith.constant 0 : i32
    %dma_start3A_47 = tpu.memref_slice %arg6[%dma_start3A_44, %dma_start3A_46] : memref<80x125xi32, #tpu.memory_space<vmem>> -> memref<1x125xi32, #tpu.memory_space<vmem>>
    %dma_start3A_48 = tpu.memref_squeeze %dma_start3A_47 : memref<1x125xi32, #tpu.memory_space<vmem>> -> memref<125xi32, #tpu.memory_space<vmem>>
    %dma_start3A_49 = arith.constant 0 : i32
    %dma_start3A_50 = arith.constant 0 : i32
    %dma_start3A_51 = tpu.memref_slice %arg8[%dma_start3A_49, %dma_start3A_50] : memref<10240x128xf32, #tpu.memory_space<vmem_shared>> -> memref<10240x128xf32, #tpu.memory_space<vmem_shared>>
    %dma_start3A_52 = tpu.memref_slice %arg9[%dma_start3A_45] : memref<8x!tpu.dma_semaphore, #tpu.memory_space<semaphore_mem>> -> memref<1x!tpu.dma_semaphore, #tpu.memory_space<semaphore_mem>>
    %dma_start3A_53 = tpu.memref_squeeze %dma_start3A_52 : memref<1x!tpu.dma_semaphore, #tpu.memory_space<semaphore_mem>> -> memref<!tpu.dma_semaphore, #tpu.memory_space<semaphore_mem>>
    tpu.enqueue_indirect_dma source(%arg7 : memref<125x128xf32, #tpu.memory_space<vmem>>) target(%dma_start3A_51 : memref<10240x128xf32, #tpu.memory_space<vmem_shared>>) offsets(%dma_start3A_48 : memref<125xi32, #tpu.memory_space<vmem>>) semaphore(%dma_start3A_53 : memref<!tpu.dma_semaphore, #tpu.memory_space<semaphore_mem>>) {add = true}
    %dma_start3A_54 = arith.constant 5 : i32
    %dma_start3A_55 = arith.constant 5 : i32
    %dma_start3A_56 = arith.constant 0 : i32
    %dma_start3A_57 = tpu.memref_slice %arg6[%dma_start3A_54, %dma_start3A_56] : memref<80x125xi32, #tpu.memory_space<vmem>> -> memref<1x125xi32, #tpu.memory_space<vmem>>
    %dma_start3A_58 = tpu.memref_squeeze %dma_start3A_57 : memref<1x125xi32, #tpu.memory_space<vmem>> -> memref<125xi32, #tpu.memory_space<vmem>>
    %dma_start3A_59 = arith.constant 0 : i32
    %dma_start3A_60 = arith.constant 0 : i32
    %dma_start3A_61 = tpu.memref_slice %arg8[%dma_start3A_59, %dma_start3A_60] : memref<10240x128xf32, #tpu.memory_space<vmem_shared>> -> memref<10240x128xf32, #tpu.memory_space<vmem_shared>>
    %dma_start3A_62 = tpu.memref_slice %arg9[%dma_start3A_55] : memref<8x!tpu.dma_semaphore, #tpu.memory_space<semaphore_mem>> -> memref<1x!tpu.dma_semaphore, #tpu.memory_space<semaphore_mem>>
    %dma_start3A_63 = tpu.memref_squeeze %dma_start3A_62 : memref<1x!tpu.dma_semaphore, #tpu.memory_space<semaphore_mem>> -> memref<!tpu.dma_semaphore, #tpu.memory_space<semaphore_mem>>
    tpu.enqueue_indirect_dma source(%arg7 : memref<125x128xf32, #tpu.memory_space<vmem>>) target(%dma_start3A_61 : memref<10240x128xf32, #tpu.memory_space<vmem_shared>>) offsets(%dma_start3A_58 : memref<125xi32, #tpu.memory_space<vmem>>) semaphore(%dma_start3A_63 : memref<!tpu.dma_semaphore, #tpu.memory_space<semaphore_mem>>) {add = true}
    %dma_start3A_64 = arith.constant 6 : i32
    %dma_start3A_65 = arith.constant 6 : i32
    %dma_start3A_66 = arith.constant 0 : i32
    %dma_start3A_67 = tpu.memref_slice %arg6[%dma_start3A_64, %dma_start3A_66] : memref<80x125xi32, #tpu.memory_space<vmem>> -> memref<1x125xi32, #tpu.memory_space<vmem>>
    %dma_start3A_68 = tpu.memref_squeeze %dma_start3A_67 : memref<1x125xi32, #tpu.memory_space<vmem>> -> memref<125xi32, #tpu.memory_space<vmem>>
    %dma_start3A_69 = arith.constant 0 : i32
    %dma_start3A_70 = arith.constant 0 : i32
    %dma_start3A_71 = tpu.memref_slice %arg8[%dma_start3A_69, %dma_start3A_70] : memref<10240x128xf32, #tpu.memory_space<vmem_shared>> -> memref<10240x128xf32, #tpu.memory_space<vmem_shared>>
    %dma_start3A_72 = tpu.memref_slice %arg9[%dma_start3A_65] : memref<8x!tpu.dma_semaphore, #tpu.memory_space<semaphore_mem>> -> memref<1x!tpu.dma_semaphore, #tpu.memory_space<semaphore_mem>>
    %dma_start3A_73 = tpu.memref_squeeze %dma_start3A_72 : memref<1x!tpu.dma_semaphore, #tpu.memory_space<semaphore_mem>> -> memref<!tpu.dma_semaphore, #tpu.memory_space<semaphore_mem>>
    tpu.enqueue_indirect_dma source(%arg7 : memref<125x128xf32, #tpu.memory_space<vmem>>) target(%dma_start3A_71 : memref<10240x128xf32, #tpu.memory_space<vmem_shared>>) offsets(%dma_start3A_68 : memref<125xi32, #tpu.memory_space<vmem>>) semaphore(%dma_start3A_73 : memref<!tpu.dma_semaphore, #tpu.memory_space<semaphore_mem>>) {add = true}
    %dma_start3A_74 = arith.constant 7 : i32
    %dma_start3A_75 = arith.constant 7 : i32
    %dma_start3A_76 = arith.constant 0 : i32
    %dma_start3A_77 = tpu.memref_slice %arg6[%dma_start3A_74, %dma_start3A_76] : memref<80x125xi32, #tpu.memory_space<vmem>> -> memref<1x125xi32, #tpu.memory_space<vmem>>
    %dma_start3A_78 = tpu.memref_squeeze %dma_start3A_77 : memref<1x125xi32, #tpu.memory_space<vmem>> -> memref<125xi32, #tpu.memory_space<vmem>>
    %dma_start3A_79 = arith.constant 0 : i32
    %dma_start3A_80 = arith.constant 0 : i32
    %dma_start3A_81 = tpu.memref_slice %arg8[%dma_start3A_79, %dma_start3A_80] : memref<10240x128xf32, #tpu.memory_space<vmem_shared>> -> memref<10240x128xf32, #tpu.memory_space<vmem_shared>>
    %dma_start3A_82 = tpu.memref_slice %arg9[%dma_start3A_75] : memref<8x!tpu.dma_semaphore, #tpu.memory_space<semaphore_mem>> -> memref<1x!tpu.dma_semaphore, #tpu.memory_space<semaphore_mem>>
    %dma_start3A_83 = tpu.memref_squeeze %dma_start3A_82 : memref<1x!tpu.dma_semaphore, #tpu.memory_space<semaphore_mem>> -> memref<!tpu.dma_semaphore, #tpu.memory_space<semaphore_mem>>
    tpu.enqueue_indirect_dma source(%arg7 : memref<125x128xf32, #tpu.memory_space<vmem>>) target(%dma_start3A_81 : memref<10240x128xf32, #tpu.memory_space<vmem_shared>>) offsets(%dma_start3A_78 : memref<125xi32, #tpu.memory_space<vmem>>) semaphore(%dma_start3A_83 : memref<!tpu.dma_semaphore, #tpu.memory_space<semaphore_mem>>) {add = true}
    %scan3A = arith.constant 0 : i32
    %scan3A_84 = arith.constant 0 : i32
    %scan3A_85 = arith.constant 10 : i32
    %scan3A_86 = arith.addi %scan3A_84, %scan3A_85 : i32
    %scan3A_87 = arith.constant 1 : i32
    scf.for %scan3A_90 = %scan3A_84 to %scan3A_86 step %scan3A_87  : i32 {
      %mul3A_91 = arith.constant 8 : i32
      %mul3A_92 = arith.muli %scan3A_90, %mul3A_91 : i32
      %add3A_93 = arith.constant 0 : i32
      %add3A_94 = arith.addi %mul3A_92, %add3A_93 : i32
      %dma_wait3A = arith.constant 0 : i32
      %dma_wait3A_95 = arith.constant 0 : i32
      %dma_wait3A_96 = tpu.memref_slice %arg6[%add3A_94, %dma_wait3A_95] : memref<80x125xi32, #tpu.memory_space<vmem>> -> memref<1x125xi32, #tpu.memory_space<vmem>>
      %dma_wait3A_97 = tpu.memref_squeeze %dma_wait3A_96 : memref<1x125xi32, #tpu.memory_space<vmem>> -> memref<125xi32, #tpu.memory_space<vmem>>
      %dma_wait3A_98 = arith.constant 0 : i32
      %dma_wait3A_99 = arith.constant 0 : i32
      %dma_wait3A_100 = tpu.memref_slice %arg8[%dma_wait3A_98, %dma_wait3A_99] : memref<10240x128xf32, #tpu.memory_space<vmem_shared>> -> memref<10240x128xf32, #tpu.memory_space<vmem_shared>>
      %dma_wait3A_101 = tpu.memref_slice %arg9[%dma_wait3A] : memref<8x!tpu.dma_semaphore, #tpu.memory_space<semaphore_mem>> -> memref<1x!tpu.dma_semaphore, #tpu.memory_space<semaphore_mem>>
      %dma_wait3A_102 = tpu.memref_squeeze %dma_wait3A_101 : memref<1x!tpu.dma_semaphore, #tpu.memory_space<semaphore_mem>> -> memref<!tpu.dma_semaphore, #tpu.memory_space<semaphore_mem>>
      tpu.wait_indirect_dma semaphore(%dma_wait3A_102 : memref<!tpu.dma_semaphore, #tpu.memory_space<semaphore_mem>>) src(%arg7 : memref<125x128xf32, #tpu.memory_space<vmem>>) dst(%dma_wait3A_100 : memref<10240x128xf32, #tpu.memory_space<vmem_shared>>)
      %lt3A = arith.constant 9 : i32
      %lt3A_103 = arith.cmpi slt, %scan3A_90, %lt3A : i32
      %convert_element_type3A = arith.extui %lt3A_103 : i1 to i32
      %cond3A = arith.constant 0 : i32
      %cond3A_104 = arith.cmpi ne, %convert_element_type3A, %cond3A : i32
      scf.if %cond3A_104 {
        %add3A_217 = arith.constant 8 : i32
        %add3A_218 = arith.addi %add3A_94, %add3A_217 : i32
        %dma_start3A_219 = arith.constant 0 : i32
        %dma_start3A_220 = arith.constant 0 : i32
        %dma_start3A_221 = tpu.memref_slice %arg6[%add3A_218, %dma_start3A_220] : memref<80x125xi32, #tpu.memory_space<vmem>> -> memref<1x125xi32, #tpu.memory_space<vmem>>
        %dma_start3A_222 = tpu.memref_squeeze %dma_start3A_221 : memref<1x125xi32, #tpu.memory_space<vmem>> -> memref<125xi32, #tpu.memory_space<vmem>>
        %dma_start3A_223 = arith.constant 0 : i32
        %dma_start3A_224 = arith.constant 0 : i32
        %dma_start3A_225 = tpu.memref_slice %arg8[%dma_start3A_223, %dma_start3A_224] : memref<10240x128xf32, #tpu.memory_space<vmem_shared>> -> memref<10240x128xf32, #tpu.memory_space<vmem_shared>>
        %dma_start3A_226 = tpu.memref_slice %arg9[%dma_start3A_219] : memref<8x!tpu.dma_semaphore, #tpu.memory_space<semaphore_mem>> -> memref<1x!tpu.dma_semaphore, #tpu.memory_space<semaphore_mem>>
        %dma_start3A_227 = tpu.memref_squeeze %dma_start3A_226 : memref<1x!tpu.dma_semaphore, #tpu.memory_space<semaphore_mem>> -> memref<!tpu.dma_semaphore, #tpu.memory_space<semaphore_mem>>
        tpu.enqueue_indirect_dma source(%arg7 : memref<125x128xf32, #tpu.memory_space<vmem>>) target(%dma_start3A_225 : memref<10240x128xf32, #tpu.memory_space<vmem_shared>>) offsets(%dma_start3A_222 : memref<125xi32, #tpu.memory_space<vmem>>) semaphore(%dma_start3A_227 : memref<!tpu.dma_semaphore, #tpu.memory_space<semaphore_mem>>) {add = true}
      } else {
      }
      %add3A_105 = arith.constant 1 : i32
      %add3A_106 = arith.addi %mul3A_92, %add3A_105 : i32
      %dma_wait3A_107 = arith.constant 1 : i32
      %dma_wait3A_108 = arith.constant 0 : i32
      %dma_wait3A_109 = tpu.memref_slice %arg6[%add3A_106, %dma_wait3A_108] : memref<80x125xi32, #tpu.memory_space<vmem>> -> memref<1x125xi32, #tpu.memory_space<vmem>>
      %dma_wait3A_110 = tpu.memref_squeeze %dma_wait3A_109 : memref<1x125xi32, #tpu.memory_space<vmem>> -> memref<125xi32, #tpu.memory_space<vmem>>
      %dma_wait3A_111 = arith.constant 0 : i32
      %dma_wait3A_112 = arith.constant 0 : i32
      %dma_wait3A_113 = tpu.memref_slice %arg8[%dma_wait3A_111, %dma_wait3A_112] : memref<10240x128xf32, #tpu.memory_space<vmem_shared>> -> memref<10240x128xf32, #tpu.memory_space<vmem_shared>>
      %dma_wait3A_114 = tpu.memref_slice %arg9[%dma_wait3A_107] : memref<8x!tpu.dma_semaphore, #tpu.memory_space<semaphore_mem>> -> memref<1x!tpu.dma_semaphore, #tpu.memory_space<semaphore_mem>>
      %dma_wait3A_115 = tpu.memref_squeeze %dma_wait3A_114 : memref<1x!tpu.dma_semaphore, #tpu.memory_space<semaphore_mem>> -> memref<!tpu.dma_semaphore, #tpu.memory_space<semaphore_mem>>
      tpu.wait_indirect_dma semaphore(%dma_wait3A_115 : memref<!tpu.dma_semaphore, #tpu.memory_space<semaphore_mem>>) src(%arg7 : memref<125x128xf32, #tpu.memory_space<vmem>>) dst(%dma_wait3A_113 : memref<10240x128xf32, #tpu.memory_space<vmem_shared>>)
      %lt3A_116 = arith.constant 9 : i32
      %lt3A_117 = arith.cmpi slt, %scan3A_90, %lt3A_116 : i32
      %convert_element_type3A_118 = arith.extui %lt3A_117 : i1 to i32
      %cond3A_119 = arith.constant 0 : i32
      %cond3A_120 = arith.cmpi ne, %convert_element_type3A_118, %cond3A_119 : i32
      scf.if %cond3A_120 {
        %add3A_217 = arith.constant 8 : i32
        %add3A_218 = arith.addi %add3A_106, %add3A_217 : i32
        %dma_start3A_219 = arith.constant 1 : i32
        %dma_start3A_220 = arith.constant 0 : i32
        %dma_start3A_221 = tpu.memref_slice %arg6[%add3A_218, %dma_start3A_220] : memref<80x125xi32, #tpu.memory_space<vmem>> -> memref<1x125xi32, #tpu.memory_space<vmem>>
        %dma_start3A_222 = tpu.memref_squeeze %dma_start3A_221 : memref<1x125xi32, #tpu.memory_space<vmem>> -> memref<125xi32, #tpu.memory_space<vmem>>
        %dma_start3A_223 = arith.constant 0 : i32
        %dma_start3A_224 = arith.constant 0 : i32
        %dma_start3A_225 = tpu.memref_slice %arg8[%dma_start3A_223, %dma_start3A_224] : memref<10240x128xf32, #tpu.memory_space<vmem_shared>> -> memref<10240x128xf32, #tpu.memory_space<vmem_shared>>
        %dma_start3A_226 = tpu.memref_slice %arg9[%dma_start3A_219] : memref<8x!tpu.dma_semaphore, #tpu.memory_space<semaphore_mem>> -> memref<1x!tpu.dma_semaphore, #tpu.memory_space<semaphore_mem>>
        %dma_start3A_227 = tpu.memref_squeeze %dma_start3A_226 : memref<1x!tpu.dma_semaphore, #tpu.memory_space<semaphore_mem>> -> memref<!tpu.dma_semaphore, #tpu.memory_space<semaphore_mem>>
        tpu.enqueue_indirect_dma source(%arg7 : memref<125x128xf32, #tpu.memory_space<vmem>>) target(%dma_start3A_225 : memref<10240x128xf32, #tpu.memory_space<vmem_shared>>) offsets(%dma_start3A_222 : memref<125xi32, #tpu.memory_space<vmem>>) semaphore(%dma_start3A_227 : memref<!tpu.dma_semaphore, #tpu.memory_space<semaphore_mem>>) {add = true}
      } else {
      }
      %add3A_121 = arith.constant 2 : i32
      %add3A_122 = arith.addi %mul3A_92, %add3A_121 : i32
      %dma_wait3A_123 = arith.constant 2 : i32
      %dma_wait3A_124 = arith.constant 0 : i32
      %dma_wait3A_125 = tpu.memref_slice %arg6[%add3A_122, %dma_wait3A_124] : memref<80x125xi32, #tpu.memory_space<vmem>> -> memref<1x125xi32, #tpu.memory_space<vmem>>
      %dma_wait3A_126 = tpu.memref_squeeze %dma_wait3A_125 : memref<1x125xi32, #tpu.memory_space<vmem>> -> memref<125xi32, #tpu.memory_space<vmem>>
      %dma_wait3A_127 = arith.constant 0 : i32
      %dma_wait3A_128 = arith.constant 0 : i32
      %dma_wait3A_129 = tpu.memref_slice %arg8[%dma_wait3A_127, %dma_wait3A_128] : memref<10240x128xf32, #tpu.memory_space<vmem_shared>> -> memref<10240x128xf32, #tpu.memory_space<vmem_shared>>
      %dma_wait3A_130 = tpu.memref_slice %arg9[%dma_wait3A_123] : memref<8x!tpu.dma_semaphore, #tpu.memory_space<semaphore_mem>> -> memref<1x!tpu.dma_semaphore, #tpu.memory_space<semaphore_mem>>
      %dma_wait3A_131 = tpu.memref_squeeze %dma_wait3A_130 : memref<1x!tpu.dma_semaphore, #tpu.memory_space<semaphore_mem>> -> memref<!tpu.dma_semaphore, #tpu.memory_space<semaphore_mem>>
      tpu.wait_indirect_dma semaphore(%dma_wait3A_131 : memref<!tpu.dma_semaphore, #tpu.memory_space<semaphore_mem>>) src(%arg7 : memref<125x128xf32, #tpu.memory_space<vmem>>) dst(%dma_wait3A_129 : memref<10240x128xf32, #tpu.memory_space<vmem_shared>>)
      %lt3A_132 = arith.constant 9 : i32
      %lt3A_133 = arith.cmpi slt, %scan3A_90, %lt3A_132 : i32
      %convert_element_type3A_134 = arith.extui %lt3A_133 : i1 to i32
      %cond3A_135 = arith.constant 0 : i32
      %cond3A_136 = arith.cmpi ne, %convert_element_type3A_134, %cond3A_135 : i32
      scf.if %cond3A_136 {
        %add3A_217 = arith.constant 8 : i32
        %add3A_218 = arith.addi %add3A_122, %add3A_217 : i32
        %dma_start3A_219 = arith.constant 2 : i32
        %dma_start3A_220 = arith.constant 0 : i32
        %dma_start3A_221 = tpu.memref_slice %arg6[%add3A_218, %dma_start3A_220] : memref<80x125xi32, #tpu.memory_space<vmem>> -> memref<1x125xi32, #tpu.memory_space<vmem>>
        %dma_start3A_222 = tpu.memref_squeeze %dma_start3A_221 : memref<1x125xi32, #tpu.memory_space<vmem>> -> memref<125xi32, #tpu.memory_space<vmem>>
        %dma_start3A_223 = arith.constant 0 : i32
        %dma_start3A_224 = arith.constant 0 : i32
        %dma_start3A_225 = tpu.memref_slice %arg8[%dma_start3A_223, %dma_start3A_224] : memref<10240x128xf32, #tpu.memory_space<vmem_shared>> -> memref<10240x128xf32, #tpu.memory_space<vmem_shared>>
        %dma_start3A_226 = tpu.memref_slice %arg9[%dma_start3A_219] : memref<8x!tpu.dma_semaphore, #tpu.memory_space<semaphore_mem>> -> memref<1x!tpu.dma_semaphore, #tpu.memory_space<semaphore_mem>>
        %dma_start3A_227 = tpu.memref_squeeze %dma_start3A_226 : memref<1x!tpu.dma_semaphore, #tpu.memory_space<semaphore_mem>> -> memref<!tpu.dma_semaphore, #tpu.memory_space<semaphore_mem>>
        tpu.enqueue_indirect_dma source(%arg7 : memref<125x128xf32, #tpu.memory_space<vmem>>) target(%dma_start3A_225 : memref<10240x128xf32, #tpu.memory_space<vmem_shared>>) offsets(%dma_start3A_222 : memref<125xi32, #tpu.memory_space<vmem>>) semaphore(%dma_start3A_227 : memref<!tpu.dma_semaphore, #tpu.memory_space<semaphore_mem>>) {add = true}
      } else {
      }
      %add3A_137 = arith.constant 3 : i32
      %add3A_138 = arith.addi %mul3A_92, %add3A_137 : i32
      %dma_wait3A_139 = arith.constant 3 : i32
      %dma_wait3A_140 = arith.constant 0 : i32
      %dma_wait3A_141 = tpu.memref_slice %arg6[%add3A_138, %dma_wait3A_140] : memref<80x125xi32, #tpu.memory_space<vmem>> -> memref<1x125xi32, #tpu.memory_space<vmem>>
      %dma_wait3A_142 = tpu.memref_squeeze %dma_wait3A_141 : memref<1x125xi32, #tpu.memory_space<vmem>> -> memref<125xi32, #tpu.memory_space<vmem>>
      %dma_wait3A_143 = arith.constant 0 : i32
      %dma_wait3A_144 = arith.constant 0 : i32
      %dma_wait3A_145 = tpu.memref_slice %arg8[%dma_wait3A_143, %dma_wait3A_144] : memref<10240x128xf32, #tpu.memory_space<vmem_shared>> -> memref<10240x128xf32, #tpu.memory_space<vmem_shared>>
      %dma_wait3A_146 = tpu.memref_slice %arg9[%dma_wait3A_139] : memref<8x!tpu.dma_semaphore, #tpu.memory_space<semaphore_mem>> -> memref<1x!tpu.dma_semaphore, #tpu.memory_space<semaphore_mem>>
      %dma_wait3A_147 = tpu.memref_squeeze %dma_wait3A_146 : memref<1x!tpu.dma_semaphore, #tpu.memory_space<semaphore_mem>> -> memref<!tpu.dma_semaphore, #tpu.memory_space<semaphore_mem>>
      tpu.wait_indirect_dma semaphore(%dma_wait3A_147 : memref<!tpu.dma_semaphore, #tpu.memory_space<semaphore_mem>>) src(%arg7 : memref<125x128xf32, #tpu.memory_space<vmem>>) dst(%dma_wait3A_145 : memref<10240x128xf32, #tpu.memory_space<vmem_shared>>)
      %lt3A_148 = arith.constant 9 : i32
      %lt3A_149 = arith.cmpi slt, %scan3A_90, %lt3A_148 : i32
      %convert_element_type3A_150 = arith.extui %lt3A_149 : i1 to i32
      %cond3A_151 = arith.constant 0 : i32
      %cond3A_152 = arith.cmpi ne, %convert_element_type3A_150, %cond3A_151 : i32
      scf.if %cond3A_152 {
        %add3A_217 = arith.constant 8 : i32
        %add3A_218 = arith.addi %add3A_138, %add3A_217 : i32
        %dma_start3A_219 = arith.constant 3 : i32
        %dma_start3A_220 = arith.constant 0 : i32
        %dma_start3A_221 = tpu.memref_slice %arg6[%add3A_218, %dma_start3A_220] : memref<80x125xi32, #tpu.memory_space<vmem>> -> memref<1x125xi32, #tpu.memory_space<vmem>>
        %dma_start3A_222 = tpu.memref_squeeze %dma_start3A_221 : memref<1x125xi32, #tpu.memory_space<vmem>> -> memref<125xi32, #tpu.memory_space<vmem>>
        %dma_start3A_223 = arith.constant 0 : i32
        %dma_start3A_224 = arith.constant 0 : i32
        %dma_start3A_225 = tpu.memref_slice %arg8[%dma_start3A_223, %dma_start3A_224] : memref<10240x128xf32, #tpu.memory_space<vmem_shared>> -> memref<10240x128xf32, #tpu.memory_space<vmem_shared>>
        %dma_start3A_226 = tpu.memref_slice %arg9[%dma_start3A_219] : memref<8x!tpu.dma_semaphore, #tpu.memory_space<semaphore_mem>> -> memref<1x!tpu.dma_semaphore, #tpu.memory_space<semaphore_mem>>
        %dma_start3A_227 = tpu.memref_squeeze %dma_start3A_226 : memref<1x!tpu.dma_semaphore, #tpu.memory_space<semaphore_mem>> -> memref<!tpu.dma_semaphore, #tpu.memory_space<semaphore_mem>>
        tpu.enqueue_indirect_dma source(%arg7 : memref<125x128xf32, #tpu.memory_space<vmem>>) target(%dma_start3A_225 : memref<10240x128xf32, #tpu.memory_space<vmem_shared>>) offsets(%dma_start3A_222 : memref<125xi32, #tpu.memory_space<vmem>>) semaphore(%dma_start3A_227 : memref<!tpu.dma_semaphore, #tpu.memory_space<semaphore_mem>>) {add = true}
      } else {
      }
      %add3A_153 = arith.constant 4 : i32
      %add3A_154 = arith.addi %mul3A_92, %add3A_153 : i32
      %dma_wait3A_155 = arith.constant 4 : i32
      %dma_wait3A_156 = arith.constant 0 : i32
      %dma_wait3A_157 = tpu.memref_slice %arg6[%add3A_154, %dma_wait3A_156] : memref<80x125xi32, #tpu.memory_space<vmem>> -> memref<1x125xi32, #tpu.memory_space<vmem>>
      %dma_wait3A_158 = tpu.memref_squeeze %dma_wait3A_157 : memref<1x125xi32, #tpu.memory_space<vmem>> -> memref<125xi32, #tpu.memory_space<vmem>>
      %dma_wait3A_159 = arith.constant 0 : i32
      %dma_wait3A_160 = arith.constant 0 : i32
      %dma_wait3A_161 = tpu.memref_slice %arg8[%dma_wait3A_159, %dma_wait3A_160] : memref<10240x128xf32, #tpu.memory_space<vmem_shared>> -> memref<10240x128xf32, #tpu.memory_space<vmem_shared>>
      %dma_wait3A_162 = tpu.memref_slice %arg9[%dma_wait3A_155] : memref<8x!tpu.dma_semaphore, #tpu.memory_space<semaphore_mem>> -> memref<1x!tpu.dma_semaphore, #tpu.memory_space<semaphore_mem>>
      %dma_wait3A_163 = tpu.memref_squeeze %dma_wait3A_162 : memref<1x!tpu.dma_semaphore, #tpu.memory_space<semaphore_mem>> -> memref<!tpu.dma_semaphore, #tpu.memory_space<semaphore_mem>>
      tpu.wait_indirect_dma semaphore(%dma_wait3A_163 : memref<!tpu.dma_semaphore, #tpu.memory_space<semaphore_mem>>) src(%arg7 : memref<125x128xf32, #tpu.memory_space<vmem>>) dst(%dma_wait3A_161 : memref<10240x128xf32, #tpu.memory_space<vmem_shared>>)
      %lt3A_164 = arith.constant 9 : i32
      %lt3A_165 = arith.cmpi slt, %scan3A_90, %lt3A_164 : i32
      %convert_element_type3A_166 = arith.extui %lt3A_165 : i1 to i32
      %cond3A_167 = arith.constant 0 : i32
      %cond3A_168 = arith.cmpi ne, %convert_element_type3A_166, %cond3A_167 : i32
      scf.if %cond3A_168 {
        %add3A_217 = arith.constant 8 : i32
        %add3A_218 = arith.addi %add3A_154, %add3A_217 : i32
        %dma_start3A_219 = arith.constant 4 : i32
        %dma_start3A_220 = arith.constant 0 : i32
        %dma_start3A_221 = tpu.memref_slice %arg6[%add3A_218, %dma_start3A_220] : memref<80x125xi32, #tpu.memory_space<vmem>> -> memref<1x125xi32, #tpu.memory_space<vmem>>
        %dma_start3A_222 = tpu.memref_squeeze %dma_start3A_221 : memref<1x125xi32, #tpu.memory_space<vmem>> -> memref<125xi32, #tpu.memory_space<vmem>>
        %dma_start3A_223 = arith.constant 0 : i32
        %dma_start3A_224 = arith.constant 0 : i32
        %dma_start3A_225 = tpu.memref_slice %arg8[%dma_start3A_223, %dma_start3A_224] : memref<10240x128xf32, #tpu.memory_space<vmem_shared>> -> memref<10240x128xf32, #tpu.memory_space<vmem_shared>>
        %dma_start3A_226 = tpu.memref_slice %arg9[%dma_start3A_219] : memref<8x!tpu.dma_semaphore, #tpu.memory_space<semaphore_mem>> -> memref<1x!tpu.dma_semaphore, #tpu.memory_space<semaphore_mem>>
        %dma_start3A_227 = tpu.memref_squeeze %dma_start3A_226 : memref<1x!tpu.dma_semaphore, #tpu.memory_space<semaphore_mem>> -> memref<!tpu.dma_semaphore, #tpu.memory_space<semaphore_mem>>
        tpu.enqueue_indirect_dma source(%arg7 : memref<125x128xf32, #tpu.memory_space<vmem>>) target(%dma_start3A_225 : memref<10240x128xf32, #tpu.memory_space<vmem_shared>>) offsets(%dma_start3A_222 : memref<125xi32, #tpu.memory_space<vmem>>) semaphore(%dma_start3A_227 : memref<!tpu.dma_semaphore, #tpu.memory_space<semaphore_mem>>) {add = true}
      } else {
      }
      %add3A_169 = arith.constant 5 : i32
      %add3A_170 = arith.addi %mul3A_92, %add3A_169 : i32
      %dma_wait3A_171 = arith.constant 5 : i32
      %dma_wait3A_172 = arith.constant 0 : i32
      %dma_wait3A_173 = tpu.memref_slice %arg6[%add3A_170, %dma_wait3A_172] : memref<80x125xi32, #tpu.memory_space<vmem>> -> memref<1x125xi32, #tpu.memory_space<vmem>>
      %dma_wait3A_174 = tpu.memref_squeeze %dma_wait3A_173 : memref<1x125xi32, #tpu.memory_space<vmem>> -> memref<125xi32, #tpu.memory_space<vmem>>
      %dma_wait3A_175 = arith.constant 0 : i32
      %dma_wait3A_176 = arith.constant 0 : i32
      %dma_wait3A_177 = tpu.memref_slice %arg8[%dma_wait3A_175, %dma_wait3A_176] : memref<10240x128xf32, #tpu.memory_space<vmem_shared>> -> memref<10240x128xf32, #tpu.memory_space<vmem_shared>>
      %dma_wait3A_178 = tpu.memref_slice %arg9[%dma_wait3A_171] : memref<8x!tpu.dma_semaphore, #tpu.memory_space<semaphore_mem>> -> memref<1x!tpu.dma_semaphore, #tpu.memory_space<semaphore_mem>>
      %dma_wait3A_179 = tpu.memref_squeeze %dma_wait3A_178 : memref<1x!tpu.dma_semaphore, #tpu.memory_space<semaphore_mem>> -> memref<!tpu.dma_semaphore, #tpu.memory_space<semaphore_mem>>
      tpu.wait_indirect_dma semaphore(%dma_wait3A_179 : memref<!tpu.dma_semaphore, #tpu.memory_space<semaphore_mem>>) src(%arg7 : memref<125x128xf32, #tpu.memory_space<vmem>>) dst(%dma_wait3A_177 : memref<10240x128xf32, #tpu.memory_space<vmem_shared>>)
      %lt3A_180 = arith.constant 9 : i32
      %lt3A_181 = arith.cmpi slt, %scan3A_90, %lt3A_180 : i32
      %convert_element_type3A_182 = arith.extui %lt3A_181 : i1 to i32
      %cond3A_183 = arith.constant 0 : i32
      %cond3A_184 = arith.cmpi ne, %convert_element_type3A_182, %cond3A_183 : i32
      scf.if %cond3A_184 {
        %add3A_217 = arith.constant 8 : i32
        %add3A_218 = arith.addi %add3A_170, %add3A_217 : i32
        %dma_start3A_219 = arith.constant 5 : i32
        %dma_start3A_220 = arith.constant 0 : i32
        %dma_start3A_221 = tpu.memref_slice %arg6[%add3A_218, %dma_start3A_220] : memref<80x125xi32, #tpu.memory_space<vmem>> -> memref<1x125xi32, #tpu.memory_space<vmem>>
        %dma_start3A_222 = tpu.memref_squeeze %dma_start3A_221 : memref<1x125xi32, #tpu.memory_space<vmem>> -> memref<125xi32, #tpu.memory_space<vmem>>
        %dma_start3A_223 = arith.constant 0 : i32
        %dma_start3A_224 = arith.constant 0 : i32
        %dma_start3A_225 = tpu.memref_slice %arg8[%dma_start3A_223, %dma_start3A_224] : memref<10240x128xf32, #tpu.memory_space<vmem_shared>> -> memref<10240x128xf32, #tpu.memory_space<vmem_shared>>
        %dma_start3A_226 = tpu.memref_slice %arg9[%dma_start3A_219] : memref<8x!tpu.dma_semaphore, #tpu.memory_space<semaphore_mem>> -> memref<1x!tpu.dma_semaphore, #tpu.memory_space<semaphore_mem>>
        %dma_start3A_227 = tpu.memref_squeeze %dma_start3A_226 : memref<1x!tpu.dma_semaphore, #tpu.memory_space<semaphore_mem>> -> memref<!tpu.dma_semaphore, #tpu.memory_space<semaphore_mem>>
        tpu.enqueue_indirect_dma source(%arg7 : memref<125x128xf32, #tpu.memory_space<vmem>>) target(%dma_start3A_225 : memref<10240x128xf32, #tpu.memory_space<vmem_shared>>) offsets(%dma_start3A_222 : memref<125xi32, #tpu.memory_space<vmem>>) semaphore(%dma_start3A_227 : memref<!tpu.dma_semaphore, #tpu.memory_space<semaphore_mem>>) {add = true}
      } else {
      }
      %add3A_185 = arith.constant 6 : i32
      %add3A_186 = arith.addi %mul3A_92, %add3A_185 : i32
      %dma_wait3A_187 = arith.constant 6 : i32
      %dma_wait3A_188 = arith.constant 0 : i32
      %dma_wait3A_189 = tpu.memref_slice %arg6[%add3A_186, %dma_wait3A_188] : memref<80x125xi32, #tpu.memory_space<vmem>> -> memref<1x125xi32, #tpu.memory_space<vmem>>
      %dma_wait3A_190 = tpu.memref_squeeze %dma_wait3A_189 : memref<1x125xi32, #tpu.memory_space<vmem>> -> memref<125xi32, #tpu.memory_space<vmem>>
      %dma_wait3A_191 = arith.constant 0 : i32
      %dma_wait3A_192 = arith.constant 0 : i32
      %dma_wait3A_193 = tpu.memref_slice %arg8[%dma_wait3A_191, %dma_wait3A_192] : memref<10240x128xf32, #tpu.memory_space<vmem_shared>> -> memref<10240x128xf32, #tpu.memory_space<vmem_shared>>
      %dma_wait3A_194 = tpu.memref_slice %arg9[%dma_wait3A_187] : memref<8x!tpu.dma_semaphore, #tpu.memory_space<semaphore_mem>> -> memref<1x!tpu.dma_semaphore, #tpu.memory_space<semaphore_mem>>
      %dma_wait3A_195 = tpu.memref_squeeze %dma_wait3A_194 : memref<1x!tpu.dma_semaphore, #tpu.memory_space<semaphore_mem>> -> memref<!tpu.dma_semaphore, #tpu.memory_space<semaphore_mem>>
      tpu.wait_indirect_dma semaphore(%dma_wait3A_195 : memref<!tpu.dma_semaphore, #tpu.memory_space<semaphore_mem>>) src(%arg7 : memref<125x128xf32, #tpu.memory_space<vmem>>) dst(%dma_wait3A_193 : memref<10240x128xf32, #tpu.memory_space<vmem_shared>>)
      %lt3A_196 = arith.constant 9 : i32
      %lt3A_197 = arith.cmpi slt, %scan3A_90, %lt3A_196 : i32
      %convert_element_type3A_198 = arith.extui %lt3A_197 : i1 to i32
      %cond3A_199 = arith.constant 0 : i32
      %cond3A_200 = arith.cmpi ne, %convert_element_type3A_198, %cond3A_199 : i32
      scf.if %cond3A_200 {
        %add3A_217 = arith.constant 8 : i32
        %add3A_218 = arith.addi %add3A_186, %add3A_217 : i32
        %dma_start3A_219 = arith.constant 6 : i32
        %dma_start3A_220 = arith.constant 0 : i32
        %dma_start3A_221 = tpu.memref_slice %arg6[%add3A_218, %dma_start3A_220] : memref<80x125xi32, #tpu.memory_space<vmem>> -> memref<1x125xi32, #tpu.memory_space<vmem>>
        %dma_start3A_222 = tpu.memref_squeeze %dma_start3A_221 : memref<1x125xi32, #tpu.memory_space<vmem>> -> memref<125xi32, #tpu.memory_space<vmem>>
        %dma_start3A_223 = arith.constant 0 : i32
        %dma_start3A_224 = arith.constant 0 : i32
        %dma_start3A_225 = tpu.memref_slice %arg8[%dma_start3A_223, %dma_start3A_224] : memref<10240x128xf32, #tpu.memory_space<vmem_shared>> -> memref<10240x128xf32, #tpu.memory_space<vmem_shared>>
        %dma_start3A_226 = tpu.memref_slice %arg9[%dma_start3A_219] : memref<8x!tpu.dma_semaphore, #tpu.memory_space<semaphore_mem>> -> memref<1x!tpu.dma_semaphore, #tpu.memory_space<semaphore_mem>>
        %dma_start3A_227 = tpu.memref_squeeze %dma_start3A_226 : memref<1x!tpu.dma_semaphore, #tpu.memory_space<semaphore_mem>> -> memref<!tpu.dma_semaphore, #tpu.memory_space<semaphore_mem>>
        tpu.enqueue_indirect_dma source(%arg7 : memref<125x128xf32, #tpu.memory_space<vmem>>) target(%dma_start3A_225 : memref<10240x128xf32, #tpu.memory_space<vmem_shared>>) offsets(%dma_start3A_222 : memref<125xi32, #tpu.memory_space<vmem>>) semaphore(%dma_start3A_227 : memref<!tpu.dma_semaphore, #tpu.memory_space<semaphore_mem>>) {add = true}
      } else {
      }
      %add3A_201 = arith.constant 7 : i32
      %add3A_202 = arith.addi %mul3A_92, %add3A_201 : i32
      %dma_wait3A_203 = arith.constant 7 : i32
      %dma_wait3A_204 = arith.constant 0 : i32
      %dma_wait3A_205 = tpu.memref_slice %arg6[%add3A_202, %dma_wait3A_204] : memref<80x125xi32, #tpu.memory_space<vmem>> -> memref<1x125xi32, #tpu.memory_space<vmem>>
      %dma_wait3A_206 = tpu.memref_squeeze %dma_wait3A_205 : memref<1x125xi32, #tpu.memory_space<vmem>> -> memref<125xi32, #tpu.memory_space<vmem>>
      %dma_wait3A_207 = arith.constant 0 : i32
      %dma_wait3A_208 = arith.constant 0 : i32
      %dma_wait3A_209 = tpu.memref_slice %arg8[%dma_wait3A_207, %dma_wait3A_208] : memref<10240x128xf32, #tpu.memory_space<vmem_shared>> -> memref<10240x128xf32, #tpu.memory_space<vmem_shared>>
      %dma_wait3A_210 = tpu.memref_slice %arg9[%dma_wait3A_203] : memref<8x!tpu.dma_semaphore, #tpu.memory_space<semaphore_mem>> -> memref<1x!tpu.dma_semaphore, #tpu.memory_space<semaphore_mem>>
      %dma_wait3A_211 = tpu.memref_squeeze %dma_wait3A_210 : memref<1x!tpu.dma_semaphore, #tpu.memory_space<semaphore_mem>> -> memref<!tpu.dma_semaphore, #tpu.memory_space<semaphore_mem>>
      tpu.wait_indirect_dma semaphore(%dma_wait3A_211 : memref<!tpu.dma_semaphore, #tpu.memory_space<semaphore_mem>>) src(%arg7 : memref<125x128xf32, #tpu.memory_space<vmem>>) dst(%dma_wait3A_209 : memref<10240x128xf32, #tpu.memory_space<vmem_shared>>)
      %lt3A_212 = arith.constant 9 : i32
      %lt3A_213 = arith.cmpi slt, %scan3A_90, %lt3A_212 : i32
      %convert_element_type3A_214 = arith.extui %lt3A_213 : i1 to i32
      %cond3A_215 = arith.constant 0 : i32
      %cond3A_216 = arith.cmpi ne, %convert_element_type3A_214, %cond3A_215 : i32
      scf.if %cond3A_216 {
        %add3A_217 = arith.constant 8 : i32
        %add3A_218 = arith.addi %add3A_202, %add3A_217 : i32
        %dma_start3A_219 = arith.constant 7 : i32
        %dma_start3A_220 = arith.constant 0 : i32
        %dma_start3A_221 = tpu.memref_slice %arg6[%add3A_218, %dma_start3A_220] : memref<80x125xi32, #tpu.memory_space<vmem>> -> memref<1x125xi32, #tpu.memory_space<vmem>>
        %dma_start3A_222 = tpu.memref_squeeze %dma_start3A_221 : memref<1x125xi32, #tpu.memory_space<vmem>> -> memref<125xi32, #tpu.memory_space<vmem>>
        %dma_start3A_223 = arith.constant 0 : i32
        %dma_start3A_224 = arith.constant 0 : i32
        %dma_start3A_225 = tpu.memref_slice %arg8[%dma_start3A_223, %dma_start3A_224] : memref<10240x128xf32, #tpu.memory_space<vmem_shared>> -> memref<10240x128xf32, #tpu.memory_space<vmem_shared>>
        %dma_start3A_226 = tpu.memref_slice %arg9[%dma_start3A_219] : memref<8x!tpu.dma_semaphore, #tpu.memory_space<semaphore_mem>> -> memref<1x!tpu.dma_semaphore, #tpu.memory_space<semaphore_mem>>
        %dma_start3A_227 = tpu.memref_squeeze %dma_start3A_226 : memref<1x!tpu.dma_semaphore, #tpu.memory_space<semaphore_mem>> -> memref<!tpu.dma_semaphore, #tpu.memory_space<semaphore_mem>>
        tpu.enqueue_indirect_dma source(%arg7 : memref<125x128xf32, #tpu.memory_space<vmem>>) target(%dma_start3A_225 : memref<10240x128xf32, #tpu.memory_space<vmem_shared>>) offsets(%dma_start3A_222 : memref<125xi32, #tpu.memory_space<vmem>>) semaphore(%dma_start3A_227 : memref<!tpu.dma_semaphore, #tpu.memory_space<semaphore_mem>>) {add = true}
      } else {
      }
    }
    %scan3A_88 = arith.constant 10 : i32
    %barrier3A_89 = arith.constant 0 : index
    tpu.barrier barrier_id(%barrier3A_89)
    "tpu.region"() ({
      %run_scoped3A = tpu.sem_alloc : memref<!tpu.dma_semaphore, #tpu.memory_space<semaphore_mem>>
      %dma_start3A_90 = arith.constant 0 : i32
      %dma_start3A_91 = tpu.memref_slice %arg5[%arg0, %mul3A_4, %dma_start3A_90] : memref<2x10240x128xf32, #tpu.memory_space<hbm>> -> memref<1x640x128xf32, #tpu.memory_space<hbm>>
      %dma_start3A_92 = tpu.memref_squeeze %dma_start3A_91 : memref<1x640x128xf32, #tpu.memory_space<hbm>> -> memref<640x128xf32, #tpu.memory_space<hbm>>
      %dma_start3A_93 = arith.constant 0 : i32
      %dma_start3A_94 = tpu.memref_slice %arg8[%mul3A_4, %dma_start3A_93] : memref<10240x128xf32, #tpu.memory_space<vmem_shared>> -> memref<640x128xf32, #tpu.memory_space<vmem_shared>>
      tpu.enqueue_dma source(%dma_start3A_94 : memref<640x128xf32, #tpu.memory_space<vmem_shared>>) target(%dma_start3A_92 : memref<640x128xf32, #tpu.memory_space<hbm>>) target_semaphore(%run_scoped3A : memref<!tpu.dma_semaphore, #tpu.memory_space<semaphore_mem>>)
      %dma_wait3A = arith.constant 0 : i32
      %dma_wait3A_95 = tpu.memref_slice %arg5[%arg0, %mul3A_4, %dma_wait3A] : memref<2x10240x128xf32, #tpu.memory_space<hbm>> -> memref<1x640x128xf32, #tpu.memory_space<hbm>>
      %dma_wait3A_96 = tpu.memref_squeeze %dma_wait3A_95 : memref<1x640x128xf32, #tpu.memory_space<hbm>> -> memref<640x128xf32, #tpu.memory_space<hbm>>
      %dma_wait3A_97 = arith.constant 0 : i32
      %dma_wait3A_98 = tpu.memref_slice %arg8[%mul3A_4, %dma_wait3A_97] : memref<10240x128xf32, #tpu.memory_space<vmem_shared>> -> memref<640x128xf32, #tpu.memory_space<vmem_shared>>
      tpu.wait_dma2 semaphore(%run_scoped3A : memref<!tpu.dma_semaphore, #tpu.memory_space<semaphore_mem>>) src(%dma_wait3A_98 : memref<640x128xf32, #tpu.memory_space<vmem_shared>>) dst(%dma_wait3A_96 : memref<640x128xf32, #tpu.memory_space<hbm>>)
      tpu.yield
    }) : () -> ()
    return
  }
}

module attributes {stable_mosaic.version = 14 : i64} {
  func.func @_combine_project_body(%arg0: i32, %arg1: memref<1000x128xf32, #tpu.memory_space<vmem>>, %arg2: memref<2x1000x128xf32, #tpu.memory_space<vmem>>, %arg3: memref<2x1000x8xf32, #tpu.memory_space<vmem>>, %arg4: memref<128x256xf32, #tpu.memory_space<vmem>>, %arg5: memref<1x128xf32, #tpu.memory_space<vmem>>, %arg6: memref<1000x128xf32, #tpu.memory_space<vmem>>, %arg7: memref<1000x128xf32, #tpu.memory_space<vmem>>) attributes {dimension_semantics = [#tpu.dimension_semantics<arbitrary>], iteration_bounds = array<i64: 10>, scalar_prefetch = 0 : i64, scratch_operands = 0 : i64, tpu.core_type = #tpu.core_type<tc>, window_params = [{transform_indices = @transform_0, window_bounds = array<i64: 1000, 128>}, {transform_indices = @transform_1, window_bounds = array<i64: 2, 1000, 128>}, {transform_indices = @transform_2, window_bounds = array<i64: 2, 1000, 8>}, {pipeline_mode = #tpu.pipeline_mode<synchronous>, transform_indices = @transform_3, window_bounds = array<i64: 128, 256>}, {pipeline_mode = #tpu.pipeline_mode<synchronous>, transform_indices = @transform_4, window_bounds = array<i64: 1, 128>}, {transform_indices = @transform_5, window_bounds = array<i64: 1000, 128>}, {transform_indices = @transform_6, window_bounds = array<i64: 1000, 128>}]} {
    %get3A = arith.constant 0 : index
    %get3A_0 = arith.constant 0 : index
    %get3A_1 = arith.constant 0 : index
    %get3A_2 = vector.load %arg3[%get3A, %get3A_0, %get3A_1] : memref<2x1000x8xf32, #tpu.memory_space<vmem>>, vector<1x1000x1xf32>
    %get3A_3 = vector.shape_cast %get3A_2 : vector<1x1000x1xf32> to vector<1000xf32>
    %get3A_4 = arith.constant 1 : index
    %get3A_5 = arith.constant 0 : index
    %get3A_6 = arith.constant 0 : index
    %get3A_7 = vector.load %arg3[%get3A_4, %get3A_5, %get3A_6] : memref<2x1000x8xf32, #tpu.memory_space<vmem>>, vector<1x1000x1xf32>
    %get3A_8 = vector.shape_cast %get3A_7 : vector<1x1000x1xf32> to vector<1000xf32>
    %add3A = arith.addf %get3A_3, %get3A_8 : vector<1000xf32>
    %max3A = arith.constant 1.000000e+00 : f32
    %max3A_9 = vector.broadcast %max3A : f32 to vector<1000xf32>
    %max3A_10 = arith.maximumf %add3A, %max3A_9 : vector<1000xf32>
    %div3A = arith.constant 1.000000e+00 : f32
    %div3A_11 = vector.broadcast %div3A : f32 to vector<1000xf32>
    %div3A_12 = arith.divf %div3A_11, %max3A_10 : vector<1000xf32>
    %get3A_13 = arith.constant 0 : index
    %get3A_14 = arith.constant 0 : index
    %get3A_15 = arith.constant 0 : index
    %get3A_16 = vector.load %arg2[%get3A_13, %get3A_14, %get3A_15] : memref<2x1000x128xf32, #tpu.memory_space<vmem>>, vector<1x1000x128xf32>
    %get3A_17 = vector.shape_cast %get3A_16 : vector<1x1000x128xf32> to vector<1000x128xf32>
    %get3A_18 = arith.constant 1 : index
    %get3A_19 = arith.constant 0 : index
    %get3A_20 = arith.constant 0 : index
    %get3A_21 = vector.load %arg2[%get3A_18, %get3A_19, %get3A_20] : memref<2x1000x128xf32, #tpu.memory_space<vmem>>, vector<1x1000x128xf32>
    %get3A_22 = vector.shape_cast %get3A_21 : vector<1x1000x128xf32> to vector<1000x128xf32>
    %add3A_23 = arith.addf %get3A_17, %get3A_22 : vector<1000x128xf32>
    %get3A_24 = arith.constant 0 : index
    %get3A_25 = arith.constant 0 : index
    %get3A_26 = vector.load %arg1[%get3A_24, %get3A_25] : memref<1000x128xf32, #tpu.memory_space<vmem>>, vector<1000x128xf32>
    %broadcast_in_dim3A = vector.shape_cast %div3A_12 : vector<1000xf32> to vector<1000x1xf32>
    %mul3A = vector.broadcast %broadcast_in_dim3A : vector<1000x1xf32> to vector<1000x128xf32>
    %mul3A_27 = arith.mulf %add3A_23, %mul3A : vector<1000x128xf32>
    %add3A_28 = arith.addf %get3A_26, %mul3A_27 : vector<1000x128xf32>
    %max3A_29 = arith.constant 0.000000e+00 : f32
    %max3A_30 = vector.broadcast %max3A_29 : f32 to vector<1000x128xf32>
    %max3A_31 = arith.maximumf %add3A_28, %max3A_30 : vector<1000x128xf32>
    %get3A_32 = arith.constant 0 : index
    %get3A_33 = arith.constant 0 : index
    %get3A_34 = vector.load %arg4[%get3A_32, %get3A_33] : memref<128x256xf32, #tpu.memory_space<vmem>>, vector<128x256xf32>
    %dot_general3A = arith.constant dense<0.000000e+00> : vector<1000x256xf32>
    %dot_general3A_35 = tpu.matmul %max3A_31, %get3A_34, %dot_general3A {dimension_numbers = #tpu.dot_dimension_numbers<[1], [0], [0], [1], [0, 0, 1, 1], [], []>, transpose_lhs_hint = false} : vector<1000x128xf32>, vector<128x256xf32>, vector<1000x256xf32> -> vector<1000x256xf32>
    %slice3A = vector.extract_strided_slice %dot_general3A_35 {offsets = [0, 0], sizes = [1000, 128], strides = [1, 1]} : vector<1000x256xf32> to vector<1000x128xf32>
    %get3A_36 = arith.constant 0 : index
    %get3A_37 = arith.constant 0 : index
    %get3A_38 = vector.load %arg5[%get3A_36, %get3A_37] : memref<1x128xf32, #tpu.memory_space<vmem>>, vector<1x128xf32>
    %add3A_39 = vector.broadcast %get3A_38 : vector<1x128xf32> to vector<1000x128xf32>
    %add3A_40 = arith.addf %slice3A, %add3A_39 : vector<1000x128xf32>
    %swap3A = arith.constant 0 : index
    %swap3A_41 = arith.constant 0 : index
    %swap3A_42 = vector.load %arg6[%swap3A, %swap3A_41] : memref<1000x128xf32, #tpu.memory_space<vmem>>, vector<1000x128xf32>
    tpu.vector_store %arg6[%swap3A, %swap3A_41], %add3A_40 {strides = array<i32>} : memref<1000x128xf32, #tpu.memory_space<vmem>>, vector<1000x128xf32>,
    %slice3A_43 = vector.extract_strided_slice %dot_general3A_35 {offsets = [0, 128], sizes = [1000, 128], strides = [1, 1]} : vector<1000x256xf32> to vector<1000x128xf32>
    %swap3A_44 = arith.constant 0 : index
    %swap3A_45 = arith.constant 0 : index
    %swap3A_46 = vector.load %arg7[%swap3A_44, %swap3A_45] : memref<1000x128xf32, #tpu.memory_space<vmem>>, vector<1000x128xf32>
    tpu.vector_store %arg7[%swap3A_44, %swap3A_45], %slice3A_43 {strides = array<i32>} : memref<1000x128xf32, #tpu.memory_space<vmem>>, vector<1000x128xf32>,
    return
  }
  func.func @transform_0(%arg0: i32) -> (i32, i32) {
    %c0_i32 = arith.constant 0 : i32
    %c0_i32_0 = arith.constant 0 : i32
    return %arg0, %c0_i32 : i32, i32
  }
  func.func @transform_1(%arg0: i32) -> (i32, i32, i32) {
    %c0_i32 = arith.constant 0 : i32
    %c0_i32_0 = arith.constant 0 : i32
    %c0_i32_1 = arith.constant 0 : i32
    return %c0_i32, %arg0, %c0_i32_0 : i32, i32, i32
  }
  func.func @transform_2(%arg0: i32) -> (i32, i32, i32) {
    %c0_i32 = arith.constant 0 : i32
    %c0_i32_0 = arith.constant 0 : i32
    %c0_i32_1 = arith.constant 0 : i32
    return %c0_i32, %arg0, %c0_i32_0 : i32, i32, i32
  }
  func.func @transform_3(%arg0: i32) -> (i32, i32) {
    %c0_i32 = arith.constant 0 : i32
    %c0_i32_0 = arith.constant 0 : i32
    %c0_i32_1 = arith.constant 0 : i32
    return %c0_i32, %c0_i32_0 : i32, i32
  }
  func.func @transform_4(%arg0: i32) -> (i32, i32) {
    %c0_i32 = arith.constant 0 : i32
    %c0_i32_0 = arith.constant 0 : i32
    %c0_i32_1 = arith.constant 0 : i32
    return %c0_i32, %c0_i32_0 : i32, i32
  }
  func.func @transform_5(%arg0: i32) -> (i32, i32) {
    %c0_i32 = arith.constant 0 : i32
    %c0_i32_0 = arith.constant 0 : i32
    return %arg0, %c0_i32 : i32, i32
  }
  func.func @transform_6(%arg0: i32) -> (i32, i32) {
    %c0_i32 = arith.constant 0 : i32
    %c0_i32_0 = arith.constant 0 : i32
    return %arg0, %c0_i32 : i32, i32
  }
}

module attributes {stable_mosaic.version = 14 : i64} {
  func.func @_project_body(%arg0: i32, %arg1: memref<1000x128xf32, #tpu.memory_space<vmem>>, %arg2: memref<128x256xf32, #tpu.memory_space<vmem>>, %arg3: memref<1x128xf32, #tpu.memory_space<vmem>>, %arg4: memref<1000x128xf32, #tpu.memory_space<vmem>>, %arg5: memref<1000x128xf32, #tpu.memory_space<vmem>>) attributes {dimension_semantics = [#tpu.dimension_semantics<arbitrary>], iteration_bounds = array<i64: 10>, scalar_prefetch = 0 : i64, scratch_operands = 0 : i64, tpu.core_type = #tpu.core_type<tc>, window_params = [{transform_indices = @transform_0, window_bounds = array<i64: 1000, 128>}, {pipeline_mode = #tpu.pipeline_mode<synchronous>, transform_indices = @transform_1, window_bounds = array<i64: 128, 256>}, {pipeline_mode = #tpu.pipeline_mode<synchronous>, transform_indices = @transform_2, window_bounds = array<i64: 1, 128>}, {transform_indices = @transform_3, window_bounds = array<i64: 1000, 128>}, {transform_indices = @transform_4, window_bounds = array<i64: 1000, 128>}]} {
    %get3A = arith.constant 0 : index
    %get3A_0 = arith.constant 0 : index
    %get3A_1 = vector.load %arg1[%get3A, %get3A_0] : memref<1000x128xf32, #tpu.memory_space<vmem>>, vector<1000x128xf32>
    %get3A_2 = arith.constant 0 : index
    %get3A_3 = arith.constant 0 : index
    %get3A_4 = vector.load %arg2[%get3A_2, %get3A_3] : memref<128x256xf32, #tpu.memory_space<vmem>>, vector<128x256xf32>
    %dot_general3A = arith.constant dense<0.000000e+00> : vector<1000x256xf32>
    %dot_general3A_5 = tpu.matmul %get3A_1, %get3A_4, %dot_general3A {dimension_numbers = #tpu.dot_dimension_numbers<[1], [0], [0], [1], [0, 0, 1, 1], [], []>, transpose_lhs_hint = false} : vector<1000x128xf32>, vector<128x256xf32>, vector<1000x256xf32> -> vector<1000x256xf32>
    %slice3A = vector.extract_strided_slice %dot_general3A_5 {offsets = [0, 0], sizes = [1000, 128], strides = [1, 1]} : vector<1000x256xf32> to vector<1000x128xf32>
    %get3A_6 = arith.constant 0 : index
    %get3A_7 = arith.constant 0 : index
    %get3A_8 = vector.load %arg3[%get3A_6, %get3A_7] : memref<1x128xf32, #tpu.memory_space<vmem>>, vector<1x128xf32>
    %add3A = vector.broadcast %get3A_8 : vector<1x128xf32> to vector<1000x128xf32>
    %add3A_9 = arith.addf %slice3A, %add3A : vector<1000x128xf32>
    %swap3A = arith.constant 0 : index
    %swap3A_10 = arith.constant 0 : index
    %swap3A_11 = vector.load %arg4[%swap3A, %swap3A_10] : memref<1000x128xf32, #tpu.memory_space<vmem>>, vector<1000x128xf32>
    tpu.vector_store %arg4[%swap3A, %swap3A_10], %add3A_9 {strides = array<i32>} : memref<1000x128xf32, #tpu.memory_space<vmem>>, vector<1000x128xf32>,
    %slice3A_12 = vector.extract_strided_slice %dot_general3A_5 {offsets = [0, 128], sizes = [1000, 128], strides = [1, 1]} : vector<1000x256xf32> to vector<1000x128xf32>
    %swap3A_13 = arith.constant 0 : index
    %swap3A_14 = arith.constant 0 : index
    %swap3A_15 = vector.load %arg5[%swap3A_13, %swap3A_14] : memref<1000x128xf32, #tpu.memory_space<vmem>>, vector<1000x128xf32>
    tpu.vector_store %arg5[%swap3A_13, %swap3A_14], %slice3A_12 {strides = array<i32>} : memref<1000x128xf32, #tpu.memory_space<vmem>>, vector<1000x128xf32>,
    return
  }
  func.func @transform_0(%arg0: i32) -> (i32, i32) {
    %c0_i32 = arith.constant 0 : i32
    %c0_i32_0 = arith.constant 0 : i32
    return %arg0, %c0_i32 : i32, i32
  }
  func.func @transform_1(%arg0: i32) -> (i32, i32) {
    %c0_i32 = arith.constant 0 : i32
    %c0_i32_0 = arith.constant 0 : i32
    %c0_i32_1 = arith.constant 0 : i32
    return %c0_i32, %c0_i32_0 : i32, i32
  }
  func.func @transform_2(%arg0: i32) -> (i32, i32) {
    %c0_i32 = arith.constant 0 : i32
    %c0_i32_0 = arith.constant 0 : i32
    %c0_i32_1 = arith.constant 0 : i32
    return %c0_i32, %c0_i32_0 : i32, i32
  }
  func.func @transform_3(%arg0: i32) -> (i32, i32) {
    %c0_i32 = arith.constant 0 : i32
    %c0_i32_0 = arith.constant 0 : i32
    return %arg0, %c0_i32 : i32, i32
  }
  func.func @transform_4(%arg0: i32) -> (i32, i32) {
    %c0_i32 = arith.constant 0 : i32
    %c0_i32_0 = arith.constant 0 : i32
    return %arg0, %c0_i32 : i32, i32
  }
}

module attributes {stable_mosaic.version = 14 : i64} {
  func.func @_final_body(%arg0: i32, %arg1: memref<1000x128xf32, #tpu.memory_space<vmem>>, %arg2: memref<2x1000x128xf32, #tpu.memory_space<vmem>>, %arg3: memref<2x1000x8xf32, #tpu.memory_space<vmem>>, %arg4: memref<1000x128xf32, #tpu.memory_space<vmem>>) attributes {dimension_semantics = [#tpu.dimension_semantics<arbitrary>], iteration_bounds = array<i64: 10>, scalar_prefetch = 0 : i64, scratch_operands = 0 : i64, tpu.core_type = #tpu.core_type<tc>, window_params = [{transform_indices = @transform_0, window_bounds = array<i64: 1000, 128>}, {transform_indices = @transform_1, window_bounds = array<i64: 2, 1000, 128>}, {transform_indices = @transform_2, window_bounds = array<i64: 2, 1000, 8>}, {transform_indices = @transform_3, window_bounds = array<i64: 1000, 128>}]} {
    %get3A = arith.constant 0 : index
    %get3A_0 = arith.constant 0 : index
    %get3A_1 = arith.constant 0 : index
    %get3A_2 = vector.load %arg3[%get3A, %get3A_0, %get3A_1] : memref<2x1000x8xf32, #tpu.memory_space<vmem>>, vector<1x1000x1xf32>
    %get3A_3 = vector.shape_cast %get3A_2 : vector<1x1000x1xf32> to vector<1000xf32>
    %get3A_4 = arith.constant 1 : index
    %get3A_5 = arith.constant 0 : index
    %get3A_6 = arith.constant 0 : index
    %get3A_7 = vector.load %arg3[%get3A_4, %get3A_5, %get3A_6] : memref<2x1000x8xf32, #tpu.memory_space<vmem>>, vector<1x1000x1xf32>
    %get3A_8 = vector.shape_cast %get3A_7 : vector<1x1000x1xf32> to vector<1000xf32>
    %add3A = arith.addf %get3A_3, %get3A_8 : vector<1000xf32>
    %max3A = arith.constant 1.000000e+00 : f32
    %max3A_9 = vector.broadcast %max3A : f32 to vector<1000xf32>
    %max3A_10 = arith.maximumf %add3A, %max3A_9 : vector<1000xf32>
    %div3A = arith.constant 1.000000e+00 : f32
    %div3A_11 = vector.broadcast %div3A : f32 to vector<1000xf32>
    %div3A_12 = arith.divf %div3A_11, %max3A_10 : vector<1000xf32>
    %get3A_13 = arith.constant 0 : index
    %get3A_14 = arith.constant 0 : index
    %get3A_15 = vector.load %arg1[%get3A_13, %get3A_14] : memref<1000x128xf32, #tpu.memory_space<vmem>>, vector<1000x128xf32>
    %get3A_16 = arith.constant 0 : index
    %get3A_17 = arith.constant 0 : index
    %get3A_18 = arith.constant 0 : index
    %get3A_19 = vector.load %arg2[%get3A_16, %get3A_17, %get3A_18] : memref<2x1000x128xf32, #tpu.memory_space<vmem>>, vector<1x1000x128xf32>
    %get3A_20 = vector.shape_cast %get3A_19 : vector<1x1000x128xf32> to vector<1000x128xf32>
    %get3A_21 = arith.constant 1 : index
    %get3A_22 = arith.constant 0 : index
    %get3A_23 = arith.constant 0 : index
    %get3A_24 = vector.load %arg2[%get3A_21, %get3A_22, %get3A_23] : memref<2x1000x128xf32, #tpu.memory_space<vmem>>, vector<1x1000x128xf32>
    %get3A_25 = vector.shape_cast %get3A_24 : vector<1x1000x128xf32> to vector<1000x128xf32>
    %add3A_26 = arith.addf %get3A_20, %get3A_25 : vector<1000x128xf32>
    %broadcast_in_dim3A = vector.shape_cast %div3A_12 : vector<1000xf32> to vector<1000x1xf32>
    %mul3A = vector.broadcast %broadcast_in_dim3A : vector<1000x1xf32> to vector<1000x128xf32>
    %mul3A_27 = arith.mulf %add3A_26, %mul3A : vector<1000x128xf32>
    %add3A_28 = arith.addf %get3A_15, %mul3A_27 : vector<1000x128xf32>
    %swap3A = arith.constant 0 : index
    %swap3A_29 = arith.constant 0 : index
    %swap3A_30 = vector.load %arg4[%swap3A, %swap3A_29] : memref<1000x128xf32, #tpu.memory_space<vmem>>, vector<1000x128xf32>
    tpu.vector_store %arg4[%swap3A, %swap3A_29], %add3A_28 {strides = array<i32>} : memref<1000x128xf32, #tpu.memory_space<vmem>>, vector<1000x128xf32>,
    return
  }
  func.func @transform_0(%arg0: i32) -> (i32, i32) {
    %c0_i32 = arith.constant 0 : i32
    %c0_i32_0 = arith.constant 0 : i32
    return %arg0, %c0_i32 : i32, i32
  }
  func.func @transform_1(%arg0: i32) -> (i32, i32, i32) {
    %c0_i32 = arith.constant 0 : i32
    %c0_i32_0 = arith.constant 0 : i32
    %c0_i32_1 = arith.constant 0 : i32
    return %c0_i32, %arg0, %c0_i32_0 : i32, i32, i32
  }
  func.func @transform_2(%arg0: i32) -> (i32, i32, i32) {
    %c0_i32 = arith.constant 0 : i32
    %c0_i32_0 = arith.constant 0 : i32
    %c0_i32_1 = arith.constant 0 : i32
    return %c0_i32, %arg0, %c0_i32_0 : i32, i32, i32
  }
  func.func @transform_3(%arg0: i32) -> (i32, i32) {
    %c0_i32 = arith.constant 0 : i32
    %c0_i32_0 = arith.constant 0 : i32
    return %arg0, %c0_i32 : i32, i32
  }
}

</mosaic_0001>

<sc_bundles>
// kernel: kernel.10.cloned.1.call-start
scs
__scs_entry_jumppad:
0x0: {  	(pc) =	sbr.rel $0x88, $3  }
0x1: {  	(tag) =	ssettag $0x0;
	lr =	simm.s32 $0x1  }
0x2: {  	[smem:$0x3F99] =	sst lr;
	_ =	strace $0xD0000000  }
0x3: {  	_ = 	snop  }
0x4: {  	_ = 	snop  }
0x5: {  	_ = 	snop  }
0x6: {  	_ = 	snop  }
0x7: {  	_ = 	snop  }
__scs_overlays_trampoline_lowered:
0x8: {  	[smem:$0x3FA8] =	sst s0  }
0x9: {  	[smem:$0x3FA9] =	sst s1  }
0xa: {  	[smem:$0x3FAA] =	sst s2  }
0xb: {  	[smem:$0x3FAB] =	sst s3  }
0xc: {  	[smem:$0x3FAC] =	sst s4  }
0xd: {  	[smem:$0x3FAD] =	sst s5  }
0xe: {  	[smem:$0x3FAE] =	sst s6  }
0xf: {  	[smem:$0x3FAF] =	sst s7  }
0x10: {  	[smem:$0x3FB0] =	sst s8  }
0x11: {  	[smem:$0x3FB1] =	sst s9;
	s0 =	simm.s32 @!p0 $0x0  }
0x12: {  	s1 =	sld [smem:$0x3F97];
	s0 =	simm.s32 @p0 $0x1  }
0x13: {  	[smem:$0x3FB2] =	sst s0;
	s0 =	simm.s32 @!p1 $0x0  }
0x14: {  	s2 =	sld [smem:$0x3F96];
	s0 =	simm.s32 @p1 $0x1  }
0x15: {  	[smem:$0x3FB3] =	sst s0;
	s0 =	simm.s32 @!p2 $0x0  }
0x16: {  	s3 =	sld [smem:$0x3FDB];
	s0 =	simm.s32 @p2 $0x1  }
0x17: {  	s4 =	simm.s32 $0x1BF5;
	[smem:$0x3FB5] =	sst s0  }
0x18: {  	s0 =	sld [smem:$0x3F98];
	_ =	swait.ge [sflag:s4], $0x0  }
0x19: {  	s7 =	sld [smem:$0x3F99]  }
0x1a: {  	s8 =	sadd.s32 $0xFFFFE003, lr  }
0x1b: {  	s9 =	sadd.s32 $0xFFFFFEF7, lr;
	s5 =	simm.s32 $0xFFFFFFFF;
	p2 =	slt.u32 s8, $0xFFFFF086  }
0x1c: {  	p1 =	slt.u32 s9, $0xF7A;
	s5 =	simm.s32 @!p2 $0x0  }
0x1d: {  	s5 =	simm.s32 @p1 $0x1;
	p0 =	seq.s32 s7, s2  }
0x1e: {  	s7 =	smul.u32 @!p0 $0xF7A, s2;
	p2 =	seq.s32 @!p0 s5, $0x0  }
0x1f: {  	s9 =	smul.u32 $0xF7A, s1;
	s8 =	simm.s32 @!p0 $0x1BF5;
	p2 =	por !p2, p0  }
0x20: {  	[sflag:s8] =	ssyncset.s32 @!p0 $0xFFFFF086;
	s6 =	sadd.s32 @!p0 s3, s7;
	s7 =	simm.s32 @!p0 $0x108  }
0x21: {  	s3 =	sadd.s32 s3, s9;
	s6 =	sadd.s32 @!p0 $0x88, s6;
	s7 =	simm.s32 @p2 $0x1082  }
0x22: {  	[simem:s7], [sflag:s8] =	dma.local @!p0 [hbm:s6], $0xF7A  }
0x23: {  	s9 =	sor.u32 $0xD0000000, s2;
	s6 =	simm.s32 $0x108;
	_ =	swait.ge @!p0 [sflag:s8], $0x0  }
0x24: {  	s3 =	sadd.s32 $0x88, s3;
	s6 =	simm.s32 @!p1 $0x1082;
	[sflag:s4] =	ssyncset.s32 $0xFFFFF086  }
0x25: {  	[simem:s6], [sflag:s4] =	dma.local [hbm:s3], $0xF7A  }
0x26: {  	[smem:$0x3F99] =	sst s1;
	(tag) =	ssettag s2;
	_ =	strace s9  }
0x27: {  	s1 =	sld [smem:$0x3FA9]  }
0x28: {  	s2 =	sld [smem:$0x3FAA]  }
0x29: {  	s4 =	sld [smem:$0x3FAC]  }
0x2a: {  	p0 =	seq.s32 s5, $0x0;
	s5 =	sld [smem:$0x3FAD]  }
0x2b: {  	s6 =	sld [smem:$0x3FAE]  }
0x2c: {  	s7 =	sld [smem:$0x3FAF]  }
0x2d: {  	s3 =	simm.s32 $0x108;
	s8 =	sld [smem:$0x3FB0]  }
0x2e: {  	s3 =	simm.s32 @!p0 $0x1082;
	s9 =	sld [smem:$0x3FB1]  }
0x2f: {  	lr =	sadd.s32 s0, s3;
	s0 =	sld [smem:$0x3FA8]  }
0x30: {  	s3 =	sld [smem:$0x3FAB]  }
0x31: {  	[smem:$0x3FB4] =	sst s10  }
0x32: {  	s10 =	sld [smem:$0x3FB2];
	_ =	sdelay $0x3  }
0x33: {  	p0 =	seq.s32 s10, $0x1;
	s10 =	sld [smem:$0x3FB4];
	_ =	sdelay $0x3  }
0x34: {  	[smem:$0x3FB4] =	sst s10  }
0x35: {  	s10 =	sld [smem:$0x3FB3];
	_ =	sdelay $0x3  }
0x36: {  	p1 =	seq.s32 s10, $0x1;
	s10 =	sld [smem:$0x3FB4];
	_ =	sdelay $0x3  }
0x37: {  	[smem:$0x3FB4] =	sst s10  }
0x38: {  	s10 =	sld [smem:$0x3FB5]  }
0x39: {  	_ = 	snop;
	(pc) =	sbr.ind lr, $3  }
0x3a: {  	_ = 	snop  }
0x3b: {  	_ = 	snop  }
0x3c: {  	p2 =	seq.s32 s10, $0x1;
	s10 =	sld [smem:$0x3FB4]  }
0x3d: {  	_ =	shalt  }
0x3e: {  	_ =	shalt  }
0x3f: {  	_ =	shalt  }
0x40: {  	_ =	shalt  }
0x41: {  	_ =	shalt  }
0x42: {  	_ =	shalt  }
0x43: {  	_ =	shalt  }
0x44: {  	_ =	shalt  }
0x45: {  	_ =	shalt  }
0x46: {  	_ =	shalt  }
0x47: {  	_ =	shalt  }
0x48: {  	_ =	shalt  }
0x49: {  	_ =	shalt  }
0x4a: {  	_ =	shalt  }
0x4b: {  	_ =	shalt  }
0x4c: {  	_ =	shalt  }
0x4d: {  	_ =	shalt  }
0x4e: {  	_ =	shalt  }
0x4f: {  	_ =	shalt  }
0x50: {  	_ =	shalt  }
0x51: {  	_ =	shalt  }
0x52: {  	_ =	shalt  }
0x53: {  	_ =	shalt  }
0x54: {  	_ =	shalt  }
0x55: {  	_ =	shalt  }
0x56: {  	_ =	shalt  }
0x57: {  	_ =	shalt  }
0x58: {  	_ =	shalt  }
0x59: {  	_ =	shalt  }
0x5a: {  	_ =	shalt  }
0x5b: {  	_ =	shalt  }
0x5c: {  	_ =	shalt  }
0x5d: {  	_ =	shalt  }
0x5e: {  	_ =	shalt  }
0x5f: {  	_ =	shalt  }
0x60: {  	_ =	shalt  }
0x61: {  	_ =	shalt  }
0x62: {  	_ =	shalt  }
0x63: {  	_ =	shalt  }
0x64: {  	_ =	shalt  }
0x65: {  	_ =	shalt  }
0x66: {  	_ =	shalt  }
0x67: {  	_ =	shalt  }
0x68: {  	_ =	shalt  }
0x69: {  	_ =	shalt  }
0x6a: {  	_ =	shalt  }
0x6b: {  	_ =	shalt  }
0x6c: {  	_ =	shalt  }
0x6d: {  	_ =	shalt  }
0x6e: {  	_ =	shalt  }
0x6f: {  	_ =	shalt  }
0x70: {  	_ =	shalt  }
0x71: {  	_ =	shalt  }
0x72: {  	_ =	shalt  }
0x73: {  	_ =	shalt  }
0x74: {  	_ =	shalt  }
0x75: {  	_ =	shalt  }
0x76: {  	_ =	shalt  }
0x77: {  	_ =	shalt  }
0x78: {  	_ =	shalt  }
0x79: {  	_ =	shalt  }
0x7a: {  	_ =	shalt  }
0x7b: {  	_ =	shalt  }
0x7c: {  	_ =	shalt  }
0x7d: {  	_ =	shalt  }
0x7e: {  	_ =	shalt  }
0x7f: {  	_ =	shalt  }
0x80: {  	_ =	shalt  }
0x81: {  	_ =	shalt  }
0x82: {  	_ =	shalt  }
0x83: {  	_ =	shalt  }
0x84: {  	_ =	shalt  }
0x85: {  	_ =	shalt  }
0x86: {  	_ =	shalt  }
0x87: {  	_ =	shalt  }
.Lfunc_end0:
.L_simem_size_0:
called_computation_lowered:
.L_overlay_start_0:
0x88: {  	s2 =	sld [smem:$0x3FD9]  }
0x89: {  	s3 =	sld [smem:$0x3FFE];
	_ =	sdelay $0x1  }
0x8a: {  	s1 =	srdreg.scid  }
0x8b: {  	s0 =	sand.u32 $0x1, s1  }
0x8c: {  	s17 =	sshll.u32 s0, $0xA;
	s2 =	sadd.s32 s3, s2  }
0x8d: {  	s2 =	sadd.s32 s2, s17  }
0x8e: {  	[smem:$0x3FC0] =	sst s2  }
0x8f: {  	_ = 	snop  }
0x90: {  	(tm) =	ssettm $0x1  }
0x91: {  	s18 =	sld [smem:$0x3FFB];
	_ =	sdelay $0x3  }
0x92: {  	_ =	strace s18  }
0x93: {  	s2 =	sld [smem:$0x3FFC];
	_ =	sdelay $0x3  }
0x94: {  	_ =	strace s2  }
0x95: {  	s2 =	sld [smem:$0x3FFD];
	_ =	sdelay $0x3  }
0x96: {  	_ =	strace s2  }
0x97: {  	_ =	strace $0x8FFFFFFF  }
0x98: {  	s19 =	sld [smem:$0x3FDB];
	_ =	sdelay $0x1  }
0x99: {  	s20 =	simm.s32 $_scs_section_size  }
0x9a: {  	s4 =	simm.s32 $_size__tile_overlayer_lowered;
	s5 =	simm.s32 $_tile_overlayer_lowered  }
0x9b: {  	s6 =	simm.s32 $0x1BFF;
	s21 =	sshll.u32 s5, $0x1;
	s3 =	sadd.s32 s20, s19  }
0x9c: {  	s22 =	simm.s32 $0x0;
	s4 =	sshll.u32 s4, $0x1;
	s5 =	sadd.s32 s21, s3  }
0x9d: {  	[timem:s22], [sflag:s6] =	dma.local [hbm:s5], s4  }
0x9e: {  	_ =	swait.ge [sflag:s6], s4  }
0x9f: {  	s4 =	ssub.s32 $0x0, s4;
	[sflag:s6] =	ssyncset.done $0x0  }
0xa0: {  	[sflag:s6] =	ssyncadd.s32 s4;
	_ =	sdelay $0x1  }
0xa1: {  	s23 =	simm.s32 $0x1B8B  }
0xa2: {  	_ =	swait.ge [sflag:s23], $0x1  }
0xa3: {  	[sflag:s23] =	ssyncset.done $0x0  }
0xa4: {  	[sflag:s23] =	ssyncadd.s32 $0xFFFFFFFF  }
0xa5: {  	s4 =	sld [smem:$0x0]  }
0xa6: {  	s5 =	sand.u32 $0xFFFFFFFE, s1  }
0xa7: {  	p0 =	sne.s32 s1, s5  }
0xa8: {  	s5 =	sshll.u32 @p0 s5, $0xE  }
0xa9: {  	s5 =	sadd.s32 @p0 $0x11B8D, s5;
	s6 =	sshll.u32 @p0 s4, $0x11  }
0xaa: {  	s5 =	sor.u32 @p0 s6, s5  }
0xab: {  	[sflag:s5] =	ssyncadd.remote.s32 @p0 $0x1;
	_ =	sdelay $0x1  }
0xac: {  	s5 =	simm.s32 @p0 $0x1B8D  }
0xad: {  	_ =	swait.eq @p0 [sflag:s5], $0x1  }
0xae: {  	[sflag:s5] =	ssyncadd.s32 @p0 $0xFFFFFFFF  }
0xaf: {  	s6 =	sshll.u32 @!p0 s1, $0xE  }
0xb0: {  	s6 =	sor.u32 @!p0 $0x4000, s6;
	s5 =	simm.s32 @!p0 $0x1B8D  }
0xb1: {  	s4 =	sshll.u32 @!p0 s4, $0x11;
	s6 =	sadd.s32 @!p0 $0x11B8D, s6;
	_ =	swait.eq @!p0 [sflag:s5], $0x1  }
0xb2: {  	s4 =	sor.u32 @!p0 s4, s6;
	[sflag:s5] =	ssyncadd.s32 @!p0 $0xFFFFFFFF  }
0xb3: {  	s25 =	simm.s32 $0x1B8E;
	s24 =	sld [smem:$0x3FFE];
	[sflag:s4] =	ssyncadd.remote.s32 @!p0 $0x1  }
0xb4: {  	s26 =	simm.s32 $execute0_lowered;
	[smem:$0x3FD2] =	sst s25  }
0xb5: {  	s5 =	sshll.u32 s26, $0x1;
	_ =	strace $0x80000049;
	[dreg:$0x1] =	wrdreg $0xFFFFFFFF  }
0xb6: {  	s28 =	simm.s32 $_size_execute0_lowered;
	s3 =	sadd.s32 s3, s5;
	[dreg:$0x0] =	wrdreg $0x0  }
0xb7: {  	s5 =	sshll.u32 s28, $0x1;
	[dreg:$0x2] =	wrdreg s3  }
0xb8: {  	[dreg:$0x3] =	wrdreg s5  }
0xb9: {  	[dreg:$0x4] =	wrdreg $0xC0  }
0xba: {  	_ =	task [dreg:s22], $0x5FFFF  }
0xbb: {  	[dreg:$0x1] =	wrdreg $0xFFFFFFFF  }
0xbc: {  	[dreg:$0x0] =	wrdreg $0x60  }
0xbd: {  	[dreg:$0x2] =	wrdreg s24  }
0xbe: {  	[dreg:$0x3] =	wrdreg $0x68000  }
0xbf: {  	[dreg:$0x4] =	wrdreg $0x9  }
0xc0: {  	_ =	task.clear_ibuf [dreg:s22], $0x5FFFF;
	_ =	strace $0x90000049  }
0xc1: {  	s29 =	simm.s32 $0x9;
	_ =	strace $0x8000004B  }
0xc2: {  	_ =	swait.ge [sflag:s29], $0x1  }
0xc3: {  	[sflag:s29] =	ssyncadd.s32 $0xFFFFFFFF  }
0xc4: {  	_ =	strace $0x9000004B  }
0xc5: {  	_ =	sfence  }
0xc6: {  	s30 =	sld [smem:$0x0];
	_ =	sdelay $0x2  }
0xc7: {  	s31 =	sshll.u32 s1, $0xD;
	s1 =	sshrl.u32 s1, $0x2  }
0xc8: {  	s4 =	sand.u32 $0x4000, s31;
	s1 =	sadd.s32 s1, s30  }
0xc9: {  	s0 =	sor.u32 s4, s0;
	s1 =	sshll.u32 s1, $0x11  }
0xca: {  	s0 =	sor.u32 s1, s0  }
0xcb: {  	s0 =	sadd.s32 $0x8F2B, s0  }
0xcc: {  	[sflag:s0] =	ssyncadd.remote.s32 $0x1  }
0xcd: {  	_ =	sfence.sel $0xFFFF  }
0xce: {  	[dreg:$0x0] =	wrdreg $0xFFFFFFFF;
	(pc) =	sbr.abs _section_cstart, $3  }
0xcf: {  	[dreg:$0x1] =	wrdreg $0xFFFFFFFF  }
0xd0: {  	_ =	task.clear_ibuf [dreg:s22], $0x2FFFF;
	_ =	strace $0x9FFFFFFF  }
0xd1: {  	(tm) =	ssettm $0x7FFFFFFF  }
tec
execute0_lowered:
.L_overlay_start_1:
0x0: {  	(tag) =	ssettag $0x1  }
0x1: {  	s0 =	srdreg.scid;
	s25 =	stileid.u32  }
0x2: {  	s6 =	rddreg [dreg:$0x0];
	s10 =	simm.s32 $0x2800;
	s13 =	simm.s32 $0x7D  }
0x3: {  	s14 =	simm.s32 $0x80;
	s15 =	simm.s32 $0x100;
	s16 =	simm.s32 $0x180  }
0x4: {  	s17 =	simm.s32 $0x200;
	s18 =	simm.s32 $0x280;
	s19 =	simm.s32 $0x300  }
0x5: {  	s20 =	simm.s32 $0x380;
	s21 =	simm.s32 $0x1;
	s22 =	simm.s32 $0x2  }
0x6: {  	s23 =	simm.s32 $0x3;
	s24 =	simm.s32 $0x4;
	s28 =	simm.s32 $0x7  }
0x7: {  	s29 =	simm.s32 $0x8;
	s30 =	simm.s32 $0x0;
	s7 =	smul.u32 $0x14000, s25  }
0x8: {  	s1 =	sand.u32 $0x1, s0;
	s9 =	smul.u32 $0x50000, s25;
	s31 =	sshll.u32 s25, $0x6  }
0x9: {  	s2 =	sshll.u32 s1, $0x4;
	s5 =	smul.u32 $0x140000, s1;
	s1 =	ssub.s32 $0x2, s1  }
0xa: {  	s11 =	sor.u32 $0x1C09, s31;
	s3 =	sor.u32 s25, s2;
	s2 =	rddreg [dreg:$0x1]  }
0xb: {  	s26 =	sshrl.u32 s1, $0x1;
	s9 =	sshrl.u32 s9, $0x2;
	s25 =	simm.s32 $0x5  }
0xc: {  	s4 =	smul.u32 $0x500, s3;
	s3 =	simm.s32 $0x0;
	s7 =	sadd.s32 s7, s5  }
0xd: {  	s5 =	sadd.s32 $0x69200, s6;
	s1 =	ssub.s32 s1, s26;
	s12 =	sadd.s32 s9, s2  }
0xe: {  	s9 =	simm.s32 $0x9;
	s26 =	simm.s32 $0x6;
	[smem:$0x7FF] =	sst s3  }
0xf: {  	s7 =	sshrl.u32 s7, $0x3;
	s12 =	sshrl.u32 s12, $0x3;
	_ =	strace $0x8000004A  }
0x10: {  	s8 =	sadd.s32 s4, s6;
	s4 =	sadd.s32 $0x16A00, s6;
	s7 =	sadd.s32 s7, s6  }
0x11: {  	s6 =	sadd.s32 $0x2A00, s8;
	s7 =	sadd.s32 $0x69A00, s7;
	s8 =	smax.u32 s1, $0x1  }
.LBB2_1:
0x12: {  	[tilespmem:s3], [sflag:$0x9] =	stream.linear.gather [hbm4b:s6+s3], $0x2800, $0x38;
	[tilespmem:$0x1A800] =	vst v63  }
0x13: {  	_ =	swait.ge [sflag:s9], $0x2800  }
0x14: {  	[sflag:s9] =	ssyncset.done $0x0  }
0x15: {  	[sflag:s9] =	ssyncadd.s32 $0xFFFFD800  }
0x16: {  	[tilespmem:s10], [sflag:$0x9] =	stream.linear.gather [hbm4b:s5+s3], $0x3E80, $0x38;
	[tilespmem:$0x1A800] =	vst v63  }
0x17: {  	_ =	swait.ge [sflag:s9], $0x3E80  }
0x18: {  	[sflag:s9] =	ssyncset.done $0x0  }
0x19: {  	[sflag:s9] =	ssyncadd.s32 $0xFFFFC180  }
0x1a: {  	[spmem:s12], [sflag:s11] =	dma.local [hbm:s4], $0x2800  }
0x1b: {  	_ =	swait.ge [sflag:s9], $0x2800  }
0x1c: {  	[sflag:s9] =	ssyncset.done $0x0  }
0x1d: {  	[sflag:s9] =	ssyncadd.s32 $0xFFFFD800  }
0x1e: {  	[bflag:$0x0] =	sbarrier.arrive $0xFFFF  }
0x1f: {  	[spmem:s2] =	stream.indirect.scatter.add.f32 [tilespmem:s10], [sflag:$0x1], $0x80, s3, s13, $0xb8;
	[tilespmem:$0x1A800] =	vst v63  }
0x20: {  	_ = 	snop  }
0x21: {  	[spmem:s2] =	stream.indirect.scatter.add.f32 [tilespmem:s10], [sflag:$0x2], $0x80, s14, s13, $0xb8;
	[tilespmem:$0x1A800] =	vst v63  }
0x22: {  	_ = 	snop  }
0x23: {  	[spmem:s2] =	stream.indirect.scatter.add.f32 [tilespmem:s10], [sflag:$0x3], $0x80, s15, s13, $0xb8;
	[tilespmem:$0x1A800] =	vst v63  }
0x24: {  	_ = 	snop  }
0x25: {  	[spmem:s2] =	stream.indirect.scatter.add.f32 [tilespmem:s10], [sflag:$0x4], $0x80, s16, s13, $0xb8;
	[tilespmem:$0x1A800] =	vst v63  }
0x26: {  	_ = 	snop  }
0x27: {  	[spmem:s2] =	stream.indirect.scatter.add.f32 [tilespmem:s10], [sflag:$0x5], $0x80, s17, s13, $0xb8;
	[tilespmem:$0x1A800] =	vst v63  }
0x28: {  	_ = 	snop  }
0x29: {  	[spmem:s2] =	stream.indirect.scatter.add.f32 [tilespmem:s10], [sflag:$0x6], $0x80, s18, s13, $0xb8;
	[tilespmem:$0x1A800] =	vst v63  }
0x2a: {  	_ = 	snop  }
0x2b: {  	[spmem:s2] =	stream.indirect.scatter.add.f32 [tilespmem:s10], [sflag:$0x7], $0x80, s19, s13, $0xb8;
	[tilespmem:$0x1A800] =	vst v63  }
0x2c: {  	_ = 	snop  }
0x2d: {  	[spmem:s2] =	stream.indirect.scatter.add.f32 [tilespmem:s10], [sflag:$0x8], $0x80, s20, s13, $0xb8;
	[tilespmem:$0x1A800] =	vst v63  }
0x2e: {  	_ =	swait.ge [sflag:s21], $0x3E80  }
0x2f: {  	[sflag:s21] =	ssyncset.done $0x0  }
0x30: {  	s1 =	simm.s32 $0x400;
	[sflag:s21] =	ssyncadd.s32 $0xFFFFC180  }
0x31: {  	[spmem:s2] =	stream.indirect.scatter.add.f32 [tilespmem:s10], [sflag:$0x1], $0x80, s1, s13, $0xb8;
	[tilespmem:$0x1A800] =	vst v63  }
0x32: {  	_ =	swait.ge [sflag:s22], $0x3E80  }
0x33: {  	[sflag:s22] =	ssyncset.done $0x0  }
0x34: {  	s0 =	simm.s32 $0x480;
	[sflag:s22] =	ssyncadd.s32 $0xFFFFC180  }
0x35: {  	[spmem:s2] =	stream.indirect.scatter.add.f32 [tilespmem:s10], [sflag:$0x2], $0x80, s0, s13, $0xb8;
	[tilespmem:$0x1A800] =	vst v63  }
0x36: {  	_ =	swait.ge [sflag:s23], $0x3E80  }
0x37: {  	[sflag:s23] =	ssyncset.done $0x0  }
0x38: {  	s0 =	simm.s32 $0x500;
	[sflag:s23] =	ssyncadd.s32 $0xFFFFC180  }
0x39: {  	[spmem:s2] =	stream.indirect.scatter.add.f32 [tilespmem:s10], [sflag:$0x3], $0x80, s0, s13, $0xb8;
	[tilespmem:$0x1A800] =	vst v63  }
0x3a: {  	_ =	swait.ge [sflag:s24], $0x3E80  }
0x3b: {  	[sflag:s24] =	ssyncset.done $0x0  }
0x3c: {  	s0 =	simm.s32 $0x580;
	[sflag:s24] =	ssyncadd.s32 $0xFFFFC180  }
0x3d: {  	[spmem:s2] =	stream.indirect.scatter.add.f32 [tilespmem:s10], [sflag:$0x4], $0x80, s0, s13, $0xb8;
	[tilespmem:$0x1A800] =	vst v63  }
0x3e: {  	_ =	swait.ge [sflag:s25], $0x3E80  }
0x3f: {  	[sflag:s25] =	ssyncset.done $0x0  }
0x40: {  	s0 =	simm.s32 $0x600;
	[sflag:s25] =	ssyncadd.s32 $0xFFFFC180  }
0x41: {  	[spmem:s2] =	stream.indirect.scatter.add.f32 [tilespmem:s10], [sflag:$0x5], $0x80, s0, s13, $0xb8;
	[tilespmem:$0x1A800] =	vst v63  }
0x42: {  	_ =	swait.ge [sflag:s26], $0x3E80  }
0x43: {  	[sflag:s26] =	ssyncset.done $0x0  }
0x44: {  	s0 =	simm.s32 $0x680;
	[sflag:s26] =	ssyncadd.s32 $0xFFFFC180  }
0x45: {  	[spmem:s2] =	stream.indirect.scatter.add.f32 [tilespmem:s10], [sflag:$0x6], $0x80, s0, s13, $0xb8;
	[tilespmem:$0x1A800] =	vst v63  }
0x46: {  	_ =	swait.ge [sflag:s28], $0x3E80  }
0x47: {  	[sflag:s28] =	ssyncset.done $0x0  }
0x48: {  	s0 =	simm.s32 $0x700;
	[sflag:s28] =	ssyncadd.s32 $0xFFFFC180  }
0x49: {  	[spmem:s2] =	stream.indirect.scatter.add.f32 [tilespmem:s10], [sflag:$0x7], $0x80, s0, s13, $0xb8;
	[tilespmem:$0x1A800] =	vst v63  }
0x4a: {  	_ =	swait.ge [sflag:s29], $0x3E80  }
0x4b: {  	[sflag:s29] =	ssyncset.done $0x0  }
0x4c: {  	s31 =	simm.s32 $0x1000;
	s1 =	simm.s32 $0x780;
	[sflag:s29] =	ssyncadd.s32 $0xFFFFC180  }
.LBB2_2:
0x4d: {  	[spmem:s2] =	stream.indirect.scatter.add.f32 [tilespmem:s10], [sflag:$0x8], $0x80, s1, s13, $0xb8;
	[tilespmem:$0x1A800] =	vst v63  }
0x4e: {  	s1 =	smov.u32 s31  }
0x4f: {  	p0 =	sne.s32 s31, $0x8000;
	s31 =	sadd.s32 $0x1000, s31;
	_ =	swait.ge [sflag:s21], $0x3E80  }
0x50: {  	s1 =	sshra.s32 s1, $0x2;
	[sflag:s21] =	ssyncset.done $0x0  }
0x51: {  	s0 =	sadd.s32 $0x400, s1;
	[sflag:s21] =	ssyncadd.s32 $0xFFFFC180  }
0x52: {  	[spmem:s2] =	stream.indirect.scatter.add.f32 [tilespmem:s10], [sflag:$0x1], $0x80, s0, s13, $0xb8;
	[tilespmem:$0x1A800] =	vst v63  }
0x53: {  	_ =	swait.ge [sflag:s22], $0x3E80  }
0x54: {  	[sflag:s22] =	ssyncset.done $0x0  }
0x55: {  	s0 =	sadd.s32 $0x480, s1;
	[sflag:s22] =	ssyncadd.s32 $0xFFFFC180  }
0x56: {  	[spmem:s2] =	stream.indirect.scatter.add.f32 [tilespmem:s10], [sflag:$0x2], $0x80, s0, s13, $0xb8;
	[tilespmem:$0x1A800] =	vst v63  }
0x57: {  	_ =	swait.ge [sflag:s23], $0x3E80  }
0x58: {  	[sflag:s23] =	ssyncset.done $0x0  }
0x59: {  	s0 =	sadd.s32 $0x500, s1;
	[sflag:s23] =	ssyncadd.s32 $0xFFFFC180  }
0x5a: {  	[spmem:s2] =	stream.indirect.scatter.add.f32 [tilespmem:s10], [sflag:$0x3], $0x80, s0, s13, $0xb8;
	[tilespmem:$0x1A800] =	vst v63  }
0x5b: {  	_ =	swait.ge [sflag:s24], $0x3E80  }
0x5c: {  	[sflag:s24] =	ssyncset.done $0x0  }
0x5d: {  	s0 =	sadd.s32 $0x580, s1;
	[sflag:s24] =	ssyncadd.s32 $0xFFFFC180  }
0x5e: {  	[spmem:s2] =	stream.indirect.scatter.add.f32 [tilespmem:s10], [sflag:$0x4], $0x80, s0, s13, $0xb8;
	[tilespmem:$0x1A800] =	vst v63  }
0x5f: {  	_ =	swait.ge [sflag:s25], $0x3E80  }
0x60: {  	[sflag:s25] =	ssyncset.done $0x0  }
0x61: {  	s0 =	sadd.s32 $0x600, s1;
	[sflag:s25] =	ssyncadd.s32 $0xFFFFC180  }
0x62: {  	[spmem:s2] =	stream.indirect.scatter.add.f32 [tilespmem:s10], [sflag:$0x5], $0x80, s0, s13, $0xb8;
	[tilespmem:$0x1A800] =	vst v63  }
0x63: {  	_ =	swait.ge [sflag:s26], $0x3E80  }
0x64: {  	[sflag:s26] =	ssyncset.done $0x0  }
0x65: {  	s0 =	sadd.s32 $0x680, s1;
	[sflag:s26] =	ssyncadd.s32 $0xFFFFC180  }
0x66: {  	[spmem:s2] =	stream.indirect.scatter.add.f32 [tilespmem:s10], [sflag:$0x6], $0x80, s0, s13, $0xb8;
	[tilespmem:$0x1A800] =	vst v63  }
0x67: {  	_ =	swait.ge [sflag:s28], $0x3E80  }
0x68: {  	[sflag:s28] =	ssyncset.done $0x0  }
.Ltmp0:
0x69: {  	s0 =	sadd.s32 $0x700, s1;
	[sflag:s28] =	ssyncadd.s32 $0xFFFFC180;
	(pc) =	sbr.rel @p0 .LBB2_2-.Ltmp0, $4  }
0x6a: {  	[spmem:s2] =	stream.indirect.scatter.add.f32 [tilespmem:s10], [sflag:$0x7], $0x80, s0, s13, $0xb8;
	[tilespmem:$0x1A800] =	vst v63  }
0x6b: {  	_ =	swait.ge [sflag:s29], $0x3E80  }
0x6c: {  	[sflag:s29] =	ssyncset.done $0x0  }
0x6d: {  	s1 =	sadd.s32 $0x780, s1;
	[sflag:s29] =	ssyncadd.s32 $0xFFFFC180  }
0x6e: {  	[spmem:s2] =	stream.indirect.scatter.add.f32 [tilespmem:s10], [sflag:$0x8], $0x80, s1, s13, $0xb8;
	[tilespmem:$0x1A800] =	vst v63  }
0x6f: {  	_ =	swait.ge [sflag:s21], $0x3E80  }
0x70: {  	[sflag:s21] =	ssyncset.done $0x0  }
0x71: {  	[sflag:s21] =	ssyncadd.s32 $0xFFFFC180  }
0x72: {  	_ =	swait.ge [sflag:s22], $0x3E80  }
0x73: {  	[sflag:s22] =	ssyncset.done $0x0  }
0x74: {  	[sflag:s22] =	ssyncadd.s32 $0xFFFFC180  }
0x75: {  	_ =	swait.ge [sflag:s23], $0x3E80  }
0x76: {  	[sflag:s23] =	ssyncset.done $0x0  }
0x77: {  	[sflag:s23] =	ssyncadd.s32 $0xFFFFC180  }
0x78: {  	_ =	swait.ge [sflag:s24], $0x3E80  }
0x79: {  	[sflag:s24] =	ssyncset.done $0x0  }
0x7a: {  	[sflag:s24] =	ssyncadd.s32 $0xFFFFC180  }
0x7b: {  	_ =	swait.ge [sflag:s25], $0x3E80  }
0x7c: {  	[sflag:s25] =	ssyncset.done $0x0  }
0x7d: {  	[sflag:s25] =	ssyncadd.s32 $0xFFFFC180  }
0x7e: {  	_ =	swait.ge [sflag:s26], $0x3E80  }
0x7f: {  	[sflag:s26] =	ssyncset.done $0x0  }
0x80: {  	[sflag:s26] =	ssyncadd.s32 $0xFFFFC180  }
0x81: {  	_ =	swait.ge [sflag:s28], $0x3E80  }
0x82: {  	[sflag:s28] =	ssyncset.done $0x0  }
0x83: {  	[sflag:s28] =	ssyncadd.s32 $0xFFFFC180  }
0x84: {  	_ =	swait.ge [sflag:s29], $0x3E80  }
0x85: {  	s30 =	sadd.s32 $0x1, s30;
	[sflag:s29] =	ssyncset.done $0x0  }
0x86: {  	p0 =	sne.s32 s30, s8;
	[sflag:s29] =	ssyncadd.s32 $0xFFFFC180  }
.Ltmp1:
0x87: {  	[bflag:$0x0] =	sbarrier.arrive $0xFFFF;
	(pc) =	sbr.rel @p0 .LBB2_1-.Ltmp1, $4  }
0x88: {  	[hbm:s7], [sflag:s11] =	dma.local [spmem:s12], $0x2800  }
0x89: {  	_ =	swait.ge [sflag:s9], $0x2800  }
0x8a: {  	[sflag:s9] =	ssyncset.done $0x0  }
0x8b: {  	[sflag:s9] =	ssyncadd.s32 $0xFFFFD800  }
0x8c: {  	_ =	sfence.sel $0x180000  }
0x8d: {  	[bflag:$0x0] =	sbarrier.arrive $0xFFFF  }
0x8e: {  	_ =	strace $0x9000004A  }
0x8f: {  	s0 =	stileid.u32;
	[bflag:$0x2] =	sbarrier.arrive $0xFFFF  }
0x90: {  	p0 =	sne.s32 s0, $0x0;
	s0 =	rddreg [dreg:$0x2]  }
0x91: {  	s0 =	sadd.s32 @!p0 $0x100000, s0  }
0x92: {  	[sflag:s0] =	ssyncadd.tile.s32 @!p0 $0x1;
	_ =	shalt  }
.Lfunc_end2:
_tile_overlayer_lowered:
.L_overlay_start_2:
0x93: {  	(tag) =	ssettag $0x2  }
0x94: {  	s0 =	rddreg [dreg:$0x0];
	s2 =	stileid.u32  }
0x95: {  	s1 =	rddreg [dreg:$0x1];
	p0 =	sne.s32 s2, $0x0  }
0x96: {  	s3 =	rddreg [dreg:$0x2];
	[bflag:$0x3] =	sbarrier.arrive $0xFFFF;
	s2 =	simm.s32 @!p0 $0x1C09  }
0x97: {  	[timem:s3], [sflag:s2] =	dma.local @!p0 [hbm:s0], s1  }
0x98: {  	s0 =	simm.s32 @!p0 $0x9  }
0x99: {  	_ =	swait.ge @!p0 [sflag:s0], s1  }
0x9a: {  	s1 =	ssub.s32 @!p0 $0x0, s1;
	[sflag:s0] =	ssyncset.done @!p0 $0x0  }
0x9b: {  	[sflag:s0] =	ssyncadd.s32 @!p0 s1  }
0x9c: {  	[bflag:$0x3] =	sbarrier.arrive $0xFFFF  }
0x9d: {  	_ =	shalt  }

// kernel: kernel.13.cloned.1.call-start
scs
__scs_entry_jumppad:
0x0: {  	(pc) =	sbr.rel $0x88, $3  }
0x1: {  	(tag) =	ssettag $0x0;
	lr =	simm.s32 $0x1  }
0x2: {  	[smem:$0x3F99] =	sst lr;
	_ =	strace $0xD0000000  }
0x3: {  	_ = 	snop  }
0x4: {  	_ = 	snop  }
0x5: {  	_ = 	snop  }
0x6: {  	_ = 	snop  }
0x7: {  	_ = 	snop  }
__scs_overlays_trampoline_lowered:
0x8: {  	[smem:$0x3FA8] =	sst s0  }
0x9: {  	[smem:$0x3FA9] =	sst s1  }
0xa: {  	[smem:$0x3FAA] =	sst s2  }
0xb: {  	[smem:$0x3FAB] =	sst s3  }
0xc: {  	[smem:$0x3FAC] =	sst s4  }
0xd: {  	[smem:$0x3FAD] =	sst s5  }
0xe: {  	[smem:$0x3FAE] =	sst s6  }
0xf: {  	[smem:$0x3FAF] =	sst s7  }
0x10: {  	[smem:$0x3FB0] =	sst s8  }
0x11: {  	[smem:$0x3FB1] =	sst s9;
	s0 =	simm.s32 @!p0 $0x0  }
0x12: {  	s1 =	sld [smem:$0x3F97];
	s0 =	simm.s32 @p0 $0x1  }
0x13: {  	[smem:$0x3FB2] =	sst s0;
	s0 =	simm.s32 @!p1 $0x0  }
0x14: {  	s2 =	sld [smem:$0x3F96];
	s0 =	simm.s32 @p1 $0x1  }
0x15: {  	[smem:$0x3FB3] =	sst s0;
	s0 =	simm.s32 @!p2 $0x0  }
0x16: {  	s3 =	sld [smem:$0x3FDB];
	s0 =	simm.s32 @p2 $0x1  }
0x17: {  	s4 =	simm.s32 $0x1BF5;
	[smem:$0x3FB5] =	sst s0  }
0x18: {  	s0 =	sld [smem:$0x3F98];
	_ =	swait.ge [sflag:s4], $0x0  }
0x19: {  	s7 =	sld [smem:$0x3F99]  }
0x1a: {  	s8 =	sadd.s32 $0xFFFFE003, lr  }
0x1b: {  	s9 =	sadd.s32 $0xFFFFFEF7, lr;
	s5 =	simm.s32 $0xFFFFFFFF;
	p2 =	slt.u32 s8, $0xFFFFF086  }
0x1c: {  	p1 =	slt.u32 s9, $0xF7A;
	s5 =	simm.s32 @!p2 $0x0  }
0x1d: {  	s5 =	simm.s32 @p1 $0x1;
	p0 =	seq.s32 s7, s2  }
0x1e: {  	s7 =	smul.u32 @!p0 $0xF7A, s2;
	p2 =	seq.s32 @!p0 s5, $0x0  }
0x1f: {  	s9 =	smul.u32 $0xF7A, s1;
	s8 =	simm.s32 @!p0 $0x1BF5;
	p2 =	por !p2, p0  }
0x20: {  	[sflag:s8] =	ssyncset.s32 @!p0 $0xFFFFF086;
	s6 =	sadd.s32 @!p0 s3, s7;
	s7 =	simm.s32 @!p0 $0x108  }
0x21: {  	s3 =	sadd.s32 s3, s9;
	s6 =	sadd.s32 @!p0 $0x88, s6;
	s7 =	simm.s32 @p2 $0x1082  }
0x22: {  	[simem:s7], [sflag:s8] =	dma.local @!p0 [hbm:s6], $0xF7A  }
0x23: {  	s9 =	sor.u32 $0xD0000000, s2;
	s6 =	simm.s32 $0x108;
	_ =	swait.ge @!p0 [sflag:s8], $0x0  }
0x24: {  	s3 =	sadd.s32 $0x88, s3;
	s6 =	simm.s32 @!p1 $0x1082;
	[sflag:s4] =	ssyncset.s32 $0xFFFFF086  }
0x25: {  	[simem:s6], [sflag:s4] =	dma.local [hbm:s3], $0xF7A  }
0x26: {  	[smem:$0x3F99] =	sst s1;
	(tag) =	ssettag s2;
	_ =	strace s9  }
0x27: {  	s1 =	sld [smem:$0x3FA9]  }
0x28: {  	s2 =	sld [smem:$0x3FAA]  }
0x29: {  	s4 =	sld [smem:$0x3FAC]  }
0x2a: {  	p0 =	seq.s32 s5, $0x0;
	s5 =	sld [smem:$0x3FAD]  }
0x2b: {  	s6 =	sld [smem:$0x3FAE]  }
0x2c: {  	s7 =	sld [smem:$0x3FAF]  }
0x2d: {  	s3 =	simm.s32 $0x108;
	s8 =	sld [smem:$0x3FB0]  }
0x2e: {  	s3 =	simm.s32 @!p0 $0x1082;
	s9 =	sld [smem:$0x3FB1]  }
0x2f: {  	lr =	sadd.s32 s0, s3;
	s0 =	sld [smem:$0x3FA8]  }
0x30: {  	s3 =	sld [smem:$0x3FAB]  }
0x31: {  	[smem:$0x3FB4] =	sst s10  }
0x32: {  	s10 =	sld [smem:$0x3FB2];
	_ =	sdelay $0x3  }
0x33: {  	p0 =	seq.s32 s10, $0x1;
	s10 =	sld [smem:$0x3FB4];
	_ =	sdelay $0x3  }
0x34: {  	[smem:$0x3FB4] =	sst s10  }
0x35: {  	s10 =	sld [smem:$0x3FB3];
	_ =	sdelay $0x3  }
0x36: {  	p1 =	seq.s32 s10, $0x1;
	s10 =	sld [smem:$0x3FB4];
	_ =	sdelay $0x3  }
0x37: {  	[smem:$0x3FB4] =	sst s10  }
0x38: {  	s10 =	sld [smem:$0x3FB5]  }
0x39: {  	_ = 	snop;
	(pc) =	sbr.ind lr, $3  }
0x3a: {  	_ = 	snop  }
0x3b: {  	_ = 	snop  }
0x3c: {  	p2 =	seq.s32 s10, $0x1;
	s10 =	sld [smem:$0x3FB4]  }
0x3d: {  	_ =	shalt  }
0x3e: {  	_ =	shalt  }
0x3f: {  	_ =	shalt  }
0x40: {  	_ =	shalt  }
0x41: {  	_ =	shalt  }
0x42: {  	_ =	shalt  }
0x43: {  	_ =	shalt  }
0x44: {  	_ =	shalt  }
0x45: {  	_ =	shalt  }
0x46: {  	_ =	shalt  }
0x47: {  	_ =	shalt  }
0x48: {  	_ =	shalt  }
0x49: {  	_ =	shalt  }
0x4a: {  	_ =	shalt  }
0x4b: {  	_ =	shalt  }
0x4c: {  	_ =	shalt  }
0x4d: {  	_ =	shalt  }
0x4e: {  	_ =	shalt  }
0x4f: {  	_ =	shalt  }
0x50: {  	_ =	shalt  }
0x51: {  	_ =	shalt  }
0x52: {  	_ =	shalt  }
0x53: {  	_ =	shalt  }
0x54: {  	_ =	shalt  }
0x55: {  	_ =	shalt  }
0x56: {  	_ =	shalt  }
0x57: {  	_ =	shalt  }
0x58: {  	_ =	shalt  }
0x59: {  	_ =	shalt  }
0x5a: {  	_ =	shalt  }
0x5b: {  	_ =	shalt  }
0x5c: {  	_ =	shalt  }
0x5d: {  	_ =	shalt  }
0x5e: {  	_ =	shalt  }
0x5f: {  	_ =	shalt  }
0x60: {  	_ =	shalt  }
0x61: {  	_ =	shalt  }
0x62: {  	_ =	shalt  }
0x63: {  	_ =	shalt  }
0x64: {  	_ =	shalt  }
0x65: {  	_ =	shalt  }
0x66: {  	_ =	shalt  }
0x67: {  	_ =	shalt  }
0x68: {  	_ =	shalt  }
0x69: {  	_ =	shalt  }
0x6a: {  	_ =	shalt  }
0x6b: {  	_ =	shalt  }
0x6c: {  	_ =	shalt  }
0x6d: {  	_ =	shalt  }
0x6e: {  	_ =	shalt  }
0x6f: {  	_ =	shalt  }
0x70: {  	_ =	shalt  }
0x71: {  	_ =	shalt  }
0x72: {  	_ =	shalt  }
0x73: {  	_ =	shalt  }
0x74: {  	_ =	shalt  }
0x75: {  	_ =	shalt  }
0x76: {  	_ =	shalt  }
0x77: {  	_ =	shalt  }
0x78: {  	_ =	shalt  }
0x79: {  	_ =	shalt  }
0x7a: {  	_ =	shalt  }
0x7b: {  	_ =	shalt  }
0x7c: {  	_ =	shalt  }
0x7d: {  	_ =	shalt  }
0x7e: {  	_ =	shalt  }
0x7f: {  	_ =	shalt  }
0x80: {  	_ =	shalt  }
0x81: {  	_ =	shalt  }
0x82: {  	_ =	shalt  }
0x83: {  	_ =	shalt  }
0x84: {  	_ =	shalt  }
0x85: {  	_ =	shalt  }
0x86: {  	_ =	shalt  }
0x87: {  	_ =	shalt  }
.Lfunc_end0:
.L_simem_size_0:
called_computation.1_lowered:
.L_overlay_start_0:
0x88: {  	s2 =	sld [smem:$0x3FD9]  }
0x89: {  	s3 =	sld [smem:$0x3FFE];
	_ =	sdelay $0x1  }
0x8a: {  	s1 =	srdreg.scid  }
0x8b: {  	s0 =	sand.u32 $0x1, s1  }
0x8c: {  	s17 =	sshll.u32 s0, $0xA;
	s2 =	sadd.s32 s3, s2  }
0x8d: {  	s2 =	sadd.s32 s2, s17  }
0x8e: {  	[smem:$0x3FC0] =	sst s2  }
0x8f: {  	_ = 	snop  }
0x90: {  	s2 =	sld [smem:$0x3FD0];
	(tm) =	ssettm $0x1  }
0x91: {  	s18 =	sld [smem:$0x3FFB];
	_ =	sdelay $0x3  }
0x92: {  	_ =	strace s18  }
0x93: {  	s3 =	sld [smem:$0x3FFC];
	_ =	sdelay $0x3  }
0x94: {  	_ =	strace s3  }
0x95: {  	s3 =	sld [smem:$0x3FFD];
	_ =	sdelay $0x3  }
0x96: {  	_ =	strace s3  }
0x97: {  	_ =	strace $0x8FFFFFFF  }
0x98: {  	s19 =	sld [smem:$0x3FDB];
	_ =	sdelay $0x1  }
0x99: {  	s4 =	simm.s32 $_scs_section_size  }
0x9a: {  	s5 =	simm.s32 $_size__tile_overlayer_lowered;
	s6 =	simm.s32 $_tile_overlayer_lowered  }
0x9b: {  	s22 =	simm.s32 $0x1BFF;
	s21 =	sshll.u32 s6, $0x1;
	s3 =	sadd.s32 s4, s19  }
0x9c: {  	s7 =	simm.s32 $0x0;
	s20 =	sshll.u32 s5, $0x1;
	s5 =	sadd.s32 s21, s3  }
0x9d: {  	[timem:s7], [sflag:s22] =	dma.local [hbm:s5], s20  }
0x9e: {  	_ =	swait.ge [sflag:s22], s20  }
0x9f: {  	s4 =	ssub.s32 $0x0, s20;
	[sflag:s22] =	ssyncset.done $0x0  }
0xa0: {  	[sflag:s22] =	ssyncadd.s32 s4;
	_ =	sdelay $0x1  }
0xa1: {  	s23 =	simm.s32 $0x1B8B  }
0xa2: {  	_ =	swait.ge [sflag:s23], $0x1  }
0xa3: {  	[sflag:s23] =	ssyncset.done $0x0  }
0xa4: {  	s25 =	simm.s32 $0x1B8E;
	s24 =	sld [smem:$0x3FFE];
	[sflag:s23] =	ssyncadd.s32 $0xFFFFFFFF  }
0xa5: {  	s26 =	simm.s32 $execute0_lowered;
	[smem:$0x3FD2] =	sst s25  }
0xa6: {  	s5 =	sshll.u32 s26, $0x1;
	_ =	strace $0x80000046;
	[dreg:$0x1] =	wrdreg $0xFFFFFFFF  }
0xa7: {  	s28 =	simm.s32 $_size_execute0_lowered;
	s3 =	sadd.s32 s3, s5;
	[dreg:$0x0] =	wrdreg $0x0  }
0xa8: {  	s5 =	sshll.u32 s28, $0x1;
	[dreg:$0x2] =	wrdreg s3  }
0xa9: {  	[dreg:$0x3] =	wrdreg s5  }
0xaa: {  	[dreg:$0x4] =	wrdreg $0xC0  }
0xab: {  	_ =	task [dreg:s7], $0x5FFFF  }
0xac: {  	[dreg:$0x1] =	wrdreg $0xFFFFFFFF  }
0xad: {  	[dreg:$0x0] =	wrdreg $0x60  }
0xae: {  	[dreg:$0x2] =	wrdreg s2  }
0xaf: {  	[dreg:$0x3] =	wrdreg s24  }
0xb0: {  	[dreg:$0x4] =	wrdreg $0xA8000  }
0xb1: {  	[dreg:$0x5] =	wrdreg $0xA  }
0xb2: {  	_ =	task.clear_ibuf [dreg:s7], $0x6FFFF;
	_ =	strace $0x90000046  }
0xb3: {  	s29 =	simm.s32 $0xA;
	_ =	strace $0x80000048  }
0xb4: {  	_ =	swait.ge [sflag:s29], $0x1  }
0xb5: {  	[sflag:s29] =	ssyncadd.s32 $0xFFFFFFFF  }
0xb6: {  	_ =	strace $0x90000048  }
0xb7: {  	_ =	sfence  }
0xb8: {  	s30 =	sld [smem:$0x0];
	_ =	sdelay $0x2  }
0xb9: {  	s31 =	sshll.u32 s1, $0xD;
	s1 =	sshrl.u32 s1, $0x2  }
0xba: {  	s3 =	sand.u32 $0x4000, s31;
	s1 =	sadd.s32 s1, s30  }
0xbb: {  	s0 =	sor.u32 s3, s0;
	s1 =	sshll.u32 s1, $0x11  }
0xbc: {  	s0 =	sor.u32 s1, s0  }
0xbd: {  	s0 =	sadd.s32 $0x8F2B, s0  }
0xbe: {  	[sflag:s0] =	ssyncadd.remote.s32 $0x1  }
0xbf: {  	_ =	sfence.sel $0xFFFF  }
0xc0: {  	[dreg:$0x0] =	wrdreg $0xFFFFFFFF;
	(pc) =	sbr.abs _section_cstart, $3  }
0xc1: {  	[dreg:$0x1] =	wrdreg $0xFFFFFFFF  }
0xc2: {  	_ =	task.clear_ibuf [dreg:s7], $0x2FFFF;
	_ =	strace $0x9FFFFFFF  }
0xc3: {  	(tm) =	ssettm $0x7FFFFFFF  }
tec
execute0_lowered:
.L_overlay_start_1:
0x0: {  	(tag) =	ssettag $0x1  }
0x1: {  	s1 =	rddreg [dreg:$0x0]  }
0x2: {  	s6 =	rddreg [dreg:$0x1]  }
0x3: {  	s2 =	rddreg [dreg:$0x2]  }
0x4: {  	s0 =	rddreg [dreg:$0x3];
	s4 =	simm.s32 $0x0  }
0x5: {  	s3 =	srdreg.scid;
	s17 =	simm.s32 $0x2800;
	s18 =	simm.s32 $0x80  }
0x6: {  	s19 =	simm.s32 $0x6800;
	s20 =	simm.s32 $0x1;
	s21 =	simm.s32 $0x2  }
0x7: {  	s22 =	simm.s32 $0x3;
	s23 =	simm.s32 $0x4;
	s24 =	simm.s32 $0x0  }
0x8: {  	[smem:$0x7FF] =	sst s4;
	s5 =	sand.u32 $0x1, s3;
	s3 =	stileid.u32  }
0x9: {  	s10 =	sadd.s32 $0xCA00, s6;
	s11 =	sadd.s32 $0x2A00, s6;
	s7 =	smul.u32 $0x140000, s5  }
0xa: {  	s8 =	sshll.u32 s5, $0x4;
	_ =	strace $0x80000047;
	s9 =	smul.u32 $0x14000, s3  }
0xb: {  	s28 =	ssub.s32 $0x2, s5;
	s13 =	smul.u32 $0x50000, s3;
	s8 =	sor.u32 s3, s8  }
0xc: {  	s5 =	sadd.s32 $0x16A00, s6;
	s31 =	sshll.u32 s3, $0x6;
	s12 =	smul.u32 $0x500, s8  }
0xd: {  	s14 =	sshrl.u32 s28, $0x1;
	s7 =	sadd.s32 s9, s7;
	s8 =	smul.u32 $0x2800, s8  }
0xe: {  	s14 =	ssub.s32 s28, s14;
	s29 =	sshrl.u32 s13, $0x2;
	s13 =	simm.s32 $0x1400  }
0xf: {  	s7 =	sshrl.u32 s7, $0x3;
	s16 =	sadd.s32 s29, s2;
	s8 =	sshrl.u32 s8, $0x3  }
0x10: {  	s15 =	sadd.s32 s7, s6;
	s6 =	sadd.s32 s10, s12;
	s30 =	sadd.s32 $0x280, s8  }
0x11: {  	s7 =	sadd.s32 s11, s12;
	s12 =	simm.s32 $0x5;
	s8 =	sadd.s32 s10, s30  }
0x12: {  	s9 =	sadd.s32 s11, s30;
	s10 =	sadd.s32 $0x19200, s15;
	s11 =	smax.u32 s14, $0x1  }
0x13: {  	s14 =	sor.u32 $0x1C05, s31;
	s15 =	sshrl.u32 s16, $0x3;
	s16 =	simm.s32 $0x7D  }
.LBB2_1:
0x14: {  	[tilespmem:s4], [sflag:$0x5] =	stream.linear.gather [hbm4b:s6+s4], $0x1400, $0x38;
	[tilespmem:$0x1E800] =	vst v63  }
0x15: {  	_ =	swait.ge [sflag:s12], $0x1400  }
0x16: {  	[sflag:s12] =	ssyncset.done $0x0  }
0x17: {  	[sflag:s12] =	ssyncadd.s32 $0xFFFFEC00  }
0x18: {  	[tilespmem:s13], [sflag:$0x5] =	stream.linear.gather [hbm4b:s7+s4], $0x1400, $0x38;
	[tilespmem:$0x1E800] =	vst v63  }
0x19: {  	_ =	swait.ge [sflag:s12], $0x1400  }
0x1a: {  	[sflag:s12] =	ssyncset.done $0x0  }
0x1b: {  	[sflag:s12] =	ssyncadd.s32 $0xFFFFEC00  }
0x1c: {  	[spmem:s15], [sflag:s14] =	dma.local [hbm:s5], $0x2800  }
0x1d: {  	_ =	swait.ge [sflag:s12], $0x2800  }
0x1e: {  	[sflag:s12] =	ssyncset.done $0x0  }
.Ltmp0:
0x1f: {  	[sflag:s12] =	ssyncadd.s32 $0xFFFFD800;
	(pc) =	sbr.rel .LBB2_2-.Ltmp0, $4  }
0x20: {  	[bflag:$0x0] =	sbarrier.arrive $0xFFFF  }
0x21: {  	[tilespmem:s17], [sflag:$0x1] =	stream.indirect.gather [hbm4b:s1+s16], $0x80, s4, s16, $0xb8;
	[tilespmem:$0x1E800] =	vst v63  }
0x22: {  	s25 =	simm.s32 $0xFFFFB000;
	s28 =	simm.s32 $0x0;
	s26 =	simm.s32 $0x0  }
0x23: {  	[tilespmem:s19], [sflag:$0x2] =	stream.indirect.gather [hbm4b:s1+s16], $0x80, s18, s16, $0xb8;
	[tilespmem:$0x1E800] =	vst v63  }
.LBB2_6:
0x24: {  	[tilespmem:s4], [sflag:$0x5] =	stream.linear.gather [hbm4b:s8+s4], $0x1400, $0x38;
	[tilespmem:$0x1E800] =	vst v63  }
0x25: {  	_ =	swait.ge [sflag:s12], $0x1400  }
0x26: {  	[sflag:s12] =	ssyncset.done $0x0  }
0x27: {  	[sflag:s12] =	ssyncadd.s32 $0xFFFFEC00  }
0x28: {  	[tilespmem:s13], [sflag:$0x5] =	stream.linear.gather [hbm4b:s9+s4], $0x1400, $0x38;
	[tilespmem:$0x1E800] =	vst v63  }
0x29: {  	_ =	swait.ge [sflag:s12], $0x1400  }
0x2a: {  	[sflag:s12] =	ssyncset.done $0x0  }
0x2b: {  	[sflag:s12] =	ssyncadd.s32 $0xFFFFEC00  }
.LBB2_7:
0x2c: {  	s29 =	sadd.s32 $0x2, s28  }
0x2d: {  	s28 =	sadd.s32 $0x3, s28;
	s30 =	sand.u32 $0xFF, s29  }
0x2e: {  	s31 =	sand.u32 $0xFF, s28;
	s30 =	smul.u32 $0xCD, s30  }
0x2f: {  	s31 =	smul.u32 $0xCD, s31  }
0x30: {  	s30 =	sshrl.u32 s30, $0xD  }
0x31: {  	s31 =	sshrl.u32 s31, $0xD;
	s30 =	smul.u32 $0x28, s30  }
0x32: {  	s31 =	smul.u32 $0x28, s31  }
0x33: {  	s30 =	ssub.s32 s29, s30  }
0x34: {  	s28 =	ssub.s32 s28, s31;
	s30 =	sand.u32 $0xFF, s30  }
0x35: {  	s28 =	sand.u32 $0xFF, s28;
	s30 =	sshll.u32 s30, $0x7  }
0x36: {  	[tilespmem:s17], [sflag:$0x1] =	stream.indirect.gather [hbm4b:s1+s16], $0x80, s30, s16, $0xb8;
	[tilespmem:$0x1E800] =	vst v63  }
0x37: {  	s28 =	sshll.u32 s28, $0x7  }
0x38: {  	[tilespmem:s19], [sflag:$0x2] =	stream.indirect.gather [hbm4b:s1+s16], $0x80, s28, s16, $0xb8;
	[tilespmem:$0x1E800] =	vst v63  }
0x39: {  	s26 =	sadd.s32 $0x1, s26;
	s25 =	sadd.s32 $0x400, s25;
	s28 =	smov.u32 s29  }
.LBB2_2:
0x3a: {  	p0 =	slt.u32 s26, $0x14;
	s29 =	sadd.s32 $0x5000, s25;
	s30 =	smov.u32 s25  }
0x3b: {  	_ =	swait.ge [sflag:s20], $0x3E80;
	s30 =	smov.u32 @p0 s29  }
0x3c: {  	[sflag:s20] =	ssyncset.done $0x0;
	s29 =	sshra.s32 s30, $0x2  }
0x3d: {  	[sflag:s20] =	ssyncadd.s32 $0xFFFFC180;
	s29 =	sadd.s32 $0x1400, s29  }
0x3e: {  	[spmem:s2] =	stream.indirect.scatter.add.f32 [tilespmem:s17], [sflag:$0x3], $0x80, s29, s16, $0xb8;
	[tilespmem:$0x1E800] =	vst v63  }
0x3f: {  	s30 =	sadd.s32 $0xFFFFFFD9, s28;
	s29 =	sadd.s32 $0x1, s28  }
0x40: {  	s30 =	smov.u32 @p0 s29  }
0x41: {  	_ =	swait.ge [sflag:s21], $0x3E80;
	s29 =	sshll.u32 s30, $0x7  }
0x42: {  	[sflag:s21] =	ssyncset.done $0x0;
	s29 =	sand.u32 $0x3FFFFF80, s29  }
0x43: {  	[sflag:s21] =	ssyncadd.s32 $0xFFFFC180;
	s29 =	sadd.s32 $0x1400, s29  }
0x44: {  	[spmem:s2] =	stream.indirect.scatter.add.f32 [tilespmem:s19], [sflag:$0x4], $0x80, s29, s16, $0xb8;
	[tilespmem:$0x1E800] =	vst v63  }
0x45: {  	p0 =	seq.s32 s26, $0x13;
	_ =	swait.ge [sflag:s22], $0x3E80  }
.Ltmp1:
0x46: {  	[sflag:s22] =	ssyncset.done $0x0;
	(pc) =	sbr.rel @p0 .LBB2_6-.Ltmp1, $4  }
0x47: {  	[sflag:s22] =	ssyncadd.s32 $0xFFFFC180  }
0x48: {  	_ =	swait.ge [sflag:s23], $0x3E80  }
0x49: {  	[sflag:s23] =	ssyncset.done $0x0  }
0x4a: {  	[sflag:s23] =	ssyncadd.s32 $0xFFFFC180  }
0x4b: {  	p0 =	seq.s32 s26, $0x27  }
.Ltmp2:
0x4c: {  	_ = 	snop;
	(pc) =	sbr.rel @!p0 .LBB2_7-.Ltmp2, $1  }
0x4d: {  	_ =	sdelay $0x3  }
0x4e: {  	s24 =	sadd.s32 $0x1, s24  }
0x4f: {  	p0 =	sne.s32 s24, s11  }
.Ltmp3:
0x50: {  	[bflag:$0x0] =	sbarrier.arrive $0xFFFF;
	(pc) =	sbr.rel @p0 .LBB2_1-.Ltmp3, $4  }
0x51: {  	[hbm:s10], [sflag:s14] =	dma.local [spmem:s15], $0x2800  }
0x52: {  	_ =	swait.ge [sflag:s12], $0x2800  }
0x53: {  	[sflag:s12] =	ssyncset.done $0x0  }
0x54: {  	[sflag:s12] =	ssyncadd.s32 $0xFFFFD800  }
0x55: {  	_ =	sfence.sel $0x180000  }
0x56: {  	[bflag:$0x0] =	sbarrier.arrive $0xFFFF  }
0x57: {  	p0 =	sne.s32 s3, $0x0;
	_ =	strace $0x90000047  }
0x58: {  	s0 =	sadd.s32 @!p0 $0x100000, s0;
	[bflag:$0x2] =	sbarrier.arrive $0xFFFF  }
0x59: {  	[sflag:s0] =	ssyncadd.tile.s32 @!p0 $0x1;
	_ =	shalt  }
.Lfunc_end2:
_tile_overlayer_lowered:
.L_overlay_start_2:
0x5a: {  	(tag) =	ssettag $0x2  }
0x5b: {  	s0 =	rddreg [dreg:$0x0];
	s2 =	stileid.u32  }
0x5c: {  	s1 =	rddreg [dreg:$0x1];
	p0 =	sne.s32 s2, $0x0  }
0x5d: {  	s3 =	rddreg [dreg:$0x2];
	[bflag:$0x3] =	sbarrier.arrive $0xFFFF;
	s2 =	simm.s32 @!p0 $0x1C05  }
0x5e: {  	[timem:s3], [sflag:s2] =	dma.local @!p0 [hbm:s0], s1  }
0x5f: {  	s0 =	simm.s32 @!p0 $0x5  }
0x60: {  	_ =	swait.ge @!p0 [sflag:s0], s1  }
0x61: {  	s1 =	ssub.s32 @!p0 $0x0, s1;
	[sflag:s0] =	ssyncset.done @!p0 $0x0  }
0x62: {  	[sflag:s0] =	ssyncadd.s32 @!p0 s1  }
0x63: {  	[bflag:$0x3] =	sbarrier.arrive $0xFFFF  }
0x64: {  	_ =	shalt  }

// kernel: kernel.16.cloned.1.call-start
scs
__scs_entry_jumppad:
0x0: {  	(pc) =	sbr.rel $0x88, $3  }
0x1: {  	(tag) =	ssettag $0x0;
	lr =	simm.s32 $0x1  }
0x2: {  	[smem:$0x3F99] =	sst lr;
	_ =	strace $0xD0000000  }
0x3: {  	_ = 	snop  }
0x4: {  	_ = 	snop  }
0x5: {  	_ = 	snop  }
0x6: {  	_ = 	snop  }
0x7: {  	_ = 	snop  }
__scs_overlays_trampoline_lowered:
0x8: {  	[smem:$0x3FA8] =	sst s0  }
0x9: {  	[smem:$0x3FA9] =	sst s1  }
0xa: {  	[smem:$0x3FAA] =	sst s2  }
0xb: {  	[smem:$0x3FAB] =	sst s3  }
0xc: {  	[smem:$0x3FAC] =	sst s4  }
0xd: {  	[smem:$0x3FAD] =	sst s5  }
0xe: {  	[smem:$0x3FAE] =	sst s6  }
0xf: {  	[smem:$0x3FAF] =	sst s7  }
0x10: {  	[smem:$0x3FB0] =	sst s8  }
0x11: {  	[smem:$0x3FB1] =	sst s9;
	s0 =	simm.s32 @!p0 $0x0  }
0x12: {  	s1 =	sld [smem:$0x3F97];
	s0 =	simm.s32 @p0 $0x1  }
0x13: {  	[smem:$0x3FB2] =	sst s0;
	s0 =	simm.s32 @!p1 $0x0  }
0x14: {  	s2 =	sld [smem:$0x3F96];
	s0 =	simm.s32 @p1 $0x1  }
0x15: {  	[smem:$0x3FB3] =	sst s0;
	s0 =	simm.s32 @!p2 $0x0  }
0x16: {  	s3 =	sld [smem:$0x3FDB];
	s0 =	simm.s32 @p2 $0x1  }
0x17: {  	s4 =	simm.s32 $0x1BF5;
	[smem:$0x3FB5] =	sst s0  }
0x18: {  	s0 =	sld [smem:$0x3F98];
	_ =	swait.ge [sflag:s4], $0x0  }
0x19: {  	s7 =	sld [smem:$0x3F99]  }
0x1a: {  	s8 =	sadd.s32 $0xFFFFE003, lr  }
0x1b: {  	s9 =	sadd.s32 $0xFFFFFEF7, lr;
	s5 =	simm.s32 $0xFFFFFFFF;
	p2 =	slt.u32 s8, $0xFFFFF086  }
0x1c: {  	p1 =	slt.u32 s9, $0xF7A;
	s5 =	simm.s32 @!p2 $0x0  }
0x1d: {  	s5 =	simm.s32 @p1 $0x1;
	p0 =	seq.s32 s7, s2  }
0x1e: {  	s7 =	smul.u32 @!p0 $0xF7A, s2;
	p2 =	seq.s32 @!p0 s5, $0x0  }
0x1f: {  	s9 =	smul.u32 $0xF7A, s1;
	s8 =	simm.s32 @!p0 $0x1BF5;
	p2 =	por !p2, p0  }
0x20: {  	[sflag:s8] =	ssyncset.s32 @!p0 $0xFFFFF086;
	s6 =	sadd.s32 @!p0 s3, s7;
	s7 =	simm.s32 @!p0 $0x108  }
0x21: {  	s3 =	sadd.s32 s3, s9;
	s6 =	sadd.s32 @!p0 $0x88, s6;
	s7 =	simm.s32 @p2 $0x1082  }
0x22: {  	[simem:s7], [sflag:s8] =	dma.local @!p0 [hbm:s6], $0xF7A  }
0x23: {  	s9 =	sor.u32 $0xD0000000, s2;
	s6 =	simm.s32 $0x108;
	_ =	swait.ge @!p0 [sflag:s8], $0x0  }
0x24: {  	s3 =	sadd.s32 $0x88, s3;
	s6 =	simm.s32 @!p1 $0x1082;
	[sflag:s4] =	ssyncset.s32 $0xFFFFF086  }
0x25: {  	[simem:s6], [sflag:s4] =	dma.local [hbm:s3], $0xF7A  }
0x26: {  	[smem:$0x3F99] =	sst s1;
	(tag) =	ssettag s2;
	_ =	strace s9  }
0x27: {  	s1 =	sld [smem:$0x3FA9]  }
0x28: {  	s2 =	sld [smem:$0x3FAA]  }
0x29: {  	s4 =	sld [smem:$0x3FAC]  }
0x2a: {  	p0 =	seq.s32 s5, $0x0;
	s5 =	sld [smem:$0x3FAD]  }
0x2b: {  	s6 =	sld [smem:$0x3FAE]  }
0x2c: {  	s7 =	sld [smem:$0x3FAF]  }
0x2d: {  	s3 =	simm.s32 $0x108;
	s8 =	sld [smem:$0x3FB0]  }
0x2e: {  	s3 =	simm.s32 @!p0 $0x1082;
	s9 =	sld [smem:$0x3FB1]  }
0x2f: {  	lr =	sadd.s32 s0, s3;
	s0 =	sld [smem:$0x3FA8]  }
0x30: {  	s3 =	sld [smem:$0x3FAB]  }
0x31: {  	[smem:$0x3FB4] =	sst s10  }
0x32: {  	s10 =	sld [smem:$0x3FB2];
	_ =	sdelay $0x3  }
0x33: {  	p0 =	seq.s32 s10, $0x1;
	s10 =	sld [smem:$0x3FB4];
	_ =	sdelay $0x3  }
0x34: {  	[smem:$0x3FB4] =	sst s10  }
0x35: {  	s10 =	sld [smem:$0x3FB3];
	_ =	sdelay $0x3  }
0x36: {  	p1 =	seq.s32 s10, $0x1;
	s10 =	sld [smem:$0x3FB4];
	_ =	sdelay $0x3  }
0x37: {  	[smem:$0x3FB4] =	sst s10  }
0x38: {  	s10 =	sld [smem:$0x3FB5]  }
0x39: {  	_ = 	snop;
	(pc) =	sbr.ind lr, $3  }
0x3a: {  	_ = 	snop  }
0x3b: {  	_ = 	snop  }
0x3c: {  	p2 =	seq.s32 s10, $0x1;
	s10 =	sld [smem:$0x3FB4]  }
0x3d: {  	_ =	shalt  }
0x3e: {  	_ =	shalt  }
0x3f: {  	_ =	shalt  }
0x40: {  	_ =	shalt  }
0x41: {  	_ =	shalt  }
0x42: {  	_ =	shalt  }
0x43: {  	_ =	shalt  }
0x44: {  	_ =	shalt  }
0x45: {  	_ =	shalt  }
0x46: {  	_ =	shalt  }
0x47: {  	_ =	shalt  }
0x48: {  	_ =	shalt  }
0x49: {  	_ =	shalt  }
0x4a: {  	_ =	shalt  }
0x4b: {  	_ =	shalt  }
0x4c: {  	_ =	shalt  }
0x4d: {  	_ =	shalt  }
0x4e: {  	_ =	shalt  }
0x4f: {  	_ =	shalt  }
0x50: {  	_ =	shalt  }
0x51: {  	_ =	shalt  }
0x52: {  	_ =	shalt  }
0x53: {  	_ =	shalt  }
0x54: {  	_ =	shalt  }
0x55: {  	_ =	shalt  }
0x56: {  	_ =	shalt  }
0x57: {  	_ =	shalt  }
0x58: {  	_ =	shalt  }
0x59: {  	_ =	shalt  }
0x5a: {  	_ =	shalt  }
0x5b: {  	_ =	shalt  }
0x5c: {  	_ =	shalt  }
0x5d: {  	_ =	shalt  }
0x5e: {  	_ =	shalt  }
0x5f: {  	_ =	shalt  }
0x60: {  	_ =	shalt  }
0x61: {  	_ =	shalt  }
0x62: {  	_ =	shalt  }
0x63: {  	_ =	shalt  }
0x64: {  	_ =	shalt  }
0x65: {  	_ =	shalt  }
0x66: {  	_ =	shalt  }
0x67: {  	_ =	shalt  }
0x68: {  	_ =	shalt  }
0x69: {  	_ =	shalt  }
0x6a: {  	_ =	shalt  }
0x6b: {  	_ =	shalt  }
0x6c: {  	_ =	shalt  }
0x6d: {  	_ =	shalt  }
0x6e: {  	_ =	shalt  }
0x6f: {  	_ =	shalt  }
0x70: {  	_ =	shalt  }
0x71: {  	_ =	shalt  }
0x72: {  	_ =	shalt  }
0x73: {  	_ =	shalt  }
0x74: {  	_ =	shalt  }
0x75: {  	_ =	shalt  }
0x76: {  	_ =	shalt  }
0x77: {  	_ =	shalt  }
0x78: {  	_ =	shalt  }
0x79: {  	_ =	shalt  }
0x7a: {  	_ =	shalt  }
0x7b: {  	_ =	shalt  }
0x7c: {  	_ =	shalt  }
0x7d: {  	_ =	shalt  }
0x7e: {  	_ =	shalt  }
0x7f: {  	_ =	shalt  }
0x80: {  	_ =	shalt  }
0x81: {  	_ =	shalt  }
0x82: {  	_ =	shalt  }
0x83: {  	_ =	shalt  }
0x84: {  	_ =	shalt  }
0x85: {  	_ =	shalt  }
0x86: {  	_ =	shalt  }
0x87: {  	_ =	shalt  }
.Lfunc_end0:
.L_simem_size_0:
called_computation.2_lowered:
.L_overlay_start_0:
0x88: {  	s2 =	sld [smem:$0x3FD9]  }
0x89: {  	s3 =	sld [smem:$0x3FFE];
	_ =	sdelay $0x1  }
0x8a: {  	s1 =	srdreg.scid  }
0x8b: {  	s0 =	sand.u32 $0x1, s1  }
0x8c: {  	s17 =	sshll.u32 s0, $0xA;
	s2 =	sadd.s32 s3, s2  }
0x8d: {  	s2 =	sadd.s32 s2, s17  }
0x8e: {  	[smem:$0x3FC0] =	sst s2  }
0x8f: {  	_ = 	snop  }
0x90: {  	s2 =	sld [smem:$0x3FD0];
	(tm) =	ssettm $0x1  }
0x91: {  	s18 =	sld [smem:$0x3FFB];
	_ =	sdelay $0x3  }
0x92: {  	_ =	strace s18  }
0x93: {  	s3 =	sld [smem:$0x3FFC];
	_ =	sdelay $0x3  }
0x94: {  	_ =	strace s3  }
0x95: {  	s3 =	sld [smem:$0x3FFD];
	_ =	sdelay $0x3  }
0x96: {  	_ =	strace s3  }
0x97: {  	_ =	strace $0x8FFFFFFF  }
0x98: {  	s19 =	sld [smem:$0x3FDB];
	_ =	sdelay $0x1  }
0x99: {  	s4 =	simm.s32 $_scs_section_size  }
0x9a: {  	s5 =	simm.s32 $_size__tile_overlayer_lowered;
	s6 =	simm.s32 $_tile_overlayer_lowered  }
0x9b: {  	s22 =	simm.s32 $0x1BFF;
	s21 =	sshll.u32 s6, $0x1;
	s3 =	sadd.s32 s4, s19  }
0x9c: {  	s7 =	simm.s32 $0x0;
	s20 =	sshll.u32 s5, $0x1;
	s5 =	sadd.s32 s21, s3  }
0x9d: {  	[timem:s7], [sflag:s22] =	dma.local [hbm:s5], s20  }
0x9e: {  	_ =	swait.ge [sflag:s22], s20  }
0x9f: {  	s4 =	ssub.s32 $0x0, s20;
	[sflag:s22] =	ssyncset.done $0x0  }
0xa0: {  	[sflag:s22] =	ssyncadd.s32 s4;
	_ =	sdelay $0x1  }
0xa1: {  	s23 =	simm.s32 $0x1B8B  }
0xa2: {  	_ =	swait.ge [sflag:s23], $0x1  }
0xa3: {  	[sflag:s23] =	ssyncset.done $0x0  }
0xa4: {  	s25 =	simm.s32 $0x1B8E;
	s24 =	sld [smem:$0x3FFE];
	[sflag:s23] =	ssyncadd.s32 $0xFFFFFFFF  }
0xa5: {  	s26 =	simm.s32 $execute0_lowered;
	[smem:$0x3FD2] =	sst s25  }
0xa6: {  	s5 =	sshll.u32 s26, $0x1;
	_ =	strace $0x8000004C;
	[dreg:$0x1] =	wrdreg $0xFFFFFFFF  }
0xa7: {  	s28 =	simm.s32 $_size_execute0_lowered;
	s3 =	sadd.s32 s3, s5;
	[dreg:$0x0] =	wrdreg $0x0  }
0xa8: {  	s5 =	sshll.u32 s28, $0x1;
	[dreg:$0x2] =	wrdreg s3  }
0xa9: {  	[dreg:$0x3] =	wrdreg s5  }
0xaa: {  	[dreg:$0x4] =	wrdreg $0xC0  }
0xab: {  	_ =	task [dreg:s7], $0x5FFFF  }
0xac: {  	[dreg:$0x1] =	wrdreg $0xFFFFFFFF  }
0xad: {  	[dreg:$0x0] =	wrdreg $0x60  }
0xae: {  	[dreg:$0x2] =	wrdreg s2  }
0xaf: {  	[dreg:$0x3] =	wrdreg s24  }
0xb0: {  	[dreg:$0x4] =	wrdreg $0xA8000  }
0xb1: {  	[dreg:$0x5] =	wrdreg $0x9  }
0xb2: {  	_ =	task.clear_ibuf [dreg:s7], $0x6FFFF;
	_ =	strace $0x9000004C  }
0xb3: {  	s29 =	simm.s32 $0x9;
	_ =	strace $0x8000004E  }
0xb4: {  	_ =	swait.ge [sflag:s29], $0x1  }
0xb5: {  	[sflag:s29] =	ssyncadd.s32 $0xFFFFFFFF  }
0xb6: {  	_ =	strace $0x9000004E  }
0xb7: {  	_ =	sfence  }
0xb8: {  	s30 =	sld [smem:$0x0];
	_ =	sdelay $0x2  }
0xb9: {  	s31 =	sshll.u32 s1, $0xD;
	s1 =	sshrl.u32 s1, $0x2  }
0xba: {  	s3 =	sand.u32 $0x4000, s31;
	s1 =	sadd.s32 s1, s30  }
0xbb: {  	s0 =	sor.u32 s3, s0;
	s1 =	sshll.u32 s1, $0x11  }
0xbc: {  	s0 =	sor.u32 s1, s0  }
0xbd: {  	s0 =	sadd.s32 $0x8F2B, s0  }
0xbe: {  	[sflag:s0] =	ssyncadd.remote.s32 $0x1  }
0xbf: {  	_ =	sfence.sel $0xFFFF  }
0xc0: {  	[dreg:$0x0] =	wrdreg $0xFFFFFFFF;
	(pc) =	sbr.abs _section_cstart, $3  }
0xc1: {  	[dreg:$0x1] =	wrdreg $0xFFFFFFFF  }
0xc2: {  	_ =	task.clear_ibuf [dreg:s7], $0x2FFFF;
	_ =	strace $0x9FFFFFFF  }
0xc3: {  	(tm) =	ssettm $0x7FFFFFFF  }
tec
execute0_lowered:
.L_overlay_start_1:
0x0: {  	(tag) =	ssettag $0x1  }
0x1: {  	s1 =	rddreg [dreg:$0x0]  }
0x2: {  	s6 =	rddreg [dreg:$0x1]  }
0x3: {  	s2 =	rddreg [dreg:$0x2]  }
0x4: {  	s0 =	rddreg [dreg:$0x3];
	s4 =	simm.s32 $0x0  }
0x5: {  	s3 =	srdreg.scid;
	s17 =	simm.s32 $0x2800;
	s18 =	simm.s32 $0x80  }
0x6: {  	s19 =	simm.s32 $0x6800;
	s20 =	simm.s32 $0x1;
	s21 =	simm.s32 $0x2  }
0x7: {  	s22 =	simm.s32 $0x3;
	s23 =	simm.s32 $0x4;
	s24 =	simm.s32 $0x0  }
0x8: {  	[smem:$0x7FF] =	sst s4;
	s5 =	sand.u32 $0x1, s3;
	s3 =	stileid.u32  }
0x9: {  	s10 =	sadd.s32 $0xCA00, s6;
	s11 =	sadd.s32 $0x2A00, s6;
	s7 =	smul.u32 $0x140000, s5  }
0xa: {  	s8 =	sshll.u32 s5, $0x4;
	_ =	strace $0x8000004D;
	s9 =	smul.u32 $0x14000, s3  }
0xb: {  	s28 =	ssub.s32 $0x2, s5;
	s13 =	smul.u32 $0x50000, s3;
	s8 =	sor.u32 s3, s8  }
0xc: {  	s5 =	sadd.s32 $0x16A00, s6;
	s31 =	sshll.u32 s3, $0x6;
	s12 =	smul.u32 $0x500, s8  }
0xd: {  	s14 =	sshrl.u32 s28, $0x1;
	s7 =	sadd.s32 s9, s7;
	s8 =	smul.u32 $0x2800, s8  }
0xe: {  	s14 =	ssub.s32 s28, s14;
	s29 =	sshrl.u32 s13, $0x2;
	s13 =	simm.s32 $0x1400  }
0xf: {  	s7 =	sshrl.u32 s7, $0x3;
	s16 =	sadd.s32 s29, s2;
	s8 =	sshrl.u32 s8, $0x3  }
0x10: {  	s15 =	sadd.s32 s7, s6;
	s6 =	sadd.s32 s10, s12;
	s30 =	sadd.s32 $0x280, s8  }
0x11: {  	s7 =	sadd.s32 s11, s12;
	s12 =	simm.s32 $0x5;
	s8 =	sadd.s32 s10, s30  }
0x12: {  	s9 =	sadd.s32 s11, s30;
	s10 =	sadd.s32 $0x19200, s15;
	s11 =	smax.u32 s14, $0x1  }
0x13: {  	s14 =	sor.u32 $0x1C05, s31;
	s15 =	sshrl.u32 s16, $0x3;
	s16 =	simm.s32 $0x7D  }
.LBB2_1:
0x14: {  	[tilespmem:s4], [sflag:$0x5] =	stream.linear.gather [hbm4b:s6+s4], $0x1400, $0x38;
	[tilespmem:$0x1E800] =	vst v63  }
0x15: {  	_ =	swait.ge [sflag:s12], $0x1400  }
0x16: {  	[sflag:s12] =	ssyncset.done $0x0  }
0x17: {  	[sflag:s12] =	ssyncadd.s32 $0xFFFFEC00  }
0x18: {  	[tilespmem:s13], [sflag:$0x5] =	stream.linear.gather [hbm4b:s7+s4], $0x1400, $0x38;
	[tilespmem:$0x1E800] =	vst v63  }
0x19: {  	_ =	swait.ge [sflag:s12], $0x1400  }
0x1a: {  	[sflag:s12] =	ssyncset.done $0x0  }
0x1b: {  	[sflag:s12] =	ssyncadd.s32 $0xFFFFEC00  }
0x1c: {  	[spmem:s15], [sflag:s14] =	dma.local [hbm:s5], $0x2800  }
0x1d: {  	_ =	swait.ge [sflag:s12], $0x2800  }
0x1e: {  	[sflag:s12] =	ssyncset.done $0x0  }
.Ltmp0:
0x1f: {  	[sflag:s12] =	ssyncadd.s32 $0xFFFFD800;
	(pc) =	sbr.rel .LBB2_2-.Ltmp0, $4  }
0x20: {  	[bflag:$0x0] =	sbarrier.arrive $0xFFFF  }
0x21: {  	[tilespmem:s17], [sflag:$0x1] =	stream.indirect.gather [hbm4b:s1+s16], $0x80, s4, s16, $0xb8;
	[tilespmem:$0x1E800] =	vst v63  }
0x22: {  	s25 =	simm.s32 $0xFFFFB000;
	s28 =	simm.s32 $0x0;
	s26 =	simm.s32 $0x0  }
0x23: {  	[tilespmem:s19], [sflag:$0x2] =	stream.indirect.gather [hbm4b:s1+s16], $0x80, s18, s16, $0xb8;
	[tilespmem:$0x1E800] =	vst v63  }
.LBB2_6:
0x24: {  	[tilespmem:s4], [sflag:$0x5] =	stream.linear.gather [hbm4b:s8+s4], $0x1400, $0x38;
	[tilespmem:$0x1E800] =	vst v63  }
0x25: {  	_ =	swait.ge [sflag:s12], $0x1400  }
0x26: {  	[sflag:s12] =	ssyncset.done $0x0  }
0x27: {  	[sflag:s12] =	ssyncadd.s32 $0xFFFFEC00  }
0x28: {  	[tilespmem:s13], [sflag:$0x5] =	stream.linear.gather [hbm4b:s9+s4], $0x1400, $0x38;
	[tilespmem:$0x1E800] =	vst v63  }
0x29: {  	_ =	swait.ge [sflag:s12], $0x1400  }
0x2a: {  	[sflag:s12] =	ssyncset.done $0x0  }
0x2b: {  	[sflag:s12] =	ssyncadd.s32 $0xFFFFEC00  }
.LBB2_7:
0x2c: {  	s29 =	sadd.s32 $0x2, s28  }
0x2d: {  	s28 =	sadd.s32 $0x3, s28;
	s30 =	sand.u32 $0xFF, s29  }
0x2e: {  	s31 =	sand.u32 $0xFF, s28;
	s30 =	smul.u32 $0xCD, s30  }
0x2f: {  	s31 =	smul.u32 $0xCD, s31  }
0x30: {  	s30 =	sshrl.u32 s30, $0xD  }
0x31: {  	s31 =	sshrl.u32 s31, $0xD;
	s30 =	smul.u32 $0x28, s30  }
0x32: {  	s31 =	smul.u32 $0x28, s31  }
0x33: {  	s30 =	ssub.s32 s29, s30  }
0x34: {  	s28 =	ssub.s32 s28, s31;
	s30 =	sand.u32 $0xFF, s30  }
0x35: {  	s28 =	sand.u32 $0xFF, s28;
	s30 =	sshll.u32 s30, $0x7  }
0x36: {  	[tilespmem:s17], [sflag:$0x1] =	stream.indirect.gather [hbm4b:s1+s16], $0x80, s30, s16, $0xb8;
	[tilespmem:$0x1E800] =	vst v63  }
0x37: {  	s28 =	sshll.u32 s28, $0x7  }
0x38: {  	[tilespmem:s19], [sflag:$0x2] =	stream.indirect.gather [hbm4b:s1+s16], $0x80, s28, s16, $0xb8;
	[tilespmem:$0x1E800] =	vst v63  }
0x39: {  	s26 =	sadd.s32 $0x1, s26;
	s25 =	sadd.s32 $0x400, s25;
	s28 =	smov.u32 s29  }
.LBB2_2:
0x3a: {  	p0 =	slt.u32 s26, $0x14;
	s29 =	sadd.s32 $0x5000, s25;
	s30 =	smov.u32 s25  }
0x3b: {  	_ =	swait.ge [sflag:s20], $0x3E80;
	s30 =	smov.u32 @p0 s29  }
0x3c: {  	[sflag:s20] =	ssyncset.done $0x0;
	s29 =	sshra.s32 s30, $0x2  }
0x3d: {  	[sflag:s20] =	ssyncadd.s32 $0xFFFFC180;
	s29 =	sadd.s32 $0x1400, s29  }
0x3e: {  	[spmem:s2] =	stream.indirect.scatter.add.f32 [tilespmem:s17], [sflag:$0x3], $0x80, s29, s16, $0xb8;
	[tilespmem:$0x1E800] =	vst v63  }
0x3f: {  	s30 =	sadd.s32 $0xFFFFFFD9, s28;
	s29 =	sadd.s32 $0x1, s28  }
0x40: {  	s30 =	smov.u32 @p0 s29  }
0x41: {  	_ =	swait.ge [sflag:s21], $0x3E80;
	s29 =	sshll.u32 s30, $0x7  }
0x42: {  	[sflag:s21] =	ssyncset.done $0x0;
	s29 =	sand.u32 $0x3FFFFF80, s29  }
0x43: {  	[sflag:s21] =	ssyncadd.s32 $0xFFFFC180;
	s29 =	sadd.s32 $0x1400, s29  }
0x44: {  	[spmem:s2] =	stream.indirect.scatter.add.f32 [tilespmem:s19], [sflag:$0x4], $0x80, s29, s16, $0xb8;
	[tilespmem:$0x1E800] =	vst v63  }
0x45: {  	p0 =	seq.s32 s26, $0x13;
	_ =	swait.ge [sflag:s22], $0x3E80  }
.Ltmp1:
0x46: {  	[sflag:s22] =	ssyncset.done $0x0;
	(pc) =	sbr.rel @p0 .LBB2_6-.Ltmp1, $4  }
0x47: {  	[sflag:s22] =	ssyncadd.s32 $0xFFFFC180  }
0x48: {  	_ =	swait.ge [sflag:s23], $0x3E80  }
0x49: {  	[sflag:s23] =	ssyncset.done $0x0  }
0x4a: {  	[sflag:s23] =	ssyncadd.s32 $0xFFFFC180  }
0x4b: {  	p0 =	seq.s32 s26, $0x27  }
.Ltmp2:
0x4c: {  	_ = 	snop;
	(pc) =	sbr.rel @!p0 .LBB2_7-.Ltmp2, $1  }
0x4d: {  	_ =	sdelay $0x3  }
0x4e: {  	s24 =	sadd.s32 $0x1, s24  }
0x4f: {  	p0 =	sne.s32 s24, s11  }
.Ltmp3:
0x50: {  	[bflag:$0x0] =	sbarrier.arrive $0xFFFF;
	(pc) =	sbr.rel @p0 .LBB2_1-.Ltmp3, $4  }
0x51: {  	[hbm:s10], [sflag:s14] =	dma.local [spmem:s15], $0x2800  }
0x52: {  	_ =	swait.ge [sflag:s12], $0x2800  }
0x53: {  	[sflag:s12] =	ssyncset.done $0x0  }
0x54: {  	[sflag:s12] =	ssyncadd.s32 $0xFFFFD800  }
0x55: {  	_ =	sfence.sel $0x180000  }
0x56: {  	[bflag:$0x0] =	sbarrier.arrive $0xFFFF  }
0x57: {  	p0 =	sne.s32 s3, $0x0;
	_ =	strace $0x9000004D  }
0x58: {  	s0 =	sadd.s32 @!p0 $0x100000, s0;
	[bflag:$0x2] =	sbarrier.arrive $0xFFFF  }
0x59: {  	[sflag:s0] =	ssyncadd.tile.s32 @!p0 $0x1;
	_ =	shalt  }
.Lfunc_end2:
_tile_overlayer_lowered:
.L_overlay_start_2:
0x5a: {  	(tag) =	ssettag $0x2  }
0x5b: {  	s0 =	rddreg [dreg:$0x0];
	s2 =	stileid.u32  }
0x5c: {  	s1 =	rddreg [dreg:$0x1];
	p0 =	sne.s32 s2, $0x0  }
0x5d: {  	s3 =	rddreg [dreg:$0x2];
	[bflag:$0x3] =	sbarrier.arrive $0xFFFF;
	s2 =	simm.s32 @!p0 $0x1C05  }
0x5e: {  	[timem:s3], [sflag:s2] =	dma.local @!p0 [hbm:s0], s1  }
0x5f: {  	s0 =	simm.s32 @!p0 $0x5  }
0x60: {  	_ =	swait.ge @!p0 [sflag:s0], s1  }
0x61: {  	s1 =	ssub.s32 @!p0 $0x0, s1;
	[sflag:s0] =	ssyncset.done @!p0 $0x0  }
0x62: {  	[sflag:s0] =	ssyncadd.s32 @!p0 s1  }
0x63: {  	[bflag:$0x3] =	sbarrier.arrive $0xFFFF  }
0x64: {  	_ =	shalt  }

// kernel: kernel.19.cloned.1.call-start
scs
__scs_entry_jumppad:
0x0: {  	(pc) =	sbr.rel $0x88, $3  }
0x1: {  	(tag) =	ssettag $0x0;
	lr =	simm.s32 $0x1  }
0x2: {  	[smem:$0x3F99] =	sst lr;
	_ =	strace $0xD0000000  }
0x3: {  	_ = 	snop  }
0x4: {  	_ = 	snop  }
0x5: {  	_ = 	snop  }
0x6: {  	_ = 	snop  }
0x7: {  	_ = 	snop  }
__scs_overlays_trampoline_lowered:
0x8: {  	[smem:$0x3FA8] =	sst s0  }
0x9: {  	[smem:$0x3FA9] =	sst s1  }
0xa: {  	[smem:$0x3FAA] =	sst s2  }
0xb: {  	[smem:$0x3FAB] =	sst s3  }
0xc: {  	[smem:$0x3FAC] =	sst s4  }
0xd: {  	[smem:$0x3FAD] =	sst s5  }
0xe: {  	[smem:$0x3FAE] =	sst s6  }
0xf: {  	[smem:$0x3FAF] =	sst s7  }
0x10: {  	[smem:$0x3FB0] =	sst s8  }
0x11: {  	[smem:$0x3FB1] =	sst s9;
	s0 =	simm.s32 @!p0 $0x0  }
0x12: {  	s1 =	sld [smem:$0x3F97];
	s0 =	simm.s32 @p0 $0x1  }
0x13: {  	[smem:$0x3FB2] =	sst s0;
	s0 =	simm.s32 @!p1 $0x0  }
0x14: {  	s2 =	sld [smem:$0x3F96];
	s0 =	simm.s32 @p1 $0x1  }
0x15: {  	[smem:$0x3FB3] =	sst s0;
	s0 =	simm.s32 @!p2 $0x0  }
0x16: {  	s3 =	sld [smem:$0x3FDB];
	s0 =	simm.s32 @p2 $0x1  }
0x17: {  	s4 =	simm.s32 $0x1BF5;
	[smem:$0x3FB5] =	sst s0  }
0x18: {  	s0 =	sld [smem:$0x3F98];
	_ =	swait.ge [sflag:s4], $0x0  }
0x19: {  	s7 =	sld [smem:$0x3F99]  }
0x1a: {  	s8 =	sadd.s32 $0xFFFFE003, lr  }
0x1b: {  	s9 =	sadd.s32 $0xFFFFFEF7, lr;
	s5 =	simm.s32 $0xFFFFFFFF;
	p2 =	slt.u32 s8, $0xFFFFF086  }
0x1c: {  	p1 =	slt.u32 s9, $0xF7A;
	s5 =	simm.s32 @!p2 $0x0  }
0x1d: {  	s5 =	simm.s32 @p1 $0x1;
	p0 =	seq.s32 s7, s2  }
0x1e: {  	s7 =	smul.u32 @!p0 $0xF7A, s2;
	p2 =	seq.s32 @!p0 s5, $0x0  }
0x1f: {  	s9 =	smul.u32 $0xF7A, s1;
	s8 =	simm.s32 @!p0 $0x1BF5;
	p2 =	por !p2, p0  }
0x20: {  	[sflag:s8] =	ssyncset.s32 @!p0 $0xFFFFF086;
	s6 =	sadd.s32 @!p0 s3, s7;
	s7 =	simm.s32 @!p0 $0x108  }
0x21: {  	s3 =	sadd.s32 s3, s9;
	s6 =	sadd.s32 @!p0 $0x88, s6;
	s7 =	simm.s32 @p2 $0x1082  }
0x22: {  	[simem:s7], [sflag:s8] =	dma.local @!p0 [hbm:s6], $0xF7A  }
0x23: {  	s9 =	sor.u32 $0xD0000000, s2;
	s6 =	simm.s32 $0x108;
	_ =	swait.ge @!p0 [sflag:s8], $0x0  }
0x24: {  	s3 =	sadd.s32 $0x88, s3;
	s6 =	simm.s32 @!p1 $0x1082;
	[sflag:s4] =	ssyncset.s32 $0xFFFFF086  }
0x25: {  	[simem:s6], [sflag:s4] =	dma.local [hbm:s3], $0xF7A  }
0x26: {  	[smem:$0x3F99] =	sst s1;
	(tag) =	ssettag s2;
	_ =	strace s9  }
0x27: {  	s1 =	sld [smem:$0x3FA9]  }
0x28: {  	s2 =	sld [smem:$0x3FAA]  }
0x29: {  	s4 =	sld [smem:$0x3FAC]  }
0x2a: {  	p0 =	seq.s32 s5, $0x0;
	s5 =	sld [smem:$0x3FAD]  }
0x2b: {  	s6 =	sld [smem:$0x3FAE]  }
0x2c: {  	s7 =	sld [smem:$0x3FAF]  }
0x2d: {  	s3 =	simm.s32 $0x108;
	s8 =	sld [smem:$0x3FB0]  }
0x2e: {  	s3 =	simm.s32 @!p0 $0x1082;
	s9 =	sld [smem:$0x3FB1]  }
0x2f: {  	lr =	sadd.s32 s0, s3;
	s0 =	sld [smem:$0x3FA8]  }
0x30: {  	s3 =	sld [smem:$0x3FAB]  }
0x31: {  	[smem:$0x3FB4] =	sst s10  }
0x32: {  	s10 =	sld [smem:$0x3FB2];
	_ =	sdelay $0x3  }
0x33: {  	p0 =	seq.s32 s10, $0x1;
	s10 =	sld [smem:$0x3FB4];
	_ =	sdelay $0x3  }
0x34: {  	[smem:$0x3FB4] =	sst s10  }
0x35: {  	s10 =	sld [smem:$0x3FB3];
	_ =	sdelay $0x3  }
0x36: {  	p1 =	seq.s32 s10, $0x1;
	s10 =	sld [smem:$0x3FB4];
	_ =	sdelay $0x3  }
0x37: {  	[smem:$0x3FB4] =	sst s10  }
0x38: {  	s10 =	sld [smem:$0x3FB5]  }
0x39: {  	_ = 	snop;
	(pc) =	sbr.ind lr, $3  }
0x3a: {  	_ = 	snop  }
0x3b: {  	_ = 	snop  }
0x3c: {  	p2 =	seq.s32 s10, $0x1;
	s10 =	sld [smem:$0x3FB4]  }
0x3d: {  	_ =	shalt  }
0x3e: {  	_ =	shalt  }
0x3f: {  	_ =	shalt  }
0x40: {  	_ =	shalt  }
0x41: {  	_ =	shalt  }
0x42: {  	_ =	shalt  }
0x43: {  	_ =	shalt  }
0x44: {  	_ =	shalt  }
0x45: {  	_ =	shalt  }
0x46: {  	_ =	shalt  }
0x47: {  	_ =	shalt  }
0x48: {  	_ =	shalt  }
0x49: {  	_ =	shalt  }
0x4a: {  	_ =	shalt  }
0x4b: {  	_ =	shalt  }
0x4c: {  	_ =	shalt  }
0x4d: {  	_ =	shalt  }
0x4e: {  	_ =	shalt  }
0x4f: {  	_ =	shalt  }
0x50: {  	_ =	shalt  }
0x51: {  	_ =	shalt  }
0x52: {  	_ =	shalt  }
0x53: {  	_ =	shalt  }
0x54: {  	_ =	shalt  }
0x55: {  	_ =	shalt  }
0x56: {  	_ =	shalt  }
0x57: {  	_ =	shalt  }
0x58: {  	_ =	shalt  }
0x59: {  	_ =	shalt  }
0x5a: {  	_ =	shalt  }
0x5b: {  	_ =	shalt  }
0x5c: {  	_ =	shalt  }
0x5d: {  	_ =	shalt  }
0x5e: {  	_ =	shalt  }
0x5f: {  	_ =	shalt  }
0x60: {  	_ =	shalt  }
0x61: {  	_ =	shalt  }
0x62: {  	_ =	shalt  }
0x63: {  	_ =	shalt  }
0x64: {  	_ =	shalt  }
0x65: {  	_ =	shalt  }
0x66: {  	_ =	shalt  }
0x67: {  	_ =	shalt  }
0x68: {  	_ =	shalt  }
0x69: {  	_ =	shalt  }
0x6a: {  	_ =	shalt  }
0x6b: {  	_ =	shalt  }
0x6c: {  	_ =	shalt  }
0x6d: {  	_ =	shalt  }
0x6e: {  	_ =	shalt  }
0x6f: {  	_ =	shalt  }
0x70: {  	_ =	shalt  }
0x71: {  	_ =	shalt  }
0x72: {  	_ =	shalt  }
0x73: {  	_ =	shalt  }
0x74: {  	_ =	shalt  }
0x75: {  	_ =	shalt  }
0x76: {  	_ =	shalt  }
0x77: {  	_ =	shalt  }
0x78: {  	_ =	shalt  }
0x79: {  	_ =	shalt  }
0x7a: {  	_ =	shalt  }
0x7b: {  	_ =	shalt  }
0x7c: {  	_ =	shalt  }
0x7d: {  	_ =	shalt  }
0x7e: {  	_ =	shalt  }
0x7f: {  	_ =	shalt  }
0x80: {  	_ =	shalt  }
0x81: {  	_ =	shalt  }
0x82: {  	_ =	shalt  }
0x83: {  	_ =	shalt  }
0x84: {  	_ =	shalt  }
0x85: {  	_ =	shalt  }
0x86: {  	_ =	shalt  }
0x87: {  	_ =	shalt  }
.Lfunc_end0:
.L_simem_size_0:
called_computation.3_lowered:
.L_overlay_start_0:
0x88: {  	s2 =	sld [smem:$0x3FD9]  }
0x89: {  	s3 =	sld [smem:$0x3FFE];
	_ =	sdelay $0x1  }
0x8a: {  	s1 =	srdreg.scid  }
0x8b: {  	s0 =	sand.u32 $0x1, s1  }
0x8c: {  	s17 =	sshll.u32 s0, $0xA;
	s2 =	sadd.s32 s3, s2  }
0x8d: {  	s2 =	sadd.s32 s2, s17  }
0x8e: {  	[smem:$0x3FC0] =	sst s2  }
0x8f: {  	_ = 	snop  }
0x90: {  	s2 =	sld [smem:$0x3FD0];
	(tm) =	ssettm $0x1  }
0x91: {  	s18 =	sld [smem:$0x3FFB];
	_ =	sdelay $0x3  }
0x92: {  	_ =	strace s18  }
0x93: {  	s3 =	sld [smem:$0x3FFC];
	_ =	sdelay $0x3  }
0x94: {  	_ =	strace s3  }
0x95: {  	s3 =	sld [smem:$0x3FFD];
	_ =	sdelay $0x3  }
0x96: {  	_ =	strace s3  }
0x97: {  	_ =	strace $0x8FFFFFFF  }
0x98: {  	s19 =	sld [smem:$0x3FDB];
	_ =	sdelay $0x1  }
0x99: {  	s4 =	simm.s32 $_scs_section_size  }
0x9a: {  	s5 =	simm.s32 $_size__tile_overlayer_lowered;
	s6 =	simm.s32 $_tile_overlayer_lowered  }
0x9b: {  	s22 =	simm.s32 $0x1BFF;
	s21 =	sshll.u32 s6, $0x1;
	s3 =	sadd.s32 s4, s19  }
0x9c: {  	s7 =	simm.s32 $0x0;
	s20 =	sshll.u32 s5, $0x1;
	s5 =	sadd.s32 s21, s3  }
0x9d: {  	[timem:s7], [sflag:s22] =	dma.local [hbm:s5], s20  }
0x9e: {  	_ =	swait.ge [sflag:s22], s20  }
0x9f: {  	s4 =	ssub.s32 $0x0, s20;
	[sflag:s22] =	ssyncset.done $0x0  }
0xa0: {  	[sflag:s22] =	ssyncadd.s32 s4;
	_ =	sdelay $0x1  }
0xa1: {  	s23 =	simm.s32 $0x1B8B  }
0xa2: {  	_ =	swait.ge [sflag:s23], $0x1  }
0xa3: {  	[sflag:s23] =	ssyncset.done $0x0  }
0xa4: {  	s25 =	simm.s32 $0x1B8E;
	s24 =	sld [smem:$0x3FFE];
	[sflag:s23] =	ssyncadd.s32 $0xFFFFFFFF  }
0xa5: {  	s26 =	simm.s32 $execute0_lowered;
	[smem:$0x3FD2] =	sst s25  }
0xa6: {  	s5 =	sshll.u32 s26, $0x1;
	_ =	strace $0x8000004F;
	[dreg:$0x1] =	wrdreg $0xFFFFFFFF  }
0xa7: {  	s28 =	simm.s32 $_size_execute0_lowered;
	s3 =	sadd.s32 s3, s5;
	[dreg:$0x0] =	wrdreg $0x0  }
0xa8: {  	s5 =	sshll.u32 s28, $0x1;
	[dreg:$0x2] =	wrdreg s3  }
0xa9: {  	[dreg:$0x3] =	wrdreg s5  }
0xaa: {  	[dreg:$0x4] =	wrdreg $0xC0  }
0xab: {  	_ =	task [dreg:s7], $0x5FFFF  }
0xac: {  	[dreg:$0x1] =	wrdreg $0xFFFFFFFF  }
0xad: {  	[dreg:$0x0] =	wrdreg $0x60  }
0xae: {  	[dreg:$0x2] =	wrdreg s2  }
0xaf: {  	[dreg:$0x3] =	wrdreg s24  }
0xb0: {  	[dreg:$0x4] =	wrdreg $0xA8000  }
0xb1: {  	[dreg:$0x5] =	wrdreg $0x9  }
0xb2: {  	_ =	task.clear_ibuf [dreg:s7], $0x6FFFF;
	_ =	strace $0x9000004F  }
0xb3: {  	s29 =	simm.s32 $0x9;
	_ =	strace $0x80000051  }
0xb4: {  	_ =	swait.ge [sflag:s29], $0x1  }
0xb5: {  	[sflag:s29] =	ssyncadd.s32 $0xFFFFFFFF  }
0xb6: {  	_ =	strace $0x90000051  }
0xb7: {  	_ =	sfence  }
0xb8: {  	s30 =	sld [smem:$0x0];
	_ =	sdelay $0x2  }
0xb9: {  	s31 =	sshll.u32 s1, $0xD;
	s1 =	sshrl.u32 s1, $0x2  }
0xba: {  	s3 =	sand.u32 $0x4000, s31;
	s1 =	sadd.s32 s1, s30  }
0xbb: {  	s0 =	sor.u32 s3, s0;
	s1 =	sshll.u32 s1, $0x11  }
0xbc: {  	s0 =	sor.u32 s1, s0  }
0xbd: {  	s0 =	sadd.s32 $0x8F2B, s0  }
0xbe: {  	[sflag:s0] =	ssyncadd.remote.s32 $0x1  }
0xbf: {  	_ =	sfence.sel $0xFFFF  }
0xc0: {  	[dreg:$0x0] =	wrdreg $0xFFFFFFFF;
	(pc) =	sbr.abs _section_cstart, $3  }
0xc1: {  	[dreg:$0x1] =	wrdreg $0xFFFFFFFF  }
0xc2: {  	_ =	task.clear_ibuf [dreg:s7], $0x2FFFF;
	_ =	strace $0x9FFFFFFF  }
0xc3: {  	(tm) =	ssettm $0x7FFFFFFF  }
tec
execute0_lowered:
.L_overlay_start_1:
0x0: {  	(tag) =	ssettag $0x1  }
0x1: {  	s1 =	rddreg [dreg:$0x0]  }
0x2: {  	s6 =	rddreg [dreg:$0x1]  }
0x3: {  	s2 =	rddreg [dreg:$0x2]  }
0x4: {  	s0 =	rddreg [dreg:$0x3];
	s4 =	simm.s32 $0x0  }
0x5: {  	s3 =	srdreg.scid;
	s17 =	simm.s32 $0x2800;
	s18 =	simm.s32 $0x80  }
0x6: {  	s19 =	simm.s32 $0x6800;
	s20 =	simm.s32 $0x1;
	s21 =	simm.s32 $0x2  }
0x7: {  	s22 =	simm.s32 $0x3;
	s23 =	simm.s32 $0x4;
	s24 =	simm.s32 $0x0  }
0x8: {  	[smem:$0x7FF] =	sst s4;
	s5 =	sand.u32 $0x1, s3;
	s3 =	stileid.u32  }
0x9: {  	s10 =	sadd.s32 $0xCA00, s6;
	s11 =	sadd.s32 $0x2A00, s6;
	s7 =	smul.u32 $0x140000, s5  }
0xa: {  	s8 =	sshll.u32 s5, $0x4;
	_ =	strace $0x80000050;
	s9 =	smul.u32 $0x14000, s3  }
0xb: {  	s28 =	ssub.s32 $0x2, s5;
	s13 =	smul.u32 $0x50000, s3;
	s8 =	sor.u32 s3, s8  }
0xc: {  	s5 =	sadd.s32 $0x16A00, s6;
	s31 =	sshll.u32 s3, $0x6;
	s12 =	smul.u32 $0x500, s8  }
0xd: {  	s14 =	sshrl.u32 s28, $0x1;
	s7 =	sadd.s32 s9, s7;
	s8 =	smul.u32 $0x2800, s8  }
0xe: {  	s14 =	ssub.s32 s28, s14;
	s29 =	sshrl.u32 s13, $0x2;
	s13 =	simm.s32 $0x1400  }
0xf: {  	s7 =	sshrl.u32 s7, $0x3;
	s16 =	sadd.s32 s29, s2;
	s8 =	sshrl.u32 s8, $0x3  }
0x10: {  	s15 =	sadd.s32 s7, s6;
	s6 =	sadd.s32 s10, s12;
	s30 =	sadd.s32 $0x280, s8  }
0x11: {  	s7 =	sadd.s32 s11, s12;
	s12 =	simm.s32 $0x5;
	s8 =	sadd.s32 s10, s30  }
0x12: {  	s9 =	sadd.s32 s11, s30;
	s10 =	sadd.s32 $0x19200, s15;
	s11 =	smax.u32 s14, $0x1  }
0x13: {  	s14 =	sor.u32 $0x1C05, s31;
	s15 =	sshrl.u32 s16, $0x3;
	s16 =	simm.s32 $0x7D  }
.LBB2_1:
0x14: {  	[tilespmem:s4], [sflag:$0x5] =	stream.linear.gather [hbm4b:s6+s4], $0x1400, $0x38;
	[tilespmem:$0x1E800] =	vst v63  }
0x15: {  	_ =	swait.ge [sflag:s12], $0x1400  }
0x16: {  	[sflag:s12] =	ssyncset.done $0x0  }
0x17: {  	[sflag:s12] =	ssyncadd.s32 $0xFFFFEC00  }
0x18: {  	[tilespmem:s13], [sflag:$0x5] =	stream.linear.gather [hbm4b:s7+s4], $0x1400, $0x38;
	[tilespmem:$0x1E800] =	vst v63  }
0x19: {  	_ =	swait.ge [sflag:s12], $0x1400  }
0x1a: {  	[sflag:s12] =	ssyncset.done $0x0  }
0x1b: {  	[sflag:s12] =	ssyncadd.s32 $0xFFFFEC00  }
0x1c: {  	[spmem:s15], [sflag:s14] =	dma.local [hbm:s5], $0x2800  }
0x1d: {  	_ =	swait.ge [sflag:s12], $0x2800  }
0x1e: {  	[sflag:s12] =	ssyncset.done $0x0  }
.Ltmp0:
0x1f: {  	[sflag:s12] =	ssyncadd.s32 $0xFFFFD800;
	(pc) =	sbr.rel .LBB2_2-.Ltmp0, $4  }
0x20: {  	[bflag:$0x0] =	sbarrier.arrive $0xFFFF  }
0x21: {  	[tilespmem:s17], [sflag:$0x1] =	stream.indirect.gather [hbm4b:s1+s16], $0x80, s4, s16, $0xb8;
	[tilespmem:$0x1E800] =	vst v63  }
0x22: {  	s25 =	simm.s32 $0xFFFFB000;
	s28 =	simm.s32 $0x0;
	s26 =	simm.s32 $0x0  }
0x23: {  	[tilespmem:s19], [sflag:$0x2] =	stream.indirect.gather [hbm4b:s1+s16], $0x80, s18, s16, $0xb8;
	[tilespmem:$0x1E800] =	vst v63  }
.LBB2_6:
0x24: {  	[tilespmem:s4], [sflag:$0x5] =	stream.linear.gather [hbm4b:s8+s4], $0x1400, $0x38;
	[tilespmem:$0x1E800] =	vst v63  }
0x25: {  	_ =	swait.ge [sflag:s12], $0x1400  }
0x26: {  	[sflag:s12] =	ssyncset.done $0x0  }
0x27: {  	[sflag:s12] =	ssyncadd.s32 $0xFFFFEC00  }
0x28: {  	[tilespmem:s13], [sflag:$0x5] =	stream.linear.gather [hbm4b:s9+s4], $0x1400, $0x38;
	[tilespmem:$0x1E800] =	vst v63  }
0x29: {  	_ =	swait.ge [sflag:s12], $0x1400  }
0x2a: {  	[sflag:s12] =	ssyncset.done $0x0  }
0x2b: {  	[sflag:s12] =	ssyncadd.s32 $0xFFFFEC00  }
.LBB2_7:
0x2c: {  	s29 =	sadd.s32 $0x2, s28  }
0x2d: {  	s28 =	sadd.s32 $0x3, s28;
	s30 =	sand.u32 $0xFF, s29  }
0x2e: {  	s31 =	sand.u32 $0xFF, s28;
	s30 =	smul.u32 $0xCD, s30  }
0x2f: {  	s31 =	smul.u32 $0xCD, s31  }
0x30: {  	s30 =	sshrl.u32 s30, $0xD  }
0x31: {  	s31 =	sshrl.u32 s31, $0xD;
	s30 =	smul.u32 $0x28, s30  }
0x32: {  	s31 =	smul.u32 $0x28, s31  }
0x33: {  	s30 =	ssub.s32 s29, s30  }
0x34: {  	s28 =	ssub.s32 s28, s31;
	s30 =	sand.u32 $0xFF, s30  }
0x35: {  	s28 =	sand.u32 $0xFF, s28;
	s30 =	sshll.u32 s30, $0x7  }
0x36: {  	[tilespmem:s17], [sflag:$0x1] =	stream.indirect.gather [hbm4b:s1+s16], $0x80, s30, s16, $0xb8;
	[tilespmem:$0x1E800] =	vst v63  }
0x37: {  	s28 =	sshll.u32 s28, $0x7  }
0x38: {  	[tilespmem:s19], [sflag:$0x2] =	stream.indirect.gather [hbm4b:s1+s16], $0x80, s28, s16, $0xb8;
	[tilespmem:$0x1E800] =	vst v63  }
0x39: {  	s26 =	sadd.s32 $0x1, s26;
	s25 =	sadd.s32 $0x400, s25;
	s28 =	smov.u32 s29  }
.LBB2_2:
0x3a: {  	p0 =	slt.u32 s26, $0x14;
	s29 =	sadd.s32 $0x5000, s25;
	s30 =	smov.u32 s25  }
0x3b: {  	_ =	swait.ge [sflag:s20], $0x3E80;
	s30 =	smov.u32 @p0 s29  }
0x3c: {  	[sflag:s20] =	ssyncset.done $0x0;
	s29 =	sshra.s32 s30, $0x2  }
0x3d: {  	[sflag:s20] =	ssyncadd.s32 $0xFFFFC180;
	s29 =	sadd.s32 $0x1400, s29  }
0x3e: {  	[spmem:s2] =	stream.indirect.scatter.add.f32 [tilespmem:s17], [sflag:$0x3], $0x80, s29, s16, $0xb8;
	[tilespmem:$0x1E800] =	vst v63  }
0x3f: {  	s30 =	sadd.s32 $0xFFFFFFD9, s28;
	s29 =	sadd.s32 $0x1, s28  }
0x40: {  	s30 =	smov.u32 @p0 s29  }
0x41: {  	_ =	swait.ge [sflag:s21], $0x3E80;
	s29 =	sshll.u32 s30, $0x7  }
0x42: {  	[sflag:s21] =	ssyncset.done $0x0;
	s29 =	sand.u32 $0x3FFFFF80, s29  }
0x43: {  	[sflag:s21] =	ssyncadd.s32 $0xFFFFC180;
	s29 =	sadd.s32 $0x1400, s29  }
0x44: {  	[spmem:s2] =	stream.indirect.scatter.add.f32 [tilespmem:s19], [sflag:$0x4], $0x80, s29, s16, $0xb8;
	[tilespmem:$0x1E800] =	vst v63  }
0x45: {  	p0 =	seq.s32 s26, $0x13;
	_ =	swait.ge [sflag:s22], $0x3E80  }
.Ltmp1:
0x46: {  	[sflag:s22] =	ssyncset.done $0x0;
	(pc) =	sbr.rel @p0 .LBB2_6-.Ltmp1, $4  }
0x47: {  	[sflag:s22] =	ssyncadd.s32 $0xFFFFC180  }
0x48: {  	_ =	swait.ge [sflag:s23], $0x3E80  }
0x49: {  	[sflag:s23] =	ssyncset.done $0x0  }
0x4a: {  	[sflag:s23] =	ssyncadd.s32 $0xFFFFC180  }
0x4b: {  	p0 =	seq.s32 s26, $0x27  }
.Ltmp2:
0x4c: {  	_ = 	snop;
	(pc) =	sbr.rel @!p0 .LBB2_7-.Ltmp2, $1  }
0x4d: {  	_ =	sdelay $0x3  }
0x4e: {  	s24 =	sadd.s32 $0x1, s24  }
0x4f: {  	p0 =	sne.s32 s24, s11  }
.Ltmp3:
0x50: {  	[bflag:$0x0] =	sbarrier.arrive $0xFFFF;
	(pc) =	sbr.rel @p0 .LBB2_1-.Ltmp3, $4  }
0x51: {  	[hbm:s10], [sflag:s14] =	dma.local [spmem:s15], $0x2800  }
0x52: {  	_ =	swait.ge [sflag:s12], $0x2800  }
0x53: {  	[sflag:s12] =	ssyncset.done $0x0  }
0x54: {  	[sflag:s12] =	ssyncadd.s32 $0xFFFFD800  }
0x55: {  	_ =	sfence.sel $0x180000  }
0x56: {  	[bflag:$0x0] =	sbarrier.arrive $0xFFFF  }
0x57: {  	p0 =	sne.s32 s3, $0x0;
	_ =	strace $0x90000050  }
0x58: {  	s0 =	sadd.s32 @!p0 $0x100000, s0;
	[bflag:$0x2] =	sbarrier.arrive $0xFFFF  }
0x59: {  	[sflag:s0] =	ssyncadd.tile.s32 @!p0 $0x1;
	_ =	shalt  }
.Lfunc_end2:
_tile_overlayer_lowered:
.L_overlay_start_2:
0x5a: {  	(tag) =	ssettag $0x2  }
0x5b: {  	s0 =	rddreg [dreg:$0x0];
	s2 =	stileid.u32  }
0x5c: {  	s1 =	rddreg [dreg:$0x1];
	p0 =	sne.s32 s2, $0x0  }
0x5d: {  	s3 =	rddreg [dreg:$0x2];
	[bflag:$0x3] =	sbarrier.arrive $0xFFFF;
	s2 =	simm.s32 @!p0 $0x1C05  }
0x5e: {  	[timem:s3], [sflag:s2] =	dma.local @!p0 [hbm:s0], s1  }
0x5f: {  	s0 =	simm.s32 @!p0 $0x5  }
0x60: {  	_ =	swait.ge @!p0 [sflag:s0], s1  }
0x61: {  	s1 =	ssub.s32 @!p0 $0x0, s1;
	[sflag:s0] =	ssyncset.done @!p0 $0x0  }
0x62: {  	[sflag:s0] =	ssyncadd.s32 @!p0 s1  }
0x63: {  	[bflag:$0x3] =	sbarrier.arrive $0xFFFF  }
0x64: {  	_ =	shalt  }

</sc_bundles>
